<compile_context>
chip_gen: v7x
topology: tpu7x:2x2x1
jax: 0.10.2.dev20260603
libtpu: 0.0.44.dev20260713+nightly
codegen_flags: <defaults>
</compile_context>

<pallas_src>
import jax
import jax.numpy as jnp
from jax import lax
from jax.experimental import pallas as pl
from jax.experimental.pallas import tpu as pltpu
from jax.experimental.pallas import tpu_sc as plsc

N = 10000
E = 320000
D = 128
R2 = 16
NC = 2
NS = 16
NW = NC * NS
EPW = E // NW
CH = 80
NSC = 5
SCE = EPW // NSC
NCH = SCE // CH
NB = 25
NBR = N // NB
RPT = 624

f32 = jnp.float32
i32 = jnp.int32

_SC_PARAMS = dict(
    compiler_params=pltpu.CompilerParams(needs_layout_passes=False))


def _k1a_body(ie_ref, ew_ref, de_ref, dw_ref, oute_ref, outd_ref):
    oute_ref[...] = jnp.dot(ie_ref[...], ew_ref[0], preferred_element_type=f32)
    outd_ref[...] = jnp.dot(de_ref[...], dw_ref[0], preferred_element_type=f32)


def _k1a(init_embed, enc_Wrel, dec_init_embed, dec_Wrel):
    return pl.pallas_call(
        _k1a_body,
        grid=(R2, NB),
        in_specs=[
            pl.BlockSpec((NBR, D), lambda r, n: (n, 0)),
            pl.BlockSpec((1, D, D), lambda r, n: (r, 0, 0)),
            pl.BlockSpec((NBR, D), lambda r, n: (n, 0)),
            pl.BlockSpec((1, D, D), lambda r, n: (r, 0, 0)),
        ],
        out_specs=[
            pl.BlockSpec((NBR, D), lambda r, n: (r * NB + n, 0)),
            pl.BlockSpec((NBR, D), lambda r, n: (r * NB + n, 0)),
        ],
        out_shape=[
            jax.ShapeDtypeStruct((R2 * N, D), f32),
            jax.ShapeDtypeStruct((R2 * N, D), f32),
        ],
    )(init_embed, enc_Wrel, dec_init_embed, dec_Wrel)


def _k1c_body(u0_ref, u1_ref, ir_ref, wr_ref, dir_ref, dwr_ref,
              gthr_ref, rdec_ref, renc_ref):
    g0 = -jnp.log(-jnp.log(u0_ref[...]))
    g1 = -jnp.log(-jnp.log(u1_ref[...]))
    gthr_ref[...] = g1 - g0
    renc_ref[...] = jnp.dot(ir_ref[...], wr_ref[...],
                            preferred_element_type=f32)
    rdec_ref[...] = jnp.dot(dir_ref[...], dwr_ref[...],
                            preferred_element_type=f32)


def _k1c(u0, u1, init_rel, w_rel, dec_init_rel, dec_w_rel):
    return pl.pallas_call(
        _k1c_body,
        out_shape=[
            jax.ShapeDtypeStruct((E // D, D), f32),
            jax.ShapeDtypeStruct((R2, D), f32),
            jax.ShapeDtypeStruct((R2, D), f32),
        ],
    )(u0, u1, init_rel, w_rel, dec_init_rel, dec_w_rel)


def _k3_body(p0_ref, p1_ref, ie_ref, wroot_ref, b_ref, x_ref):
    x_ref[...] = (p0_ref[...] + p1_ref[...] + b_ref[...]
                  + jnp.dot(ie_ref[...], wroot_ref[...],
                            preferred_element_type=f32))


def _k3(p0, p1, init_embed, enc_Wroot, enc_b):
    full = lambda shp: pl.BlockSpec(shp, lambda n: tuple(0 for _ in shp))
    return pl.pallas_call(
        _k3_body,
        grid=(NB,),
        in_specs=[
            pl.BlockSpec((NBR, D), lambda n: (n, 0)),
            pl.BlockSpec((NBR, D), lambda n: (n, 0)),
            pl.BlockSpec((NBR, D), lambda n: (n, 0)),
            full((D, D)),
            full((1, D)),
        ],
        out_specs=pl.BlockSpec((NBR, D), lambda n: (n, 0)),
        out_shape=jax.ShapeDtypeStruct((N, D), f32),
    )(p0, p1, init_embed, enc_Wroot, enc_b)


def _k5_body(p0_ref, p1_ref, de_ref, wroot_ref, b_ref, out_ref):
    out_ref[...] = (p0_ref[...] + p1_ref[...] + b_ref[...]
                    + jnp.dot(de_ref[...], wroot_ref[...],
                              preferred_element_type=f32))


def _k5(p0, p1, dec_init_embed, dec_Wroot, dec_b):
    full = lambda shp: pl.BlockSpec(shp, lambda n: tuple(0 for _ in shp))
    return pl.pallas_call(
        _k5_body,
        grid=(NB,),
        in_specs=[
            pl.BlockSpec((NBR, D), lambda n: (n, 0)),
            pl.BlockSpec((NBR, D), lambda n: (n, 0)),
            pl.BlockSpec((NBR, D), lambda n: (n, 0)),
            full((D, D)),
            full((1, D)),
        ],
        out_specs=pl.BlockSpec((NBR, D), lambda n: (n, 0)),
        out_shape=jax.ShapeDtypeStruct((N, D), f32),
    )(p0, p1, dec_init_embed, dec_Wroot, dec_b)


def _zero_rows(buf_ref):
    z = jnp.zeros((16,), f32)

    @pl.loop(0, CH)
    def _(r):
        for k in range(D // 16):
            buf_ref[r, pl.ds(k * 16, 16)] = z


def _zero_agg(agg_ref, zbuf_ref, s):
    base = s * RPT

    @pl.loop(0, 7)
    def _(t):
        pltpu.sync_copy(zbuf_ref, agg_ref.at[pl.ds(base + t * CH, CH)])

    pltpu.sync_copy(zbuf_ref.at[pl.ds(0, RPT - 7 * CH)],
                    agg_ref.at[pl.ds(base + 7 * CH, RPT - 7 * CH)])

    @pl.when(s == 0)
    def _():
        pltpu.sync_copy(zbuf_ref.at[pl.ds(0, N - NS * RPT)],
                        agg_ref.at[pl.ds(NS * RPT, N - NS * RPT)])


def _writeout_agg(agg_ref, out_hbm, cc, s):
    base = s * RPT
    pltpu.sync_copy(agg_ref.at[pl.ds(base, RPT)],
                    out_hbm.at[cc, pl.ds(base, RPT)])

    @pl.when(s == 0)
    def _():
        pltpu.sync_copy(agg_ref.at[pl.ds(NS * RPT, N - NS * RPT)],
                        out_hbm.at[cc, pl.ds(NS * RPT, N - NS * RPT)])


def _compute_fidx(t1, s1, f1):
    @pl.loop(0, SCE // 16)
    def _(i):
        f1[pl.ds(i * 16, 16)] = (t1[pl.ds(i * 16, 16)] * N
                                 + s1[pl.ds(i * 16, 16)])


def _conv_body(scale, xrel_hbm, src3f_hbm, typ3f_hbm, dst3_hbm, sc3f_hbm,
               out_hbm, s1, t1, f1, d2, scb, rowsa, rowsb, agg, sema, semb):
    cc = lax.axis_index("c")
    s = lax.axis_index("s")
    wid = cc * NS + s

    _zero_rows(rowsa)
    _zero_agg(agg, rowsa, s)
    plsc.subcore_barrier()

    def start_g(c, buf, sem):
        pltpu.async_copy(xrel_hbm.at[f1.at[pl.ds(c * CH, CH)]], buf, sem)

    def wait_g(buf, sem):
        pltpu.make_async_copy(xrel_hbm.at[f1.at[pl.ds(0, CH)]], buf,
                              sem).wait()

    def consume(c, buf):
        if scale:
            @pl.loop(0, CH)
            def _(e):
                ssp = plsc.load_gather(scb, [jnp.full((16,), c * CH + e,
                                                      i32)])
                for j in range(D // 16):
                    buf[e, pl.ds(j * 16, 16)] = (
                        buf[e, pl.ds(j * 16, 16)] * ssp)
        pltpu.sync_copy(buf, agg.at[d2.at[c]], add=True)

    @pl.loop(0, NSC)
    def _(u):
        pltpu.sync_copy(src3f_hbm.at[wid, u], s1)
        pltpu.sync_copy(typ3f_hbm.at[wid, u], t1)
        pltpu.sync_copy(dst3_hbm.at[wid, u], d2)
        if scale:
            pltpu.sync_copy(sc3f_hbm.at[wid, u], scb)
        _compute_fidx(t1, s1, f1)

        start_g(0, rowsa, sema)

        @pl.loop(0, (NCH - 1) // 2)
        def _(t):
            start_g(2 * t + 1, rowsb, semb)
            wait_g(rowsa, sema)
            consume(2 * t, rowsa)
            start_g(2 * t + 2, rowsa, sema)
            wait_g(rowsb, semb)
            consume(2 * t + 1, rowsb)

        wait_g(rowsa, sema)
        consume(NCH - 1, rowsa)

    plsc.subcore_barrier()
    _writeout_agg(agg, out_hbm, cc, s)


def _conv_sc(xrel, src3f, typ3f, dst3, sc3f, scale):
    mesh = plsc.VectorSubcoreMesh(core_axis_name="c", subcore_axis_name="s")

    def body(xrel_, src_, typ_, dst_, sc_, out_, s1, t1, f1, d2, scb, rowsa,
             rowsb, agg, sema, semb):
        _conv_body(scale, xrel_, src_, typ_, dst_, sc_, out_, s1, t1, f1,
                   d2, scb, rowsa, rowsb, agg, sema, semb)

    return pl.kernel(
        body,
        out_type=jax.ShapeDtypeStruct((NC, N, D), f32),
        mesh=mesh,
        scratch_types=[
            pltpu.VMEM((SCE,), i32),
            pltpu.VMEM((SCE,), i32),
            pltpu.VMEM((SCE,), i32),
            pltpu.VMEM((NCH, CH), i32),
            pltpu.VMEM((SCE,), f32),
            pltpu.VMEM((CH, D), f32),
            pltpu.VMEM((CH, D), f32),
            pltpu.VMEM_SHARED((N, D), f32),
            pltpu.SemaphoreType.DMA,
            pltpu.SemaphoreType.DMA,
        ],
        **_SC_PARAMS,
    )(xrel, src3f, typ3f, dst3, sc3f)


def _k4g_body(x_hbm, r_hbm, src3f_hbm, dst3f_hbm, typ3f_hbm,
              hs_hbm, ht_hbm, hr_hbm,
              s1, d1, t1, asr, acr, bsr, bcr, hra, hrb, rbv,
              sa1, sa2, sb1, sb2):
    cc = lax.axis_index("c")
    s = lax.axis_index("s")
    wid = cc * NS + s
    iota = lax.iota(i32, 16)

    pltpu.sync_copy(r_hbm, rbv)

    def start_g(c, idx, buf, sem):
        pltpu.async_copy(x_hbm.at[idx.at[pl.ds(c * CH, CH)]], buf, sem)

    def wait_g(buf, sem):
        pltpu.make_async_copy(x_hbm.at[s1.at[pl.ds(0, CH)]], buf, sem).wait()

    @pl.loop(0, NSC)
    def _(u):
        pltpu.sync_copy(src3f_hbm.at[wid, u], s1)
        pltpu.sync_copy(dst3f_hbm.at[wid, u], d1)
        pltpu.sync_copy(typ3f_hbm.at[wid, u], t1)
        base = wid * EPW + u * SCE

        def start2(c, b1_, b2_, m1, m2):
            start_g(c, s1, b1_, m1)
            start_g(c, d1, b2_, m2)

        def build_hr(c, hbuf):
            @pl.loop(0, CH)
            def _(e):
                tsp = plsc.load_gather(t1, [jnp.full((16,), c * CH + e, i32)])
                for j in range(D // 16):
                    col = j * 16 + iota
                    hbuf[e, pl.ds(j * 16, 16)] = plsc.load_gather(
                        rbv, [tsp, col])

        def finish2(c, b1_, b2_, hbuf, m1, m2):
            wait_g(b1_, m1)
            wait_g(b2_, m2)
            pltpu.sync_copy(b1_, hs_hbm.at[pl.ds(base + c * CH, CH)])
            pltpu.sync_copy(b2_, ht_hbm.at[pl.ds(base + c * CH, CH)])
            pltpu.sync_copy(hbuf, hr_hbm.at[pl.ds(base + c * CH, CH)])

        start2(0, asr, acr, sa1, sa2)

        @pl.loop(0, (NCH - 1) // 2)
        def _(t):
            start2(2 * t + 1, bsr, bcr, sb1, sb2)
            build_hr(2 * t, hra)
            finish2(2 * t, asr, acr, hra, sa1, sa2)
            start2(2 * t + 2, asr, acr, sa1, sa2)
            build_hr(2 * t + 1, hrb)
            finish2(2 * t + 1, bsr, bcr, hrb, sb1, sb2)

        build_hr(NCH - 1, hra)
        finish2(NCH - 1, asr, acr, hra, sa1, sa2)


def _k4g(x, r_enc, src3f, dst3f, typ3f):
    mesh = plsc.VectorSubcoreMesh(core_axis_name="c", subcore_axis_name="s")
    return pl.kernel(
        _k4g_body,
        out_type=[
            jax.ShapeDtypeStruct((E, D), f32),
            jax.ShapeDtypeStruct((E, D), f32),
            jax.ShapeDtypeStruct((E, D), f32),
        ],
        mesh=mesh,
        scratch_types=[
            pltpu.VMEM((SCE,), i32),
            pltpu.VMEM((SCE,), i32),
            pltpu.VMEM((SCE,), i32),
            pltpu.VMEM((CH, D), f32),
            pltpu.VMEM((CH, D), f32),
            pltpu.VMEM((CH, D), f32),
            pltpu.VMEM((CH, D), f32),
            pltpu.VMEM((CH, D), f32),
            pltpu.VMEM((CH, D), f32),
            pltpu.VMEM((R2, D), f32),
            pltpu.SemaphoreType.DMA,
            pltpu.SemaphoreType.DMA,
            pltpu.SemaphoreType.DMA,
            pltpu.SemaphoreType.DMA,
        ],
        **_SC_PARAMS,
    )(x, r_enc, src3f, dst3f, typ3f)


EB = 3200
NEB = E // EB
EBR = EB // D


def _k4m_body(hs_ref, ht_ref, hr_ref, gthr_ref, w0t_ref, b0_ref,
              w1t_ref, b1_ref, score_ref, gsm_ref):
    h = jnp.concatenate([hs_ref[...], hr_ref[...], ht_ref[...]], axis=1)
    nrm = jnp.sqrt(jnp.sum(h * h, axis=1, keepdims=True))
    h = h / jnp.maximum(nrm, 1e-12)
    h2 = jax.nn.relu(jnp.dot(h, w0t_ref[...]) + b0_ref[...])
    z = jnp.dot(h2, w1t_ref[...]) + b1_ref[...]
    sc = jax.nn.sigmoid(z).reshape(1, EBR, D)
    score_ref[...] = sc
    gsm_ref[...] = jnp.where(2.0 * sc - 1.0 >= gthr_ref[...], 1.0, 0.0)


def _k4m(hs, ht, hr, gthr, w0t, b0, w1t, b1):
    full = lambda shp: pl.BlockSpec(shp, lambda n: tuple(0 for _ in shp))
    return pl.pallas_call(
        _k4m_body,
        grid=(NEB,),
        in_specs=[
            pl.BlockSpec((EB, D), lambda n: (n, 0)),
            pl.BlockSpec((EB, D), lambda n: (n, 0)),
            pl.BlockSpec((EB, D), lambda n: (n, 0)),
            pl.BlockSpec((1, EBR, D), lambda n: (n, 0, 0)),
            full((3 * D, D)),
            full((1, D)),
            full((D, 1)),
            full((1, 1)),
        ],
        out_specs=[
            pl.BlockSpec((1, EBR, D), lambda n: (n, 0, 0)),
            pl.BlockSpec((1, EBR, D), lambda n: (n, 0, 0)),
        ],
        out_shape=[
            jax.ShapeDtypeStruct((NEB, EBR, D), f32),
            jax.ShapeDtypeStruct((NEB, EBR, D), f32),
        ],
    )(hs, ht, hr, gthr.reshape(NEB, EBR, D), w0t, b0, w1t, b1)


def kernel(edge_index, edge_type, init_embed, init_rel, w_rel, enc_Wrel,
           enc_Wroot, enc_b, lin0_w, lin0_b, lin1_w, lin1_b, dec_init_embed,
           dec_init_rel, dec_w_rel, dec_Wrel, dec_Wroot, dec_b):
    src3f = edge_index[0].reshape(NW, NSC, SCE)
    dst3f = edge_index[1].reshape(NW, NSC, SCE)
    typ3f = edge_type.reshape(NW, NSC, SCE)
    dst3 = edge_index[1].reshape(NW, NSC, NCH, CH)

    u = jax.random.uniform(jax.random.key(12345), (2, E, 1),
                           minval=1e-6, maxval=1.0 - 1e-6)
    u0 = u[0, :, 0].reshape(E // D, D)
    u1 = u[1, :, 0].reshape(E // D, D)

    xrel_enc, xrel_dec = _k1a(init_embed, enc_Wrel, dec_init_embed, dec_Wrel)
    gthr, r_, r_enc = _k1c(u0, u1, init_rel, w_rel, dec_init_rel, dec_w_rel)

    dummy_sc = jnp.zeros((8,), f32)
    parts_e = _conv_sc(xrel_enc, src3f, typ3f, dst3, dummy_sc, scale=False)
    x = _k3(parts_e[0], parts_e[1], init_embed, enc_Wroot,
            enc_b.reshape(1, D))

    hs, ht, hr = _k4g(x, r_enc, src3f, dst3f, typ3f)
    score2, gsm2 = _k4m(hs, ht, hr, gthr,
                        lin0_w.T, lin0_b.reshape(1, D), lin1_w.T,
                        lin1_b.reshape(1, 1))
    score3f = score2.reshape(NW, NSC, SCE)

    parts_d = _conv_sc(xrel_dec, src3f, typ3f, dst3, score3f, scale=True)

    x_ = _k5(parts_d[0], parts_d[1], dec_init_embed, dec_Wroot,
             dec_b.reshape(1, D))

    return (x_, r_, gsm2.reshape(E, 1), score2.reshape(E, 1))

# --- scband reference (transcript-rebuilt; emitter-appended) ---
"""Pipeline reference for scband-rgcnaemodel-72292889526584 (READ-ONLY COPY).

The authoritative reference and input builder live on the scoring server;
editing this copy changes nothing except your own understanding.
"""

import jax, jax.numpy as jnp
import numpy as np

N = 10000
E = 320000
D = 128
NUM_REL = 8
R2 = 2 * NUM_REL


def _param(key, shape, scale=0.05):
    return jax.random.normal(key, shape, dtype=jnp.float32) * scale


def setup_inputs(seed: int = 0):
    key = jax.random.key(seed)
    ks = jax.random.split(key, 20)
    return {
        "edge_index": jax.random.randint(ks[0], (2, E), 0, N, dtype=jnp.int32),
        "edge_type": jax.random.randint(ks[1], (E,), 0, R2, dtype=jnp.int32),
        "init_embed": _param(ks[2], (N, D)),
        "init_rel": _param(ks[3], (R2, D)),
        "w_rel": _param(ks[4], (D, D)),
        "enc_Wrel": _param(ks[5], (R2, D, D)),
        "enc_Wroot": _param(ks[6], (D, D)),
        "enc_b": jnp.zeros((D,), dtype=jnp.float32),
        "lin0_w": _param(ks[7], (D, 3 * D)),
        "lin0_b": jnp.ones((D,), dtype=jnp.float32),
        "lin1_w": _param(ks[8], (1, D)),
        "lin1_b": jnp.ones((1,), dtype=jnp.float32),
        "dec_init_embed": _param(ks[9], (N, D)),
        "dec_init_rel": _param(ks[10], (R2, D)),
        "dec_w_rel": _param(ks[11], (D, D)),
        "dec_Wrel": _param(ks[12], (R2, D, D)),
        "dec_Wroot": _param(ks[13], (D, D)),
        "dec_b": jnp.zeros((D,), dtype=jnp.float32),
    }


def _rgcn_conv(x, edge_index, edge_type, edge_norm, Wrel, Wroot, b):
    # Relation-specific message passing: m_e = (x[src_e] @ W[rel_e]) * edge_norm_e,
    # aggregated by scatter-add at dst, plus root transform and bias. act=None (gcn_layer==1).
    src = edge_index[0]
    dst = edge_index[1]
    x_rel = jnp.einsum('nd,rde->rne', x, Wrel)  # [R2, N, D]
    msg = x_rel[edge_type, src]                  # gather [E, D]
    if edge_norm is not None:
        msg = msg * edge_norm
    agg = jax.ops.segment_sum(msg, dst, num_segments=x.shape[0])
    return agg + x @ Wroot + b


def _mlp_score(h, r, t, lin0_w, lin0_b, lin1_w, lin1_b):
    h_ = jnp.concatenate([h, r, t], axis=1)
    nrm = jnp.linalg.norm(h_, axis=1, keepdims=True)
    h_ = h_ / jnp.maximum(nrm, 1e-12)  # F.normalize
    h_ = jax.nn.relu(h_ @ lin0_w.T + lin0_b)
    score = h_ @ lin1_w.T + lin1_b
    return jax.nn.sigmoid(score)


def _gumbel_softmax_hard(pi_pos, tau=0.1):
    key = jax.random.key(12345)
    pi = jnp.stack([pi_pos, 1.0 - pi_pos], axis=0)  # [2, E, 1]
    u = jax.random.uniform(key, pi.shape, minval=1e-6, maxval=1.0 - 1e-6)
    g = -jnp.log(-jnp.log(u))
    y = jax.nn.softmax((pi + g) / tau, axis=0)
    idx = jnp.argmax(y, axis=0)
    y_hard = jax.nn.one_hot(idx, 2, axis=0, dtype=y.dtype)
    out = y_hard + y - jax.lax.stop_gradient(y)  # straight-through hard gumbel
    return out[0]


def reference(edge_index, edge_type, init_embed, init_rel, w_rel, enc_Wrel, enc_Wroot, enc_b,
              lin0_w, lin0_b, lin1_w, lin1_b, dec_init_embed, dec_init_rel, dec_w_rel,
              dec_Wrel, dec_Wroot, dec_b):
    # Encoder RGCNModel (gcn_layer=1, act=None, dropout inactive at eval, hid_drop=0.0)
    x = _rgcn_conv(init_embed, edge_index, edge_type, None, enc_Wrel, enc_Wroot, enc_b)
    r = init_rel @ w_rel
    src = edge_index[0]
    dst = edge_index[1]
    score = _mlp_score(x[src], r[edge_type], x[dst], lin0_w, lin0_b, lin1_w, lin1_b)
    gsm_score = _gumbel_softmax_hard(score)
    edge_norm = score  # p.no_gumbel = True -> decoder uses raw scores
    # Decoder RGCNModel with per-edge norm
    x_ = _rgcn_conv(dec_init_embed, edge_index, edge_type, edge_norm, dec_Wrel, dec_Wroot, dec_b)
    r_ = dec_init_rel @ dec_w_rel
    return (x_, r_, gsm_score, score)

if __name__ == "__main__":
    import jax
    _d = setup_inputs()
    print(jax.jit(kernel)(*tuple(_d.values())))

</pallas_src>

<mosaic_0001>
#map = affine_map<(d0, d1) -> (0, 0)>
#map1 = affine_map<(d0, d1) -> (0, 0, 0)>
module attributes {stable_mosaic.version = 14 : i64} {
  func.func @_k4g_body(%arg0: i32, %arg1: i32, %arg2: memref<10000x128xf32, #tpu.memory_space<hbm>>, %arg3: memref<16x128xf32, #tpu.memory_space<hbm>>, %arg4: memref<32x5x2000xi32, #tpu.memory_space<hbm>>, %arg5: memref<32x5x2000xi32, #tpu.memory_space<hbm>>, %arg6: memref<32x5x2000xi32, #tpu.memory_space<hbm>>, %arg7: memref<320000x128xf32, #tpu.memory_space<hbm>>, %arg8: memref<320000x128xf32, #tpu.memory_space<hbm>>, %arg9: memref<320000x128xf32, #tpu.memory_space<hbm>>, %arg10: memref<2000xi32, #tpu.memory_space<vmem>>, %arg11: memref<2000xi32, #tpu.memory_space<vmem>>, %arg12: memref<2000xi32, #tpu.memory_space<vmem>>, %arg13: memref<80x128xf32, #tpu.memory_space<vmem>>, %arg14: memref<80x128xf32, #tpu.memory_space<vmem>>, %arg15: memref<80x128xf32, #tpu.memory_space<vmem>>, %arg16: memref<80x128xf32, #tpu.memory_space<vmem>>, %arg17: memref<80x128xf32, #tpu.memory_space<vmem>>, %arg18: memref<80x128xf32, #tpu.memory_space<vmem>>, %arg19: memref<16x128xf32, #tpu.memory_space<vmem>>, %arg20: memref<!tpu.dma_semaphore, #tpu.memory_space<semaphore_mem>>, %arg21: memref<!tpu.dma_semaphore, #tpu.memory_space<semaphore_mem>>, %arg22: memref<!tpu.dma_semaphore, #tpu.memory_space<semaphore_mem>>, %arg23: memref<!tpu.dma_semaphore, #tpu.memory_space<semaphore_mem>>) attributes {dimension_semantics = [#tpu.dimension_semantics<core_parallel>, #tpu.dimension_semantics<subcore_parallel>], iteration_bounds = array<i64: 2, 16>, scalar_prefetch = 0 : i64, scratch_operands = 14 : i64, tpu.core_type = #tpu.core_type<sc_vector_subcore>, window_params = [{transform_indices = #map}, {transform_indices = #map}, {transform_indices = #map1}, {transform_indices = #map1}, {transform_indices = #map1}, {transform_indices = #map}, {transform_indices = #map}, {transform_indices = #map}]} {
    %mul3A = arith.constant 16 : i32
    %mul3A_0 = arith.muli %arg0, %mul3A : i32
    %add3A = arith.addi %mul3A_0, %arg1 : i32
    %iota3A = tpu.iota {dimensions = array<i32: 0>} : vector<16xi32>
    "tpu.region"() ({
      %run_scoped3A = tpu.sem_alloc : memref<!tpu.dma_semaphore, #tpu.memory_space<semaphore_mem>>
      tpu.enqueue_dma source(%arg3 : memref<16x128xf32, #tpu.memory_space<hbm>>) target(%arg19 : memref<16x128xf32, #tpu.memory_space<vmem>>) target_semaphore(%run_scoped3A : memref<!tpu.dma_semaphore, #tpu.memory_space<semaphore_mem>>)
      tpu.wait_dma2 semaphore(%run_scoped3A : memref<!tpu.dma_semaphore, #tpu.memory_space<semaphore_mem>>) src(%arg3 : memref<16x128xf32, #tpu.memory_space<hbm>>) dst(%arg19 : memref<16x128xf32, #tpu.memory_space<vmem>>)
      tpu.yield
    }) : () -> ()
    %scan3A = arith.constant 0 : i32
    %scan3A_1 = arith.constant 5 : i32
    %scan3A_2 = arith.addi %scan3A, %scan3A_1 : i32
    %scan3A_3 = arith.constant 1 : i32
    scf.for %scan3A_5 = %scan3A to %scan3A_2 step %scan3A_3  : i32 {
      %mul3A_6 = arith.constant 1 : i32
      %mul3A_7 = arith.muli %scan3A_5, %mul3A_6 : i32
      %add3A_8 = arith.constant 0 : i32
      %add3A_9 = arith.addi %add3A_8, %mul3A_7 : i32
      "tpu.region"() ({
        %run_scoped3A = tpu.sem_alloc : memref<!tpu.dma_semaphore, #tpu.memory_space<semaphore_mem>>
        %dma_start3A_49 = arith.constant 0 : i32
        %dma_start3A_50 = tpu.memref_slice %arg4[%add3A, %add3A_9, %dma_start3A_49] : memref<32x5x2000xi32, #tpu.memory_space<hbm>> -> memref<1x1x2000xi32, #tpu.memory_space<hbm>>
        %dma_start3A_51 = tpu.memref_squeeze %dma_start3A_50 : memref<1x1x2000xi32, #tpu.memory_space<hbm>> -> memref<2000xi32, #tpu.memory_space<hbm>>
        %dma_start3A_52 = arith.constant 0 : i32
        %dma_start3A_53 = tpu.memref_slice %arg4[%add3A, %add3A_9, %dma_start3A_52] : memref<32x5x2000xi32, #tpu.memory_space<hbm>> -> memref<1x1x2000xi32, #tpu.memory_space<hbm>>
        %dma_start3A_54 = tpu.memref_squeeze %dma_start3A_53 : memref<1x1x2000xi32, #tpu.memory_space<hbm>> -> memref<2000xi32, #tpu.memory_space<hbm>>
        tpu.enqueue_dma source(%dma_start3A_54 : memref<2000xi32, #tpu.memory_space<hbm>>) target(%arg10 : memref<2000xi32, #tpu.memory_space<vmem>>) target_semaphore(%run_scoped3A : memref<!tpu.dma_semaphore, #tpu.memory_space<semaphore_mem>>)
        %dma_wait3A_55 = arith.constant 0 : i32
        %dma_wait3A_56 = tpu.memref_slice %arg4[%add3A, %add3A_9, %dma_wait3A_55] : memref<32x5x2000xi32, #tpu.memory_space<hbm>> -> memref<1x1x2000xi32, #tpu.memory_space<hbm>>
        %dma_wait3A_57 = tpu.memref_squeeze %dma_wait3A_56 : memref<1x1x2000xi32, #tpu.memory_space<hbm>> -> memref<2000xi32, #tpu.memory_space<hbm>>
        %dma_wait3A_58 = arith.constant 0 : i32
        %dma_wait3A_59 = tpu.memref_slice %arg4[%add3A, %add3A_9, %dma_wait3A_58] : memref<32x5x2000xi32, #tpu.memory_space<hbm>> -> memref<1x1x2000xi32, #tpu.memory_space<hbm>>
        %dma_wait3A_60 = tpu.memref_squeeze %dma_wait3A_59 : memref<1x1x2000xi32, #tpu.memory_space<hbm>> -> memref<2000xi32, #tpu.memory_space<hbm>>
        tpu.wait_dma2 semaphore(%run_scoped3A : memref<!tpu.dma_semaphore, #tpu.memory_space<semaphore_mem>>) src(%dma_wait3A_60 : memref<2000xi32, #tpu.memory_space<hbm>>) dst(%arg10 : memref<2000xi32, #tpu.memory_space<vmem>>)
        tpu.yield
      }) : () -> ()
      "tpu.region"() ({
        %run_scoped3A = tpu.sem_alloc : memref<!tpu.dma_semaphore, #tpu.memory_space<semaphore_mem>>
        %dma_start3A_49 = arith.constant 0 : i32
        %dma_start3A_50 = tpu.memref_slice %arg5[%add3A, %add3A_9, %dma_start3A_49] : memref<32x5x2000xi32, #tpu.memory_space<hbm>> -> memref<1x1x2000xi32, #tpu.memory_space<hbm>>
        %dma_start3A_51 = tpu.memref_squeeze %dma_start3A_50 : memref<1x1x2000xi32, #tpu.memory_space<hbm>> -> memref<2000xi32, #tpu.memory_space<hbm>>
        %dma_start3A_52 = arith.constant 0 : i32
        %dma_start3A_53 = tpu.memref_slice %arg5[%add3A, %add3A_9, %dma_start3A_52] : memref<32x5x2000xi32, #tpu.memory_space<hbm>> -> memref<1x1x2000xi32, #tpu.memory_space<hbm>>
        %dma_start3A_54 = tpu.memref_squeeze %dma_start3A_53 : memref<1x1x2000xi32, #tpu.memory_space<hbm>> -> memref<2000xi32, #tpu.memory_space<hbm>>
        tpu.enqueue_dma source(%dma_start3A_54 : memref<2000xi32, #tpu.memory_space<hbm>>) target(%arg11 : memref<2000xi32, #tpu.memory_space<vmem>>) target_semaphore(%run_scoped3A : memref<!tpu.dma_semaphore, #tpu.memory_space<semaphore_mem>>)
        %dma_wait3A_55 = arith.constant 0 : i32
        %dma_wait3A_56 = tpu.memref_slice %arg5[%add3A, %add3A_9, %dma_wait3A_55] : memref<32x5x2000xi32, #tpu.memory_space<hbm>> -> memref<1x1x2000xi32, #tpu.memory_space<hbm>>
        %dma_wait3A_57 = tpu.memref_squeeze %dma_wait3A_56 : memref<1x1x2000xi32, #tpu.memory_space<hbm>> -> memref<2000xi32, #tpu.memory_space<hbm>>
        %dma_wait3A_58 = arith.constant 0 : i32
        %dma_wait3A_59 = tpu.memref_slice %arg5[%add3A, %add3A_9, %dma_wait3A_58] : memref<32x5x2000xi32, #tpu.memory_space<hbm>> -> memref<1x1x2000xi32, #tpu.memory_space<hbm>>
        %dma_wait3A_60 = tpu.memref_squeeze %dma_wait3A_59 : memref<1x1x2000xi32, #tpu.memory_space<hbm>> -> memref<2000xi32, #tpu.memory_space<hbm>>
        tpu.wait_dma2 semaphore(%run_scoped3A : memref<!tpu.dma_semaphore, #tpu.memory_space<semaphore_mem>>) src(%dma_wait3A_60 : memref<2000xi32, #tpu.memory_space<hbm>>) dst(%arg11 : memref<2000xi32, #tpu.memory_space<vmem>>)
        tpu.yield
      }) : () -> ()
      "tpu.region"() ({
        %run_scoped3A = tpu.sem_alloc : memref<!tpu.dma_semaphore, #tpu.memory_space<semaphore_mem>>
        %dma_start3A_49 = arith.constant 0 : i32
        %dma_start3A_50 = tpu.memref_slice %arg6[%add3A, %add3A_9, %dma_start3A_49] : memref<32x5x2000xi32, #tpu.memory_space<hbm>> -> memref<1x1x2000xi32, #tpu.memory_space<hbm>>
        %dma_start3A_51 = tpu.memref_squeeze %dma_start3A_50 : memref<1x1x2000xi32, #tpu.memory_space<hbm>> -> memref<2000xi32, #tpu.memory_space<hbm>>
        %dma_start3A_52 = arith.constant 0 : i32
        %dma_start3A_53 = tpu.memref_slice %arg6[%add3A, %add3A_9, %dma_start3A_52] : memref<32x5x2000xi32, #tpu.memory_space<hbm>> -> memref<1x1x2000xi32, #tpu.memory_space<hbm>>
        %dma_start3A_54 = tpu.memref_squeeze %dma_start3A_53 : memref<1x1x2000xi32, #tpu.memory_space<hbm>> -> memref<2000xi32, #tpu.memory_space<hbm>>
        tpu.enqueue_dma source(%dma_start3A_54 : memref<2000xi32, #tpu.memory_space<hbm>>) target(%arg12 : memref<2000xi32, #tpu.memory_space<vmem>>) target_semaphore(%run_scoped3A : memref<!tpu.dma_semaphore, #tpu.memory_space<semaphore_mem>>)
        %dma_wait3A_55 = arith.constant 0 : i32
        %dma_wait3A_56 = tpu.memref_slice %arg6[%add3A, %add3A_9, %dma_wait3A_55] : memref<32x5x2000xi32, #tpu.memory_space<hbm>> -> memref<1x1x2000xi32, #tpu.memory_space<hbm>>
        %dma_wait3A_57 = tpu.memref_squeeze %dma_wait3A_56 : memref<1x1x2000xi32, #tpu.memory_space<hbm>> -> memref<2000xi32, #tpu.memory_space<hbm>>
        %dma_wait3A_58 = arith.constant 0 : i32
        %dma_wait3A_59 = tpu.memref_slice %arg6[%add3A, %add3A_9, %dma_wait3A_58] : memref<32x5x2000xi32, #tpu.memory_space<hbm>> -> memref<1x1x2000xi32, #tpu.memory_space<hbm>>
        %dma_wait3A_60 = tpu.memref_squeeze %dma_wait3A_59 : memref<1x1x2000xi32, #tpu.memory_space<hbm>> -> memref<2000xi32, #tpu.memory_space<hbm>>
        tpu.wait_dma2 semaphore(%run_scoped3A : memref<!tpu.dma_semaphore, #tpu.memory_space<semaphore_mem>>) src(%dma_wait3A_60 : memref<2000xi32, #tpu.memory_space<hbm>>) dst(%arg12 : memref<2000xi32, #tpu.memory_space<vmem>>)
        tpu.yield
      }) : () -> ()
      %mul3A_10 = arith.constant 10000 : i32
      %mul3A_11 = arith.muli %add3A, %mul3A_10 : i32
      %mul3A_12 = arith.constant 2000 : i32
      %mul3A_13 = arith.muli %add3A_9, %mul3A_12 : i32
      %add3A_14 = arith.addi %mul3A_11, %mul3A_13 : i32
      %dma_start3A = arith.constant 0 : i32
      %dma_start3A_15 = tpu.memref_slice %arg10[%dma_start3A] : memref<2000xi32, #tpu.memory_space<vmem>> -> memref<80xi32, #tpu.memory_space<vmem>>
      %dma_start3A_16 = arith.constant 0 : i32
      %dma_start3A_17 = arith.constant 0 : i32
      %dma_start3A_18 = tpu.memref_slice %arg2[%dma_start3A_16, %dma_start3A_17] : memref<10000x128xf32, #tpu.memory_space<hbm>> -> memref<10000x128xf32, #tpu.memory_space<hbm>>
      tpu.enqueue_indirect_dma source(%dma_start3A_18 : memref<10000x128xf32, #tpu.memory_space<hbm>>) target(%arg13 : memref<80x128xf32, #tpu.memory_space<vmem>>) offsets(%dma_start3A_15 : memref<80xi32, #tpu.memory_space<vmem>>) semaphore(%arg20 : memref<!tpu.dma_semaphore, #tpu.memory_space<semaphore_mem>>)
      %dma_start3A_19 = arith.constant 0 : i32
      %dma_start3A_20 = tpu.memref_slice %arg11[%dma_start3A_19] : memref<2000xi32, #tpu.memory_space<vmem>> -> memref<80xi32, #tpu.memory_space<vmem>>
      %dma_start3A_21 = arith.constant 0 : i32
      %dma_start3A_22 = arith.constant 0 : i32
      %dma_start3A_23 = tpu.memref_slice %arg2[%dma_start3A_21, %dma_start3A_22] : memref<10000x128xf32, #tpu.memory_space<hbm>> -> memref<10000x128xf32, #tpu.memory_space<hbm>>
      tpu.enqueue_indirect_dma source(%dma_start3A_23 : memref<10000x128xf32, #tpu.memory_space<hbm>>) target(%arg14 : memref<80x128xf32, #tpu.memory_space<vmem>>) offsets(%dma_start3A_20 : memref<80xi32, #tpu.memory_space<vmem>>) semaphore(%arg21 : memref<!tpu.dma_semaphore, #tpu.memory_space<semaphore_mem>>)
      %scan3A_24 = arith.constant 0 : i32
      %scan3A_25 = arith.constant 12 : i32
      %scan3A_26 = arith.addi %scan3A_24, %scan3A_25 : i32
      %scan3A_27 = arith.constant 1 : i32
      scf.for %scan3A_49 = %scan3A_24 to %scan3A_26 step %scan3A_27  : i32 {
        %mul3A_50 = arith.constant 1 : i32
        %mul3A_51 = arith.muli %scan3A_49, %mul3A_50 : i32
        %add3A_52 = arith.constant 0 : i32
        %add3A_53 = arith.addi %add3A_52, %mul3A_51 : i32
        %mul3A_54 = arith.constant 2 : i32
        %mul3A_55 = arith.muli %mul3A_54, %add3A_53 : i32
        %add3A_56 = arith.constant 1 : i32
        %add3A_57 = arith.addi %mul3A_55, %add3A_56 : i32
        %mul3A_58 = arith.constant 80 : i32
        %mul3A_59 = arith.muli %add3A_57, %mul3A_58 : i32
        %dma_start3A_60 = tpu.memref_slice %arg10[%mul3A_59] : memref<2000xi32, #tpu.memory_space<vmem>> -> memref<80xi32, #tpu.memory_space<vmem>>
        %dma_start3A_61 = arith.constant 0 : i32
        %dma_start3A_62 = arith.constant 0 : i32
        %dma_start3A_63 = tpu.memref_slice %arg2[%dma_start3A_61, %dma_start3A_62] : memref<10000x128xf32, #tpu.memory_space<hbm>> -> memref<10000x128xf32, #tpu.memory_space<hbm>>
        tpu.enqueue_indirect_dma source(%dma_start3A_63 : memref<10000x128xf32, #tpu.memory_space<hbm>>) target(%arg15 : memref<80x128xf32, #tpu.memory_space<vmem>>) offsets(%dma_start3A_60 : memref<80xi32, #tpu.memory_space<vmem>>) semaphore(%arg22 : memref<!tpu.dma_semaphore, #tpu.memory_space<semaphore_mem>>)
        %mul3A_64 = arith.constant 80 : i32
        %mul3A_65 = arith.muli %add3A_57, %mul3A_64 : i32
        %dma_start3A_66 = tpu.memref_slice %arg11[%mul3A_65] : memref<2000xi32, #tpu.memory_space<vmem>> -> memref<80xi32, #tpu.memory_space<vmem>>
        %dma_start3A_67 = arith.constant 0 : i32
        %dma_start3A_68 = arith.constant 0 : i32
        %dma_start3A_69 = tpu.memref_slice %arg2[%dma_start3A_67, %dma_start3A_68] : memref<10000x128xf32, #tpu.memory_space<hbm>> -> memref<10000x128xf32, #tpu.memory_space<hbm>>
        tpu.enqueue_indirect_dma source(%dma_start3A_69 : memref<10000x128xf32, #tpu.memory_space<hbm>>) target(%arg16 : memref<80x128xf32, #tpu.memory_space<vmem>>) offsets(%dma_start3A_66 : memref<80xi32, #tpu.memory_space<vmem>>) semaphore(%arg23 : memref<!tpu.dma_semaphore, #tpu.memory_space<semaphore_mem>>)
        %mul3A_70 = arith.constant 2 : i32
        %mul3A_71 = arith.muli %mul3A_70, %add3A_53 : i32
        %scan3A_72 = arith.constant 0 : i32
        %scan3A_73 = arith.constant 80 : i32
        %scan3A_74 = arith.addi %scan3A_72, %scan3A_73 : i32
        %scan3A_75 = arith.constant 1 : i32
        scf.for %scan3A_146 = %scan3A_72 to %scan3A_74 step %scan3A_75  : i32 {
          %mul3A_147 = arith.constant 1 : i32
          %mul3A_148 = arith.muli %scan3A_146, %mul3A_147 : i32
          %add3A_149 = arith.constant 0 : i32
          %add3A_150 = arith.addi %add3A_149, %mul3A_148 : i32
          %mul3A_151 = arith.constant 80 : i32
          %mul3A_152 = arith.muli %mul3A_71, %mul3A_151 : i32
          %add3A_153 = arith.addi %mul3A_152, %add3A_150 : i32
          %broadcast_in_dim3A = vector.broadcast %add3A_153 : i32 to vector<16xi32>
          %gather3A = tpu.vector_load_idx %arg12[%broadcast_in_dim3A] : memref<2000xi32, #tpu.memory_space<vmem>>[vector<16xi32>], vector<16xi32>,
          %add3A_154 = arith.constant 0 : i32
          %add3A_155 = vector.broadcast %add3A_154 : i32 to vector<16xi32>
          %add3A_156 = arith.addi %add3A_155, %iota3A : vector<16xi32>
          %gather3A_157 = tpu.vector_load_idx %arg19[%gather3A, %add3A_156] : memref<16x128xf32, #tpu.memory_space<vmem>>[vector<16xi32>, vector<16xi32>], vector<16xf32>,
          %swap3A = arith.index_cast %add3A_150 : i32 to index
          %swap3A_158 = arith.constant 0 : index
          %swap3A_159 = tpu.vector_load %arg17[%swap3A, %swap3A_158] {strides = array<i32>} : memref<80x128xf32, #tpu.memory_space<vmem>>, vector<16xf32>,
          tpu.vector_store %arg17[%swap3A, %swap3A_158], %gather3A_157 {strides = array<i32>} : memref<80x128xf32, #tpu.memory_space<vmem>>, vector<16xf32>,
          %add3A_160 = arith.constant 16 : i32
          %add3A_161 = vector.broadcast %add3A_160 : i32 to vector<16xi32>
          %add3A_162 = arith.addi %add3A_161, %iota3A : vector<16xi32>
          %gather3A_163 = tpu.vector_load_idx %arg19[%gather3A, %add3A_162] : memref<16x128xf32, #tpu.memory_space<vmem>>[vector<16xi32>, vector<16xi32>], vector<16xf32>,
          %swap3A_164 = arith.index_cast %add3A_150 : i32 to index
          %swap3A_165 = arith.constant 16 : index
          %swap3A_166 = tpu.vector_load %arg17[%swap3A_164, %swap3A_165] {strides = array<i32>} : memref<80x128xf32, #tpu.memory_space<vmem>>, vector<16xf32>,
          tpu.vector_store %arg17[%swap3A_164, %swap3A_165], %gather3A_163 {strides = array<i32>} : memref<80x128xf32, #tpu.memory_space<vmem>>, vector<16xf32>,
          %add3A_167 = arith.constant 32 : i32
          %add3A_168 = vector.broadcast %add3A_167 : i32 to vector<16xi32>
          %add3A_169 = arith.addi %add3A_168, %iota3A : vector<16xi32>
          %gather3A_170 = tpu.vector_load_idx %arg19[%gather3A, %add3A_169] : memref<16x128xf32, #tpu.memory_space<vmem>>[vector<16xi32>, vector<16xi32>], vector<16xf32>,
          %swap3A_171 = arith.index_cast %add3A_150 : i32 to index
          %swap3A_172 = arith.constant 32 : index
          %swap3A_173 = tpu.vector_load %arg17[%swap3A_171, %swap3A_172] {strides = array<i32>} : memref<80x128xf32, #tpu.memory_space<vmem>>, vector<16xf32>,
          tpu.vector_store %arg17[%swap3A_171, %swap3A_172], %gather3A_170 {strides = array<i32>} : memref<80x128xf32, #tpu.memory_space<vmem>>, vector<16xf32>,
          %add3A_174 = arith.constant 48 : i32
          %add3A_175 = vector.broadcast %add3A_174 : i32 to vector<16xi32>
          %add3A_176 = arith.addi %add3A_175, %iota3A : vector<16xi32>
          %gather3A_177 = tpu.vector_load_idx %arg19[%gather3A, %add3A_176] : memref<16x128xf32, #tpu.memory_space<vmem>>[vector<16xi32>, vector<16xi32>], vector<16xf32>,
          %swap3A_178 = arith.index_cast %add3A_150 : i32 to index
          %swap3A_179 = arith.constant 48 : index
          %swap3A_180 = tpu.vector_load %arg17[%swap3A_178, %swap3A_179] {strides = array<i32>} : memref<80x128xf32, #tpu.memory_space<vmem>>, vector<16xf32>,
          tpu.vector_store %arg17[%swap3A_178, %swap3A_179], %gather3A_177 {strides = array<i32>} : memref<80x128xf32, #tpu.memory_space<vmem>>, vector<16xf32>,
          %add3A_181 = arith.constant 64 : i32
          %add3A_182 = vector.broadcast %add3A_181 : i32 to vector<16xi32>
          %add3A_183 = arith.addi %add3A_182, %iota3A : vector<16xi32>
          %gather3A_184 = tpu.vector_load_idx %arg19[%gather3A, %add3A_183] : memref<16x128xf32, #tpu.memory_space<vmem>>[vector<16xi32>, vector<16xi32>], vector<16xf32>,
          %swap3A_185 = arith.index_cast %add3A_150 : i32 to index
          %swap3A_186 = arith.constant 64 : index
          %swap3A_187 = tpu.vector_load %arg17[%swap3A_185, %swap3A_186] {strides = array<i32>} : memref<80x128xf32, #tpu.memory_space<vmem>>, vector<16xf32>,
          tpu.vector_store %arg17[%swap3A_185, %swap3A_186], %gather3A_184 {strides = array<i32>} : memref<80x128xf32, #tpu.memory_space<vmem>>, vector<16xf32>,
          %add3A_188 = arith.constant 80 : i32
          %add3A_189 = vector.broadcast %add3A_188 : i32 to vector<16xi32>
          %add3A_190 = arith.addi %add3A_189, %iota3A : vector<16xi32>
          %gather3A_191 = tpu.vector_load_idx %arg19[%gather3A, %add3A_190] : memref<16x128xf32, #tpu.memory_space<vmem>>[vector<16xi32>, vector<16xi32>], vector<16xf32>,
          %swap3A_192 = arith.index_cast %add3A_150 : i32 to index
          %swap3A_193 = arith.constant 80 : index
          %swap3A_194 = tpu.vector_load %arg17[%swap3A_192, %swap3A_193] {strides = array<i32>} : memref<80x128xf32, #tpu.memory_space<vmem>>, vector<16xf32>,
          tpu.vector_store %arg17[%swap3A_192, %swap3A_193], %gather3A_191 {strides = array<i32>} : memref<80x128xf32, #tpu.memory_space<vmem>>, vector<16xf32>,
          %add3A_195 = arith.constant 96 : i32
          %add3A_196 = vector.broadcast %add3A_195 : i32 to vector<16xi32>
          %add3A_197 = arith.addi %add3A_196, %iota3A : vector<16xi32>
          %gather3A_198 = tpu.vector_load_idx %arg19[%gather3A, %add3A_197] : memref<16x128xf32, #tpu.memory_space<vmem>>[vector<16xi32>, vector<16xi32>], vector<16xf32>,
          %swap3A_199 = arith.index_cast %add3A_150 : i32 to index
          %swap3A_200 = arith.constant 96 : index
          %swap3A_201 = tpu.vector_load %arg17[%swap3A_199, %swap3A_200] {strides = array<i32>} : memref<80x128xf32, #tpu.memory_space<vmem>>, vector<16xf32>,
          tpu.vector_store %arg17[%swap3A_199, %swap3A_200], %gather3A_198 {strides = array<i32>} : memref<80x128xf32, #tpu.memory_space<vmem>>, vector<16xf32>,
          %add3A_202 = arith.constant 112 : i32
          %add3A_203 = vector.broadcast %add3A_202 : i32 to vector<16xi32>
          %add3A_204 = arith.addi %add3A_203, %iota3A : vector<16xi32>
          %gather3A_205 = tpu.vector_load_idx %arg19[%gather3A, %add3A_204] : memref<16x128xf32, #tpu.memory_space<vmem>>[vector<16xi32>, vector<16xi32>], vector<16xf32>,
          %swap3A_206 = arith.index_cast %add3A_150 : i32 to index
          %swap3A_207 = arith.constant 112 : index
          %swap3A_208 = tpu.vector_load %arg17[%swap3A_206, %swap3A_207] {strides = array<i32>} : memref<80x128xf32, #tpu.memory_space<vmem>>, vector<16xf32>,
          tpu.vector_store %arg17[%swap3A_206, %swap3A_207], %gather3A_205 {strides = array<i32>} : memref<80x128xf32, #tpu.memory_space<vmem>>, vector<16xf32>,
        }
        %scan3A_76 = arith.constant 80 : i32
        %mul3A_77 = arith.constant 2 : i32
        %mul3A_78 = arith.muli %mul3A_77, %add3A_53 : i32
        %dma_wait3A_79 = arith.constant 0 : i32
        %dma_wait3A_80 = tpu.memref_slice %arg10[%dma_wait3A_79] : memref<2000xi32, #tpu.memory_space<vmem>> -> memref<80xi32, #tpu.memory_space<vmem>>
        %dma_wait3A_81 = arith.constant 0 : i32
        %dma_wait3A_82 = arith.constant 0 : i32
        %dma_wait3A_83 = tpu.memref_slice %arg2[%dma_wait3A_81, %dma_wait3A_82] : memref<10000x128xf32, #tpu.memory_space<hbm>> -> memref<10000x128xf32, #tpu.memory_space<hbm>>
        tpu.wait_indirect_dma semaphore(%arg20 : memref<!tpu.dma_semaphore, #tpu.memory_space<semaphore_mem>>) src(%dma_wait3A_83 : memref<10000x128xf32, #tpu.memory_space<hbm>>) dst(%arg13 : memref<80x128xf32, #tpu.memory_space<vmem>>)
        %dma_wait3A_84 = arith.constant 0 : i32
        %dma_wait3A_85 = tpu.memref_slice %arg10[%dma_wait3A_84] : memref<2000xi32, #tpu.memory_space<vmem>> -> memref<80xi32, #tpu.memory_space<vmem>>
        %dma_wait3A_86 = arith.constant 0 : i32
        %dma_wait3A_87 = arith.constant 0 : i32
        %dma_wait3A_88 = tpu.memref_slice %arg2[%dma_wait3A_86, %dma_wait3A_87] : memref<10000x128xf32, #tpu.memory_space<hbm>> -> memref<10000x128xf32, #tpu.memory_space<hbm>>
        tpu.wait_indirect_dma semaphore(%arg21 : memref<!tpu.dma_semaphore, #tpu.memory_space<semaphore_mem>>) src(%dma_wait3A_88 : memref<10000x128xf32, #tpu.memory_space<hbm>>) dst(%arg14 : memref<80x128xf32, #tpu.memory_space<vmem>>)
        %mul3A_89 = arith.constant 80 : i32
        %mul3A_90 = arith.muli %mul3A_78, %mul3A_89 : i32
        %add3A_91 = arith.addi %add3A_14, %mul3A_90 : i32
        "tpu.region"() ({
          %run_scoped3A = tpu.sem_alloc : memref<!tpu.dma_semaphore, #tpu.memory_space<semaphore_mem>>
          %dma_start3A_146 = arith.constant 0 : i32
          %dma_start3A_147 = tpu.memref_slice %arg7[%add3A_91, %dma_start3A_146] : memref<320000x128xf32, #tpu.memory_space<hbm>> -> memref<80x128xf32, #tpu.memory_space<hbm>>
          %dma_start3A_148 = arith.constant 0 : i32
          %dma_start3A_149 = tpu.memref_slice %arg7[%add3A_91, %dma_start3A_148] : memref<320000x128xf32, #tpu.memory_space<hbm>> -> memref<80x128xf32, #tpu.memory_space<hbm>>
          tpu.enqueue_dma source(%arg13 : memref<80x128xf32, #tpu.memory_space<vmem>>) target(%dma_start3A_149 : memref<80x128xf32, #tpu.memory_space<hbm>>) target_semaphore(%run_scoped3A : memref<!tpu.dma_semaphore, #tpu.memory_space<semaphore_mem>>)
          %dma_wait3A_150 = arith.constant 0 : i32
          %dma_wait3A_151 = tpu.memref_slice %arg7[%add3A_91, %dma_wait3A_150] : memref<320000x128xf32, #tpu.memory_space<hbm>> -> memref<80x128xf32, #tpu.memory_space<hbm>>
          %dma_wait3A_152 = arith.constant 0 : i32
          %dma_wait3A_153 = tpu.memref_slice %arg7[%add3A_91, %dma_wait3A_152] : memref<320000x128xf32, #tpu.memory_space<hbm>> -> memref<80x128xf32, #tpu.memory_space<hbm>>
          tpu.wait_dma2 semaphore(%run_scoped3A : memref<!tpu.dma_semaphore, #tpu.memory_space<semaphore_mem>>) src(%arg13 : memref<80x128xf32, #tpu.memory_space<vmem>>) dst(%dma_wait3A_153 : memref<80x128xf32, #tpu.memory_space<hbm>>)
          tpu.yield
        }) : () -> ()
        %mul3A_92 = arith.constant 80 : i32
        %mul3A_93 = arith.muli %mul3A_78, %mul3A_92 : i32
        %add3A_94 = arith.addi %add3A_14, %mul3A_93 : i32
        "tpu.region"() ({
          %run_scoped3A = tpu.sem_alloc : memref<!tpu.dma_semaphore, #tpu.memory_space<semaphore_mem>>
          %dma_start3A_146 = arith.constant 0 : i32
          %dma_start3A_147 = tpu.memref_slice %arg8[%add3A_94, %dma_start3A_146] : memref<320000x128xf32, #tpu.memory_space<hbm>> -> memref<80x128xf32, #tpu.memory_space<hbm>>
          %dma_start3A_148 = arith.constant 0 : i32
          %dma_start3A_149 = tpu.memref_slice %arg8[%add3A_94, %dma_start3A_148] : memref<320000x128xf32, #tpu.memory_space<hbm>> -> memref<80x128xf32, #tpu.memory_space<hbm>>
          tpu.enqueue_dma source(%arg14 : memref<80x128xf32, #tpu.memory_space<vmem>>) target(%dma_start3A_149 : memref<80x128xf32, #tpu.memory_space<hbm>>) target_semaphore(%run_scoped3A : memref<!tpu.dma_semaphore, #tpu.memory_space<semaphore_mem>>)
          %dma_wait3A_150 = arith.constant 0 : i32
          %dma_wait3A_151 = tpu.memref_slice %arg8[%add3A_94, %dma_wait3A_150] : memref<320000x128xf32, #tpu.memory_space<hbm>> -> memref<80x128xf32, #tpu.memory_space<hbm>>
          %dma_wait3A_152 = arith.constant 0 : i32
          %dma_wait3A_153 = tpu.memref_slice %arg8[%add3A_94, %dma_wait3A_152] : memref<320000x128xf32, #tpu.memory_space<hbm>> -> memref<80x128xf32, #tpu.memory_space<hbm>>
          tpu.wait_dma2 semaphore(%run_scoped3A : memref<!tpu.dma_semaphore, #tpu.memory_space<semaphore_mem>>) src(%arg14 : memref<80x128xf32, #tpu.memory_space<vmem>>) dst(%dma_wait3A_153 : memref<80x128xf32, #tpu.memory_space<hbm>>)
          tpu.yield
        }) : () -> ()
        %mul3A_95 = arith.constant 80 : i32
        %mul3A_96 = arith.muli %mul3A_78, %mul3A_95 : i32
        %add3A_97 = arith.addi %add3A_14, %mul3A_96 : i32
        "tpu.region"() ({
          %run_scoped3A = tpu.sem_alloc : memref<!tpu.dma_semaphore, #tpu.memory_space<semaphore_mem>>
          %dma_start3A_146 = arith.constant 0 : i32
          %dma_start3A_147 = tpu.memref_slice %arg9[%add3A_97, %dma_start3A_146] : memref<320000x128xf32, #tpu.memory_space<hbm>> -> memref<80x128xf32, #tpu.memory_space<hbm>>
          %dma_start3A_148 = arith.constant 0 : i32
          %dma_start3A_149 = tpu.memref_slice %arg9[%add3A_97, %dma_start3A_148] : memref<320000x128xf32, #tpu.memory_space<hbm>> -> memref<80x128xf32, #tpu.memory_space<hbm>>
          tpu.enqueue_dma source(%arg17 : memref<80x128xf32, #tpu.memory_space<vmem>>) target(%dma_start3A_149 : memref<80x128xf32, #tpu.memory_space<hbm>>) target_semaphore(%run_scoped3A : memref<!tpu.dma_semaphore, #tpu.memory_space<semaphore_mem>>)
          %dma_wait3A_150 = arith.constant 0 : i32
          %dma_wait3A_151 = tpu.memref_slice %arg9[%add3A_97, %dma_wait3A_150] : memref<320000x128xf32, #tpu.memory_space<hbm>> -> memref<80x128xf32, #tpu.memory_space<hbm>>
          %dma_wait3A_152 = arith.constant 0 : i32
          %dma_wait3A_153 = tpu.memref_slice %arg9[%add3A_97, %dma_wait3A_152] : memref<320000x128xf32, #tpu.memory_space<hbm>> -> memref<80x128xf32, #tpu.memory_space<hbm>>
          tpu.wait_dma2 semaphore(%run_scoped3A : memref<!tpu.dma_semaphore, #tpu.memory_space<semaphore_mem>>) src(%arg17 : memref<80x128xf32, #tpu.memory_space<vmem>>) dst(%dma_wait3A_153 : memref<80x128xf32, #tpu.memory_space<hbm>>)
          tpu.yield
        }) : () -> ()
        %mul3A_98 = arith.constant 2 : i32
        %mul3A_99 = arith.muli %mul3A_98, %add3A_53 : i32
        %add3A_100 = arith.constant 2 : i32
        %add3A_101 = arith.addi %mul3A_99, %add3A_100 : i32
        %mul3A_102 = arith.constant 80 : i32
        %mul3A_103 = arith.muli %add3A_101, %mul3A_102 : i32
        %dma_start3A_104 = tpu.memref_slice %arg10[%mul3A_103] : memref<2000xi32, #tpu.memory_space<vmem>> -> memref<80xi32, #tpu.memory_space<vmem>>
        %dma_start3A_105 = arith.constant 0 : i32
        %dma_start3A_106 = arith.constant 0 : i32
        %dma_start3A_107 = tpu.memref_slice %arg2[%dma_start3A_105, %dma_start3A_106] : memref<10000x128xf32, #tpu.memory_space<hbm>> -> memref<10000x128xf32, #tpu.memory_space<hbm>>
        tpu.enqueue_indirect_dma source(%dma_start3A_107 : memref<10000x128xf32, #tpu.memory_space<hbm>>) target(%arg13 : memref<80x128xf32, #tpu.memory_space<vmem>>) offsets(%dma_start3A_104 : memref<80xi32, #tpu.memory_space<vmem>>) semaphore(%arg20 : memref<!tpu.dma_semaphore, #tpu.memory_space<semaphore_mem>>)
        %mul3A_108 = arith.constant 80 : i32
        %mul3A_109 = arith.muli %add3A_101, %mul3A_108 : i32
        %dma_start3A_110 = tpu.memref_slice %arg11[%mul3A_109] : memref<2000xi32, #tpu.memory_space<vmem>> -> memref<80xi32, #tpu.memory_space<vmem>>
        %dma_start3A_111 = arith.constant 0 : i32
        %dma_start3A_112 = arith.constant 0 : i32
        %dma_start3A_113 = tpu.memref_slice %arg2[%dma_start3A_111, %dma_start3A_112] : memref<10000x128xf32, #tpu.memory_space<hbm>> -> memref<10000x128xf32, #tpu.memory_space<hbm>>
        tpu.enqueue_indirect_dma source(%dma_start3A_113 : memref<10000x128xf32, #tpu.memory_space<hbm>>) target(%arg14 : memref<80x128xf32, #tpu.memory_space<vmem>>) offsets(%dma_start3A_110 : memref<80xi32, #tpu.memory_space<vmem>>) semaphore(%arg21 : memref<!tpu.dma_semaphore, #tpu.memory_space<semaphore_mem>>)
        %mul3A_114 = arith.constant 2 : i32
        %mul3A_115 = arith.muli %mul3A_114, %add3A_53 : i32
        %add3A_116 = arith.constant 1 : i32
        %add3A_117 = arith.addi %mul3A_115, %add3A_116 : i32
        %scan3A_118 = arith.constant 0 : i32
        %scan3A_119 = arith.constant 80 : i32
        %scan3A_120 = arith.addi %scan3A_118, %scan3A_119 : i32
        %scan3A_121 = arith.constant 1 : i32
        scf.for %scan3A_146 = %scan3A_118 to %scan3A_120 step %scan3A_121  : i32 {
          %mul3A_147 = arith.constant 1 : i32
          %mul3A_148 = arith.muli %scan3A_146, %mul3A_147 : i32
          %add3A_149 = arith.constant 0 : i32
          %add3A_150 = arith.addi %add3A_149, %mul3A_148 : i32
          %mul3A_151 = arith.constant 80 : i32
          %mul3A_152 = arith.muli %add3A_117, %mul3A_151 : i32
          %add3A_153 = arith.addi %mul3A_152, %add3A_150 : i32
          %broadcast_in_dim3A = vector.broadcast %add3A_153 : i32 to vector<16xi32>
          %gather3A = tpu.vector_load_idx %arg12[%broadcast_in_dim3A] : memref<2000xi32, #tpu.memory_space<vmem>>[vector<16xi32>], vector<16xi32>,
          %add3A_154 = arith.constant 0 : i32
          %add3A_155 = vector.broadcast %add3A_154 : i32 to vector<16xi32>
          %add3A_156 = arith.addi %add3A_155, %iota3A : vector<16xi32>
          %gather3A_157 = tpu.vector_load_idx %arg19[%gather3A, %add3A_156] : memref<16x128xf32, #tpu.memory_space<vmem>>[vector<16xi32>, vector<16xi32>], vector<16xf32>,
          %swap3A = arith.index_cast %add3A_150 : i32 to index
          %swap3A_158 = arith.constant 0 : index
          %swap3A_159 = tpu.vector_load %arg18[%swap3A, %swap3A_158] {strides = array<i32>} : memref<80x128xf32, #tpu.memory_space<vmem>>, vector<16xf32>,
          tpu.vector_store %arg18[%swap3A, %swap3A_158], %gather3A_157 {strides = array<i32>} : memref<80x128xf32, #tpu.memory_space<vmem>>, vector<16xf32>,
          %add3A_160 = arith.constant 16 : i32
          %add3A_161 = vector.broadcast %add3A_160 : i32 to vector<16xi32>
          %add3A_162 = arith.addi %add3A_161, %iota3A : vector<16xi32>
          %gather3A_163 = tpu.vector_load_idx %arg19[%gather3A, %add3A_162] : memref<16x128xf32, #tpu.memory_space<vmem>>[vector<16xi32>, vector<16xi32>], vector<16xf32>,
          %swap3A_164 = arith.index_cast %add3A_150 : i32 to index
          %swap3A_165 = arith.constant 16 : index
          %swap3A_166 = tpu.vector_load %arg18[%swap3A_164, %swap3A_165] {strides = array<i32>} : memref<80x128xf32, #tpu.memory_space<vmem>>, vector<16xf32>,
          tpu.vector_store %arg18[%swap3A_164, %swap3A_165], %gather3A_163 {strides = array<i32>} : memref<80x128xf32, #tpu.memory_space<vmem>>, vector<16xf32>,
          %add3A_167 = arith.constant 32 : i32
          %add3A_168 = vector.broadcast %add3A_167 : i32 to vector<16xi32>
          %add3A_169 = arith.addi %add3A_168, %iota3A : vector<16xi32>
          %gather3A_170 = tpu.vector_load_idx %arg19[%gather3A, %add3A_169] : memref<16x128xf32, #tpu.memory_space<vmem>>[vector<16xi32>, vector<16xi32>], vector<16xf32>,
          %swap3A_171 = arith.index_cast %add3A_150 : i32 to index
          %swap3A_172 = arith.constant 32 : index
          %swap3A_173 = tpu.vector_load %arg18[%swap3A_171, %swap3A_172] {strides = array<i32>} : memref<80x128xf32, #tpu.memory_space<vmem>>, vector<16xf32>,
          tpu.vector_store %arg18[%swap3A_171, %swap3A_172], %gather3A_170 {strides = array<i32>} : memref<80x128xf32, #tpu.memory_space<vmem>>, vector<16xf32>,
          %add3A_174 = arith.constant 48 : i32
          %add3A_175 = vector.broadcast %add3A_174 : i32 to vector<16xi32>
          %add3A_176 = arith.addi %add3A_175, %iota3A : vector<16xi32>
          %gather3A_177 = tpu.vector_load_idx %arg19[%gather3A, %add3A_176] : memref<16x128xf32, #tpu.memory_space<vmem>>[vector<16xi32>, vector<16xi32>], vector<16xf32>,
          %swap3A_178 = arith.index_cast %add3A_150 : i32 to index
          %swap3A_179 = arith.constant 48 : index
          %swap3A_180 = tpu.vector_load %arg18[%swap3A_178, %swap3A_179] {strides = array<i32>} : memref<80x128xf32, #tpu.memory_space<vmem>>, vector<16xf32>,
          tpu.vector_store %arg18[%swap3A_178, %swap3A_179], %gather3A_177 {strides = array<i32>} : memref<80x128xf32, #tpu.memory_space<vmem>>, vector<16xf32>,
          %add3A_181 = arith.constant 64 : i32
          %add3A_182 = vector.broadcast %add3A_181 : i32 to vector<16xi32>
          %add3A_183 = arith.addi %add3A_182, %iota3A : vector<16xi32>
          %gather3A_184 = tpu.vector_load_idx %arg19[%gather3A, %add3A_183] : memref<16x128xf32, #tpu.memory_space<vmem>>[vector<16xi32>, vector<16xi32>], vector<16xf32>,
          %swap3A_185 = arith.index_cast %add3A_150 : i32 to index
          %swap3A_186 = arith.constant 64 : index
          %swap3A_187 = tpu.vector_load %arg18[%swap3A_185, %swap3A_186] {strides = array<i32>} : memref<80x128xf32, #tpu.memory_space<vmem>>, vector<16xf32>,
          tpu.vector_store %arg18[%swap3A_185, %swap3A_186], %gather3A_184 {strides = array<i32>} : memref<80x128xf32, #tpu.memory_space<vmem>>, vector<16xf32>,
          %add3A_188 = arith.constant 80 : i32
          %add3A_189 = vector.broadcast %add3A_188 : i32 to vector<16xi32>
          %add3A_190 = arith.addi %add3A_189, %iota3A : vector<16xi32>
          %gather3A_191 = tpu.vector_load_idx %arg19[%gather3A, %add3A_190] : memref<16x128xf32, #tpu.memory_space<vmem>>[vector<16xi32>, vector<16xi32>], vector<16xf32>,
          %swap3A_192 = arith.index_cast %add3A_150 : i32 to index
          %swap3A_193 = arith.constant 80 : index
          %swap3A_194 = tpu.vector_load %arg18[%swap3A_192, %swap3A_193] {strides = array<i32>} : memref<80x128xf32, #tpu.memory_space<vmem>>, vector<16xf32>,
          tpu.vector_store %arg18[%swap3A_192, %swap3A_193], %gather3A_191 {strides = array<i32>} : memref<80x128xf32, #tpu.memory_space<vmem>>, vector<16xf32>,
          %add3A_195 = arith.constant 96 : i32
          %add3A_196 = vector.broadcast %add3A_195 : i32 to vector<16xi32>
          %add3A_197 = arith.addi %add3A_196, %iota3A : vector<16xi32>
          %gather3A_198 = tpu.vector_load_idx %arg19[%gather3A, %add3A_197] : memref<16x128xf32, #tpu.memory_space<vmem>>[vector<16xi32>, vector<16xi32>], vector<16xf32>,
          %swap3A_199 = arith.index_cast %add3A_150 : i32 to index
          %swap3A_200 = arith.constant 96 : index
          %swap3A_201 = tpu.vector_load %arg18[%swap3A_199, %swap3A_200] {strides = array<i32>} : memref<80x128xf32, #tpu.memory_space<vmem>>, vector<16xf32>,
          tpu.vector_store %arg18[%swap3A_199, %swap3A_200], %gather3A_198 {strides = array<i32>} : memref<80x128xf32, #tpu.memory_space<vmem>>, vector<16xf32>,
          %add3A_202 = arith.constant 112 : i32
          %add3A_203 = vector.broadcast %add3A_202 : i32 to vector<16xi32>
          %add3A_204 = arith.addi %add3A_203, %iota3A : vector<16xi32>
          %gather3A_205 = tpu.vector_load_idx %arg19[%gather3A, %add3A_204] : memref<16x128xf32, #tpu.memory_space<vmem>>[vector<16xi32>, vector<16xi32>], vector<16xf32>,
          %swap3A_206 = arith.index_cast %add3A_150 : i32 to index
          %swap3A_207 = arith.constant 112 : index
          %swap3A_208 = tpu.vector_load %arg18[%swap3A_206, %swap3A_207] {strides = array<i32>} : memref<80x128xf32, #tpu.memory_space<vmem>>, vector<16xf32>,
          tpu.vector_store %arg18[%swap3A_206, %swap3A_207], %gather3A_205 {strides = array<i32>} : memref<80x128xf32, #tpu.memory_space<vmem>>, vector<16xf32>,
        }
        %scan3A_122 = arith.constant 80 : i32
        %mul3A_123 = arith.constant 2 : i32
        %mul3A_124 = arith.muli %mul3A_123, %add3A_53 : i32
        %add3A_125 = arith.constant 1 : i32
        %add3A_126 = arith.addi %mul3A_124, %add3A_125 : i32
        %dma_wait3A_127 = arith.constant 0 : i32
        %dma_wait3A_128 = tpu.memref_slice %arg10[%dma_wait3A_127] : memref<2000xi32, #tpu.memory_space<vmem>> -> memref<80xi32, #tpu.memory_space<vmem>>
        %dma_wait3A_129 = arith.constant 0 : i32
        %dma_wait3A_130 = arith.constant 0 : i32
        %dma_wait3A_131 = tpu.memref_slice %arg2[%dma_wait3A_129, %dma_wait3A_130] : memref<10000x128xf32, #tpu.memory_space<hbm>> -> memref<10000x128xf32, #tpu.memory_space<hbm>>
        tpu.wait_indirect_dma semaphore(%arg22 : memref<!tpu.dma_semaphore, #tpu.memory_space<semaphore_mem>>) src(%dma_wait3A_131 : memref<10000x128xf32, #tpu.memory_space<hbm>>) dst(%arg15 : memref<80x128xf32, #tpu.memory_space<vmem>>)
        %dma_wait3A_132 = arith.constant 0 : i32
        %dma_wait3A_133 = tpu.memref_slice %arg10[%dma_wait3A_132] : memref<2000xi32, #tpu.memory_space<vmem>> -> memref<80xi32, #tpu.memory_space<vmem>>
        %dma_wait3A_134 = arith.constant 0 : i32
        %dma_wait3A_135 = arith.constant 0 : i32
        %dma_wait3A_136 = tpu.memref_slice %arg2[%dma_wait3A_134, %dma_wait3A_135] : memref<10000x128xf32, #tpu.memory_space<hbm>> -> memref<10000x128xf32, #tpu.memory_space<hbm>>
        tpu.wait_indirect_dma semaphore(%arg23 : memref<!tpu.dma_semaphore, #tpu.memory_space<semaphore_mem>>) src(%dma_wait3A_136 : memref<10000x128xf32, #tpu.memory_space<hbm>>) dst(%arg16 : memref<80x128xf32, #tpu.memory_space<vmem>>)
        %mul3A_137 = arith.constant 80 : i32
        %mul3A_138 = arith.muli %add3A_126, %mul3A_137 : i32
        %add3A_139 = arith.addi %add3A_14, %mul3A_138 : i32
        "tpu.region"() ({
          %run_scoped3A = tpu.sem_alloc : memref<!tpu.dma_semaphore, #tpu.memory_space<semaphore_mem>>
          %dma_start3A_146 = arith.constant 0 : i32
          %dma_start3A_147 = tpu.memref_slice %arg7[%add3A_139, %dma_start3A_146] : memref<320000x128xf32, #tpu.memory_space<hbm>> -> memref<80x128xf32, #tpu.memory_space<hbm>>
          %dma_start3A_148 = arith.constant 0 : i32
          %dma_start3A_149 = tpu.memref_slice %arg7[%add3A_139, %dma_start3A_148] : memref<320000x128xf32, #tpu.memory_space<hbm>> -> memref<80x128xf32, #tpu.memory_space<hbm>>
          tpu.enqueue_dma source(%arg15 : memref<80x128xf32, #tpu.memory_space<vmem>>) target(%dma_start3A_149 : memref<80x128xf32, #tpu.memory_space<hbm>>) target_semaphore(%run_scoped3A : memref<!tpu.dma_semaphore, #tpu.memory_space<semaphore_mem>>)
          %dma_wait3A_150 = arith.constant 0 : i32
          %dma_wait3A_151 = tpu.memref_slice %arg7[%add3A_139, %dma_wait3A_150] : memref<320000x128xf32, #tpu.memory_space<hbm>> -> memref<80x128xf32, #tpu.memory_space<hbm>>
          %dma_wait3A_152 = arith.constant 0 : i32
          %dma_wait3A_153 = tpu.memref_slice %arg7[%add3A_139, %dma_wait3A_152] : memref<320000x128xf32, #tpu.memory_space<hbm>> -> memref<80x128xf32, #tpu.memory_space<hbm>>
          tpu.wait_dma2 semaphore(%run_scoped3A : memref<!tpu.dma_semaphore, #tpu.memory_space<semaphore_mem>>) src(%arg15 : memref<80x128xf32, #tpu.memory_space<vmem>>) dst(%dma_wait3A_153 : memref<80x128xf32, #tpu.memory_space<hbm>>)
          tpu.yield
        }) : () -> ()
        %mul3A_140 = arith.constant 80 : i32
        %mul3A_141 = arith.muli %add3A_126, %mul3A_140 : i32
        %add3A_142 = arith.addi %add3A_14, %mul3A_141 : i32
        "tpu.region"() ({
          %run_scoped3A = tpu.sem_alloc : memref<!tpu.dma_semaphore, #tpu.memory_space<semaphore_mem>>
          %dma_start3A_146 = arith.constant 0 : i32
          %dma_start3A_147 = tpu.memref_slice %arg8[%add3A_142, %dma_start3A_146] : memref<320000x128xf32, #tpu.memory_space<hbm>> -> memref<80x128xf32, #tpu.memory_space<hbm>>
          %dma_start3A_148 = arith.constant 0 : i32
          %dma_start3A_149 = tpu.memref_slice %arg8[%add3A_142, %dma_start3A_148] : memref<320000x128xf32, #tpu.memory_space<hbm>> -> memref<80x128xf32, #tpu.memory_space<hbm>>
          tpu.enqueue_dma source(%arg16 : memref<80x128xf32, #tpu.memory_space<vmem>>) target(%dma_start3A_149 : memref<80x128xf32, #tpu.memory_space<hbm>>) target_semaphore(%run_scoped3A : memref<!tpu.dma_semaphore, #tpu.memory_space<semaphore_mem>>)
          %dma_wait3A_150 = arith.constant 0 : i32
          %dma_wait3A_151 = tpu.memref_slice %arg8[%add3A_142, %dma_wait3A_150] : memref<320000x128xf32, #tpu.memory_space<hbm>> -> memref<80x128xf32, #tpu.memory_space<hbm>>
          %dma_wait3A_152 = arith.constant 0 : i32
          %dma_wait3A_153 = tpu.memref_slice %arg8[%add3A_142, %dma_wait3A_152] : memref<320000x128xf32, #tpu.memory_space<hbm>> -> memref<80x128xf32, #tpu.memory_space<hbm>>
          tpu.wait_dma2 semaphore(%run_scoped3A : memref<!tpu.dma_semaphore, #tpu.memory_space<semaphore_mem>>) src(%arg16 : memref<80x128xf32, #tpu.memory_space<vmem>>) dst(%dma_wait3A_153 : memref<80x128xf32, #tpu.memory_space<hbm>>)
          tpu.yield
        }) : () -> ()
        %mul3A_143 = arith.constant 80 : i32
        %mul3A_144 = arith.muli %add3A_126, %mul3A_143 : i32
        %add3A_145 = arith.addi %add3A_14, %mul3A_144 : i32
        "tpu.region"() ({
          %run_scoped3A = tpu.sem_alloc : memref<!tpu.dma_semaphore, #tpu.memory_space<semaphore_mem>>
          %dma_start3A_146 = arith.constant 0 : i32
          %dma_start3A_147 = tpu.memref_slice %arg9[%add3A_145, %dma_start3A_146] : memref<320000x128xf32, #tpu.memory_space<hbm>> -> memref<80x128xf32, #tpu.memory_space<hbm>>
          %dma_start3A_148 = arith.constant 0 : i32
          %dma_start3A_149 = tpu.memref_slice %arg9[%add3A_145, %dma_start3A_148] : memref<320000x128xf32, #tpu.memory_space<hbm>> -> memref<80x128xf32, #tpu.memory_space<hbm>>
          tpu.enqueue_dma source(%arg18 : memref<80x128xf32, #tpu.memory_space<vmem>>) target(%dma_start3A_149 : memref<80x128xf32, #tpu.memory_space<hbm>>) target_semaphore(%run_scoped3A : memref<!tpu.dma_semaphore, #tpu.memory_space<semaphore_mem>>)
          %dma_wait3A_150 = arith.constant 0 : i32
          %dma_wait3A_151 = tpu.memref_slice %arg9[%add3A_145, %dma_wait3A_150] : memref<320000x128xf32, #tpu.memory_space<hbm>> -> memref<80x128xf32, #tpu.memory_space<hbm>>
          %dma_wait3A_152 = arith.constant 0 : i32
          %dma_wait3A_153 = tpu.memref_slice %arg9[%add3A_145, %dma_wait3A_152] : memref<320000x128xf32, #tpu.memory_space<hbm>> -> memref<80x128xf32, #tpu.memory_space<hbm>>
          tpu.wait_dma2 semaphore(%run_scoped3A : memref<!tpu.dma_semaphore, #tpu.memory_space<semaphore_mem>>) src(%arg18 : memref<80x128xf32, #tpu.memory_space<vmem>>) dst(%dma_wait3A_153 : memref<80x128xf32, #tpu.memory_space<hbm>>)
          tpu.yield
        }) : () -> ()
      }
      %scan3A_28 = arith.constant 12 : i32
      %scan3A_29 = arith.constant 0 : i32
      %scan3A_30 = arith.constant 80 : i32
      %scan3A_31 = arith.addi %scan3A_29, %scan3A_30 : i32
      %scan3A_32 = arith.constant 1 : i32
      scf.for %scan3A_49 = %scan3A_29 to %scan3A_31 step %scan3A_32  : i32 {
        %mul3A_50 = arith.constant 1 : i32
        %mul3A_51 = arith.muli %scan3A_49, %mul3A_50 : i32
        %add3A_52 = arith.constant 0 : i32
        %add3A_53 = arith.addi %add3A_52, %mul3A_51 : i32
        %add3A_54 = arith.constant 1920 : i32
        %add3A_55 = arith.addi %add3A_54, %add3A_53 : i32
        %broadcast_in_dim3A = vector.broadcast %add3A_55 : i32 to vector<16xi32>
        %gather3A = tpu.vector_load_idx %arg12[%broadcast_in_dim3A] : memref<2000xi32, #tpu.memory_space<vmem>>[vector<16xi32>], vector<16xi32>,
        %add3A_56 = arith.constant 0 : i32
        %add3A_57 = vector.broadcast %add3A_56 : i32 to vector<16xi32>
        %add3A_58 = arith.addi %add3A_57, %iota3A : vector<16xi32>
        %gather3A_59 = tpu.vector_load_idx %arg19[%gather3A, %add3A_58] : memref<16x128xf32, #tpu.memory_space<vmem>>[vector<16xi32>, vector<16xi32>], vector<16xf32>,
        %swap3A = arith.index_cast %add3A_53 : i32 to index
        %swap3A_60 = arith.constant 0 : index
        %swap3A_61 = tpu.vector_load %arg17[%swap3A, %swap3A_60] {strides = array<i32>} : memref<80x128xf32, #tpu.memory_space<vmem>>, vector<16xf32>,
        tpu.vector_store %arg17[%swap3A, %swap3A_60], %gather3A_59 {strides = array<i32>} : memref<80x128xf32, #tpu.memory_space<vmem>>, vector<16xf32>,
        %add3A_62 = arith.constant 16 : i32
        %add3A_63 = vector.broadcast %add3A_62 : i32 to vector<16xi32>
        %add3A_64 = arith.addi %add3A_63, %iota3A : vector<16xi32>
        %gather3A_65 = tpu.vector_load_idx %arg19[%gather3A, %add3A_64] : memref<16x128xf32, #tpu.memory_space<vmem>>[vector<16xi32>, vector<16xi32>], vector<16xf32>,
        %swap3A_66 = arith.index_cast %add3A_53 : i32 to index
        %swap3A_67 = arith.constant 16 : index
        %swap3A_68 = tpu.vector_load %arg17[%swap3A_66, %swap3A_67] {strides = array<i32>} : memref<80x128xf32, #tpu.memory_space<vmem>>, vector<16xf32>,
        tpu.vector_store %arg17[%swap3A_66, %swap3A_67], %gather3A_65 {strides = array<i32>} : memref<80x128xf32, #tpu.memory_space<vmem>>, vector<16xf32>,
        %add3A_69 = arith.constant 32 : i32
        %add3A_70 = vector.broadcast %add3A_69 : i32 to vector<16xi32>
        %add3A_71 = arith.addi %add3A_70, %iota3A : vector<16xi32>
        %gather3A_72 = tpu.vector_load_idx %arg19[%gather3A, %add3A_71] : memref<16x128xf32, #tpu.memory_space<vmem>>[vector<16xi32>, vector<16xi32>], vector<16xf32>,
        %swap3A_73 = arith.index_cast %add3A_53 : i32 to index
        %swap3A_74 = arith.constant 32 : index
        %swap3A_75 = tpu.vector_load %arg17[%swap3A_73, %swap3A_74] {strides = array<i32>} : memref<80x128xf32, #tpu.memory_space<vmem>>, vector<16xf32>,
        tpu.vector_store %arg17[%swap3A_73, %swap3A_74], %gather3A_72 {strides = array<i32>} : memref<80x128xf32, #tpu.memory_space<vmem>>, vector<16xf32>,
        %add3A_76 = arith.constant 48 : i32
        %add3A_77 = vector.broadcast %add3A_76 : i32 to vector<16xi32>
        %add3A_78 = arith.addi %add3A_77, %iota3A : vector<16xi32>
        %gather3A_79 = tpu.vector_load_idx %arg19[%gather3A, %add3A_78] : memref<16x128xf32, #tpu.memory_space<vmem>>[vector<16xi32>, vector<16xi32>], vector<16xf32>,
        %swap3A_80 = arith.index_cast %add3A_53 : i32 to index
        %swap3A_81 = arith.constant 48 : index
        %swap3A_82 = tpu.vector_load %arg17[%swap3A_80, %swap3A_81] {strides = array<i32>} : memref<80x128xf32, #tpu.memory_space<vmem>>, vector<16xf32>,
        tpu.vector_store %arg17[%swap3A_80, %swap3A_81], %gather3A_79 {strides = array<i32>} : memref<80x128xf32, #tpu.memory_space<vmem>>, vector<16xf32>,
        %add3A_83 = arith.constant 64 : i32
        %add3A_84 = vector.broadcast %add3A_83 : i32 to vector<16xi32>
        %add3A_85 = arith.addi %add3A_84, %iota3A : vector<16xi32>
        %gather3A_86 = tpu.vector_load_idx %arg19[%gather3A, %add3A_85] : memref<16x128xf32, #tpu.memory_space<vmem>>[vector<16xi32>, vector<16xi32>], vector<16xf32>,
        %swap3A_87 = arith.index_cast %add3A_53 : i32 to index
        %swap3A_88 = arith.constant 64 : index
        %swap3A_89 = tpu.vector_load %arg17[%swap3A_87, %swap3A_88] {strides = array<i32>} : memref<80x128xf32, #tpu.memory_space<vmem>>, vector<16xf32>,
        tpu.vector_store %arg17[%swap3A_87, %swap3A_88], %gather3A_86 {strides = array<i32>} : memref<80x128xf32, #tpu.memory_space<vmem>>, vector<16xf32>,
        %add3A_90 = arith.constant 80 : i32
        %add3A_91 = vector.broadcast %add3A_90 : i32 to vector<16xi32>
        %add3A_92 = arith.addi %add3A_91, %iota3A : vector<16xi32>
        %gather3A_93 = tpu.vector_load_idx %arg19[%gather3A, %add3A_92] : memref<16x128xf32, #tpu.memory_space<vmem>>[vector<16xi32>, vector<16xi32>], vector<16xf32>,
        %swap3A_94 = arith.index_cast %add3A_53 : i32 to index
        %swap3A_95 = arith.constant 80 : index
        %swap3A_96 = tpu.vector_load %arg17[%swap3A_94, %swap3A_95] {strides = array<i32>} : memref<80x128xf32, #tpu.memory_space<vmem>>, vector<16xf32>,
        tpu.vector_store %arg17[%swap3A_94, %swap3A_95], %gather3A_93 {strides = array<i32>} : memref<80x128xf32, #tpu.memory_space<vmem>>, vector<16xf32>,
        %add3A_97 = arith.constant 96 : i32
        %add3A_98 = vector.broadcast %add3A_97 : i32 to vector<16xi32>
        %add3A_99 = arith.addi %add3A_98, %iota3A : vector<16xi32>
        %gather3A_100 = tpu.vector_load_idx %arg19[%gather3A, %add3A_99] : memref<16x128xf32, #tpu.memory_space<vmem>>[vector<16xi32>, vector<16xi32>], vector<16xf32>,
        %swap3A_101 = arith.index_cast %add3A_53 : i32 to index
        %swap3A_102 = arith.constant 96 : index
        %swap3A_103 = tpu.vector_load %arg17[%swap3A_101, %swap3A_102] {strides = array<i32>} : memref<80x128xf32, #tpu.memory_space<vmem>>, vector<16xf32>,
        tpu.vector_store %arg17[%swap3A_101, %swap3A_102], %gather3A_100 {strides = array<i32>} : memref<80x128xf32, #tpu.memory_space<vmem>>, vector<16xf32>,
        %add3A_104 = arith.constant 112 : i32
        %add3A_105 = vector.broadcast %add3A_104 : i32 to vector<16xi32>
        %add3A_106 = arith.addi %add3A_105, %iota3A : vector<16xi32>
        %gather3A_107 = tpu.vector_load_idx %arg19[%gather3A, %add3A_106] : memref<16x128xf32, #tpu.memory_space<vmem>>[vector<16xi32>, vector<16xi32>], vector<16xf32>,
        %swap3A_108 = arith.index_cast %add3A_53 : i32 to index
        %swap3A_109 = arith.constant 112 : index
        %swap3A_110 = tpu.vector_load %arg17[%swap3A_108, %swap3A_109] {strides = array<i32>} : memref<80x128xf32, #tpu.memory_space<vmem>>, vector<16xf32>,
        tpu.vector_store %arg17[%swap3A_108, %swap3A_109], %gather3A_107 {strides = array<i32>} : memref<80x128xf32, #tpu.memory_space<vmem>>, vector<16xf32>,
      }
      %scan3A_33 = arith.constant 80 : i32
      %dma_wait3A = arith.constant 0 : i32
      %dma_wait3A_34 = tpu.memref_slice %arg10[%dma_wait3A] : memref<2000xi32, #tpu.memory_space<vmem>> -> memref<80xi32, #tpu.memory_space<vmem>>
      %dma_wait3A_35 = arith.constant 0 : i32
      %dma_wait3A_36 = arith.constant 0 : i32
      %dma_wait3A_37 = tpu.memref_slice %arg2[%dma_wait3A_35, %dma_wait3A_36] : memref<10000x128xf32, #tpu.memory_space<hbm>> -> memref<10000x128xf32, #tpu.memory_space<hbm>>
      tpu.wait_indirect_dma semaphore(%arg20 : memref<!tpu.dma_semaphore, #tpu.memory_space<semaphore_mem>>) src(%dma_wait3A_37 : memref<10000x128xf32, #tpu.memory_space<hbm>>) dst(%arg13 : memref<80x128xf32, #tpu.memory_space<vmem>>)
      %dma_wait3A_38 = arith.constant 0 : i32
      %dma_wait3A_39 = tpu.memref_slice %arg10[%dma_wait3A_38] : memref<2000xi32, #tpu.memory_space<vmem>> -> memref<80xi32, #tpu.memory_space<vmem>>
      %dma_wait3A_40 = arith.constant 0 : i32
      %dma_wait3A_41 = arith.constant 0 : i32
      %dma_wait3A_42 = tpu.memref_slice %arg2[%dma_wait3A_40, %dma_wait3A_41] : memref<10000x128xf32, #tpu.memory_space<hbm>> -> memref<10000x128xf32, #tpu.memory_space<hbm>>
      tpu.wait_indirect_dma semaphore(%arg21 : memref<!tpu.dma_semaphore, #tpu.memory_space<semaphore_mem>>) src(%dma_wait3A_42 : memref<10000x128xf32, #tpu.memory_space<hbm>>) dst(%arg14 : memref<80x128xf32, #tpu.memory_space<vmem>>)
      %add3A_43 = arith.constant 1920 : i32
      %add3A_44 = arith.addi %add3A_14, %add3A_43 : i32
      "tpu.region"() ({
        %run_scoped3A = tpu.sem_alloc : memref<!tpu.dma_semaphore, #tpu.memory_space<semaphore_mem>>
        %dma_start3A_49 = arith.constant 0 : i32
        %dma_start3A_50 = tpu.memref_slice %arg7[%add3A_44, %dma_start3A_49] : memref<320000x128xf32, #tpu.memory_space<hbm>> -> memref<80x128xf32, #tpu.memory_space<hbm>>
        %dma_start3A_51 = arith.constant 0 : i32
        %dma_start3A_52 = tpu.memref_slice %arg7[%add3A_44, %dma_start3A_51] : memref<320000x128xf32, #tpu.memory_space<hbm>> -> memref<80x128xf32, #tpu.memory_space<hbm>>
        tpu.enqueue_dma source(%arg13 : memref<80x128xf32, #tpu.memory_space<vmem>>) target(%dma_start3A_52 : memref<80x128xf32, #tpu.memory_space<hbm>>) target_semaphore(%run_scoped3A : memref<!tpu.dma_semaphore, #tpu.memory_space<semaphore_mem>>)
        %dma_wait3A_53 = arith.constant 0 : i32
        %dma_wait3A_54 = tpu.memref_slice %arg7[%add3A_44, %dma_wait3A_53] : memref<320000x128xf32, #tpu.memory_space<hbm>> -> memref<80x128xf32, #tpu.memory_space<hbm>>
        %dma_wait3A_55 = arith.constant 0 : i32
        %dma_wait3A_56 = tpu.memref_slice %arg7[%add3A_44, %dma_wait3A_55] : memref<320000x128xf32, #tpu.memory_space<hbm>> -> memref<80x128xf32, #tpu.memory_space<hbm>>
        tpu.wait_dma2 semaphore(%run_scoped3A : memref<!tpu.dma_semaphore, #tpu.memory_space<semaphore_mem>>) src(%arg13 : memref<80x128xf32, #tpu.memory_space<vmem>>) dst(%dma_wait3A_56 : memref<80x128xf32, #tpu.memory_space<hbm>>)
        tpu.yield
      }) : () -> ()
      %add3A_45 = arith.constant 1920 : i32
      %add3A_46 = arith.addi %add3A_14, %add3A_45 : i32
      "tpu.region"() ({
        %run_scoped3A = tpu.sem_alloc : memref<!tpu.dma_semaphore, #tpu.memory_space<semaphore_mem>>
        %dma_start3A_49 = arith.constant 0 : i32
        %dma_start3A_50 = tpu.memref_slice %arg8[%add3A_46, %dma_start3A_49] : memref<320000x128xf32, #tpu.memory_space<hbm>> -> memref<80x128xf32, #tpu.memory_space<hbm>>
        %dma_start3A_51 = arith.constant 0 : i32
        %dma_start3A_52 = tpu.memref_slice %arg8[%add3A_46, %dma_start3A_51] : memref<320000x128xf32, #tpu.memory_space<hbm>> -> memref<80x128xf32, #tpu.memory_space<hbm>>
        tpu.enqueue_dma source(%arg14 : memref<80x128xf32, #tpu.memory_space<vmem>>) target(%dma_start3A_52 : memref<80x128xf32, #tpu.memory_space<hbm>>) target_semaphore(%run_scoped3A : memref<!tpu.dma_semaphore, #tpu.memory_space<semaphore_mem>>)
        %dma_wait3A_53 = arith.constant 0 : i32
        %dma_wait3A_54 = tpu.memref_slice %arg8[%add3A_46, %dma_wait3A_53] : memref<320000x128xf32, #tpu.memory_space<hbm>> -> memref<80x128xf32, #tpu.memory_space<hbm>>
        %dma_wait3A_55 = arith.constant 0 : i32
        %dma_wait3A_56 = tpu.memref_slice %arg8[%add3A_46, %dma_wait3A_55] : memref<320000x128xf32, #tpu.memory_space<hbm>> -> memref<80x128xf32, #tpu.memory_space<hbm>>
        tpu.wait_dma2 semaphore(%run_scoped3A : memref<!tpu.dma_semaphore, #tpu.memory_space<semaphore_mem>>) src(%arg14 : memref<80x128xf32, #tpu.memory_space<vmem>>) dst(%dma_wait3A_56 : memref<80x128xf32, #tpu.memory_space<hbm>>)
        tpu.yield
      }) : () -> ()
      %add3A_47 = arith.constant 1920 : i32
      %add3A_48 = arith.addi %add3A_14, %add3A_47 : i32
      "tpu.region"() ({
        %run_scoped3A = tpu.sem_alloc : memref<!tpu.dma_semaphore, #tpu.memory_space<semaphore_mem>>
        %dma_start3A_49 = arith.constant 0 : i32
        %dma_start3A_50 = tpu.memref_slice %arg9[%add3A_48, %dma_start3A_49] : memref<320000x128xf32, #tpu.memory_space<hbm>> -> memref<80x128xf32, #tpu.memory_space<hbm>>
        %dma_start3A_51 = arith.constant 0 : i32
        %dma_start3A_52 = tpu.memref_slice %arg9[%add3A_48, %dma_start3A_51] : memref<320000x128xf32, #tpu.memory_space<hbm>> -> memref<80x128xf32, #tpu.memory_space<hbm>>
        tpu.enqueue_dma source(%arg17 : memref<80x128xf32, #tpu.memory_space<vmem>>) target(%dma_start3A_52 : memref<80x128xf32, #tpu.memory_space<hbm>>) target_semaphore(%run_scoped3A : memref<!tpu.dma_semaphore, #tpu.memory_space<semaphore_mem>>)
        %dma_wait3A_53 = arith.constant 0 : i32
        %dma_wait3A_54 = tpu.memref_slice %arg9[%add3A_48, %dma_wait3A_53] : memref<320000x128xf32, #tpu.memory_space<hbm>> -> memref<80x128xf32, #tpu.memory_space<hbm>>
        %dma_wait3A_55 = arith.constant 0 : i32
        %dma_wait3A_56 = tpu.memref_slice %arg9[%add3A_48, %dma_wait3A_55] : memref<320000x128xf32, #tpu.memory_space<hbm>> -> memref<80x128xf32, #tpu.memory_space<hbm>>
        tpu.wait_dma2 semaphore(%run_scoped3A : memref<!tpu.dma_semaphore, #tpu.memory_space<semaphore_mem>>) src(%arg17 : memref<80x128xf32, #tpu.memory_space<vmem>>) dst(%dma_wait3A_56 : memref<80x128xf32, #tpu.memory_space<hbm>>)
        tpu.yield
      }) : () -> ()
    }
    %scan3A_4 = arith.constant 5 : i32
    return
  }
}

#map = affine_map<(d0, d1) -> (0, 0)>
#map1 = affine_map<(d0, d1) -> (0, 0, 0)>
#map2 = affine_map<(d0, d1) -> (0, 0, 0, 0)>
module attributes {stable_mosaic.version = 14 : i64} {
  func.func @body(%arg0: i32, %arg1: i32, %arg2: memref<160000x128xf32, #tpu.memory_space<hbm>>, %arg3: memref<32x5x2000xi32, #tpu.memory_space<hbm>>, %arg4: memref<32x5x2000xi32, #tpu.memory_space<hbm>>, %arg5: memref<32x5x25x80xi32, #tpu.memory_space<hbm>>, %arg6: memref<32x5x2000xf32, #tpu.memory_space<hbm>>, %arg7: memref<2x10000x128xf32, #tpu.memory_space<hbm>>, %arg8: memref<2000xi32, #tpu.memory_space<vmem>>, %arg9: memref<2000xi32, #tpu.memory_space<vmem>>, %arg10: memref<2000xi32, #tpu.memory_space<vmem>>, %arg11: memref<25x80xi32, #tpu.memory_space<vmem>>, %arg12: memref<2000xf32, #tpu.memory_space<vmem>>, %arg13: memref<80x128xf32, #tpu.memory_space<vmem>>, %arg14: memref<80x128xf32, #tpu.memory_space<vmem>>, %arg15: memref<10000x128xf32, #tpu.memory_space<vmem_shared>>, %arg16: memref<!tpu.dma_semaphore, #tpu.memory_space<semaphore_mem>>, %arg17: memref<!tpu.dma_semaphore, #tpu.memory_space<semaphore_mem>>) attributes {dimension_semantics = [#tpu.dimension_semantics<core_parallel>, #tpu.dimension_semantics<subcore_parallel>], iteration_bounds = array<i64: 2, 16>, scalar_prefetch = 0 : i64, scratch_operands = 10 : i64, tpu.core_type = #tpu.core_type<sc_vector_subcore>, window_params = [{transform_indices = #map}, {transform_indices = #map1}, {transform_indices = #map1}, {transform_indices = #map2}, {transform_indices = #map1}, {transform_indices = #map1}]} {
    %mul3A = arith.constant 16 : i32
    %mul3A_0 = arith.muli %arg0, %mul3A : i32
    %add3A = arith.addi %mul3A_0, %arg1 : i32
    %broadcast_in_dim3A = arith.constant 0.000000e+00 : f32
    %broadcast_in_dim3A_1 = vector.broadcast %broadcast_in_dim3A : f32 to vector<16xf32>
    %scan3A = arith.constant 0 : i32
    %scan3A_2 = arith.constant 80 : i32
    %scan3A_3 = arith.addi %scan3A, %scan3A_2 : i32
    %scan3A_4 = arith.constant 1 : i32
    scf.for %scan3A_30 = %scan3A to %scan3A_3 step %scan3A_4  : i32 {
      %mul3A_31 = arith.constant 1 : i32
      %mul3A_32 = arith.muli %scan3A_30, %mul3A_31 : i32
      %add3A_33 = arith.constant 0 : i32
      %add3A_34 = arith.addi %add3A_33, %mul3A_32 : i32
      %swap3A = arith.index_cast %add3A_34 : i32 to index
      %swap3A_35 = arith.constant 0 : index
      %swap3A_36 = tpu.vector_load %arg13[%swap3A, %swap3A_35] {strides = array<i32>} : memref<80x128xf32, #tpu.memory_space<vmem>>, vector<16xf32>,
      tpu.vector_store %arg13[%swap3A, %swap3A_35], %broadcast_in_dim3A_1 {strides = array<i32>} : memref<80x128xf32, #tpu.memory_space<vmem>>, vector<16xf32>,
      %swap3A_37 = arith.index_cast %add3A_34 : i32 to index
      %swap3A_38 = arith.constant 16 : index
      %swap3A_39 = tpu.vector_load %arg13[%swap3A_37, %swap3A_38] {strides = array<i32>} : memref<80x128xf32, #tpu.memory_space<vmem>>, vector<16xf32>,
      tpu.vector_store %arg13[%swap3A_37, %swap3A_38], %broadcast_in_dim3A_1 {strides = array<i32>} : memref<80x128xf32, #tpu.memory_space<vmem>>, vector<16xf32>,
      %swap3A_40 = arith.index_cast %add3A_34 : i32 to index
      %swap3A_41 = arith.constant 32 : index
      %swap3A_42 = tpu.vector_load %arg13[%swap3A_40, %swap3A_41] {strides = array<i32>} : memref<80x128xf32, #tpu.memory_space<vmem>>, vector<16xf32>,
      tpu.vector_store %arg13[%swap3A_40, %swap3A_41], %broadcast_in_dim3A_1 {strides = array<i32>} : memref<80x128xf32, #tpu.memory_space<vmem>>, vector<16xf32>,
      %swap3A_43 = arith.index_cast %add3A_34 : i32 to index
      %swap3A_44 = arith.constant 48 : index
      %swap3A_45 = tpu.vector_load %arg13[%swap3A_43, %swap3A_44] {strides = array<i32>} : memref<80x128xf32, #tpu.memory_space<vmem>>, vector<16xf32>,
      tpu.vector_store %arg13[%swap3A_43, %swap3A_44], %broadcast_in_dim3A_1 {strides = array<i32>} : memref<80x128xf32, #tpu.memory_space<vmem>>, vector<16xf32>,
      %swap3A_46 = arith.index_cast %add3A_34 : i32 to index
      %swap3A_47 = arith.constant 64 : index
      %swap3A_48 = tpu.vector_load %arg13[%swap3A_46, %swap3A_47] {strides = array<i32>} : memref<80x128xf32, #tpu.memory_space<vmem>>, vector<16xf32>,
      tpu.vector_store %arg13[%swap3A_46, %swap3A_47], %broadcast_in_dim3A_1 {strides = array<i32>} : memref<80x128xf32, #tpu.memory_space<vmem>>, vector<16xf32>,
      %swap3A_49 = arith.index_cast %add3A_34 : i32 to index
      %swap3A_50 = arith.constant 80 : index
      %swap3A_51 = tpu.vector_load %arg13[%swap3A_49, %swap3A_50] {strides = array<i32>} : memref<80x128xf32, #tpu.memory_space<vmem>>, vector<16xf32>,
      tpu.vector_store %arg13[%swap3A_49, %swap3A_50], %broadcast_in_dim3A_1 {strides = array<i32>} : memref<80x128xf32, #tpu.memory_space<vmem>>, vector<16xf32>,
      %swap3A_52 = arith.index_cast %add3A_34 : i32 to index
      %swap3A_53 = arith.constant 96 : index
      %swap3A_54 = tpu.vector_load %arg13[%swap3A_52, %swap3A_53] {strides = array<i32>} : memref<80x128xf32, #tpu.memory_space<vmem>>, vector<16xf32>,
      tpu.vector_store %arg13[%swap3A_52, %swap3A_53], %broadcast_in_dim3A_1 {strides = array<i32>} : memref<80x128xf32, #tpu.memory_space<vmem>>, vector<16xf32>,
      %swap3A_55 = arith.index_cast %add3A_34 : i32 to index
      %swap3A_56 = arith.constant 112 : index
      %swap3A_57 = tpu.vector_load %arg13[%swap3A_55, %swap3A_56] {strides = array<i32>} : memref<80x128xf32, #tpu.memory_space<vmem>>, vector<16xf32>,
      tpu.vector_store %arg13[%swap3A_55, %swap3A_56], %broadcast_in_dim3A_1 {strides = array<i32>} : memref<80x128xf32, #tpu.memory_space<vmem>>, vector<16xf32>,
    }
    %scan3A_5 = arith.constant 80 : i32
    %mul3A_6 = arith.constant 624 : i32
    %mul3A_7 = arith.muli %arg1, %mul3A_6 : i32
    %scan3A_8 = arith.constant 0 : i32
    %scan3A_9 = arith.constant 7 : i32
    %scan3A_10 = arith.addi %scan3A_8, %scan3A_9 : i32
    %scan3A_11 = arith.constant 1 : i32
    scf.for %scan3A_30 = %scan3A_8 to %scan3A_10 step %scan3A_11  : i32 {
      %mul3A_31 = arith.constant 1 : i32
      %mul3A_32 = arith.muli %scan3A_30, %mul3A_31 : i32
      %add3A_33 = arith.constant 0 : i32
      %add3A_34 = arith.addi %add3A_33, %mul3A_32 : i32
      %mul3A_35 = arith.constant 80 : i32
      %mul3A_36 = arith.muli %add3A_34, %mul3A_35 : i32
      %add3A_37 = arith.addi %mul3A_7, %mul3A_36 : i32
      "tpu.region"() ({
        %run_scoped3A = tpu.sem_alloc : memref<!tpu.dma_semaphore, #tpu.memory_space<semaphore_mem>>
        %dma_start3A = arith.constant 0 : i32
        %dma_start3A_38 = tpu.memref_slice %arg15[%add3A_37, %dma_start3A] : memref<10000x128xf32, #tpu.memory_space<vmem_shared>> -> memref<80x128xf32, #tpu.memory_space<vmem_shared>>
        %dma_start3A_39 = arith.constant 0 : i32
        %dma_start3A_40 = tpu.memref_slice %arg15[%add3A_37, %dma_start3A_39] : memref<10000x128xf32, #tpu.memory_space<vmem_shared>> -> memref<80x128xf32, #tpu.memory_space<vmem_shared>>
        tpu.enqueue_dma source(%arg13 : memref<80x128xf32, #tpu.memory_space<vmem>>) target(%dma_start3A_40 : memref<80x128xf32, #tpu.memory_space<vmem_shared>>) target_semaphore(%run_scoped3A : memref<!tpu.dma_semaphore, #tpu.memory_space<semaphore_mem>>)
        %dma_wait3A = arith.constant 0 : i32
        %dma_wait3A_41 = tpu.memref_slice %arg15[%add3A_37, %dma_wait3A] : memref<10000x128xf32, #tpu.memory_space<vmem_shared>> -> memref<80x128xf32, #tpu.memory_space<vmem_shared>>
        %dma_wait3A_42 = arith.constant 0 : i32
        %dma_wait3A_43 = tpu.memref_slice %arg15[%add3A_37, %dma_wait3A_42] : memref<10000x128xf32, #tpu.memory_space<vmem_shared>> -> memref<80x128xf32, #tpu.memory_space<vmem_shared>>
        tpu.wait_dma2 semaphore(%run_scoped3A : memref<!tpu.dma_semaphore, #tpu.memory_space<semaphore_mem>>) src(%arg13 : memref<80x128xf32, #tpu.memory_space<vmem>>) dst(%dma_wait3A_43 : memref<80x128xf32, #tpu.memory_space<vmem_shared>>)
        tpu.yield
      }) : () -> ()
    }
    %scan3A_12 = arith.constant 7 : i32
    %add3A_13 = arith.constant 560 : i32
    %add3A_14 = arith.addi %mul3A_7, %add3A_13 : i32
    "tpu.region"() ({
      %run_scoped3A = tpu.sem_alloc : memref<!tpu.dma_semaphore, #tpu.memory_space<semaphore_mem>>
      %dma_start3A = arith.constant 0 : i32
      %dma_start3A_30 = arith.constant 0 : i32
      %dma_start3A_31 = tpu.memref_slice %arg13[%dma_start3A, %dma_start3A_30] : memref<80x128xf32, #tpu.memory_space<vmem>> -> memref<64x128xf32, #tpu.memory_space<vmem>>
      %dma_start3A_32 = arith.constant 0 : i32
      %dma_start3A_33 = tpu.memref_slice %arg15[%add3A_14, %dma_start3A_32] : memref<10000x128xf32, #tpu.memory_space<vmem_shared>> -> memref<64x128xf32, #tpu.memory_space<vmem_shared>>
      %dma_start3A_34 = arith.constant 0 : i32
      %dma_start3A_35 = tpu.memref_slice %arg15[%add3A_14, %dma_start3A_34] : memref<10000x128xf32, #tpu.memory_space<vmem_shared>> -> memref<64x128xf32, #tpu.memory_space<vmem_shared>>
      %dma_start3A_36 = arith.constant 0 : i32
      %dma_start3A_37 = arith.constant 0 : i32
      %dma_start3A_38 = tpu.memref_slice %arg13[%dma_start3A_36, %dma_start3A_37] : memref<80x128xf32, #tpu.memory_space<vmem>> -> memref<64x128xf32, #tpu.memory_space<vmem>>
      tpu.enqueue_dma source(%dma_start3A_38 : memref<64x128xf32, #tpu.memory_space<vmem>>) target(%dma_start3A_35 : memref<64x128xf32, #tpu.memory_space<vmem_shared>>) target_semaphore(%run_scoped3A : memref<!tpu.dma_semaphore, #tpu.memory_space<semaphore_mem>>)
      %dma_wait3A = arith.constant 0 : i32
      %dma_wait3A_39 = arith.constant 0 : i32
      %dma_wait3A_40 = tpu.memref_slice %arg13[%dma_wait3A, %dma_wait3A_39] : memref<80x128xf32, #tpu.memory_space<vmem>> -> memref<64x128xf32, #tpu.memory_space<vmem>>
      %dma_wait3A_41 = arith.constant 0 : i32
      %dma_wait3A_42 = tpu.memref_slice %arg15[%add3A_14, %dma_wait3A_41] : memref<10000x128xf32, #tpu.memory_space<vmem_shared>> -> memref<64x128xf32, #tpu.memory_space<vmem_shared>>
      %dma_wait3A_43 = arith.constant 0 : i32
      %dma_wait3A_44 = tpu.memref_slice %arg15[%add3A_14, %dma_wait3A_43] : memref<10000x128xf32, #tpu.memory_space<vmem_shared>> -> memref<64x128xf32, #tpu.memory_space<vmem_shared>>
      %dma_wait3A_45 = arith.constant 0 : i32
      %dma_wait3A_46 = arith.constant 0 : i32
      %dma_wait3A_47 = tpu.memref_slice %arg13[%dma_wait3A_45, %dma_wait3A_46] : memref<80x128xf32, #tpu.memory_space<vmem>> -> memref<64x128xf32, #tpu.memory_space<vmem>>
      tpu.wait_dma2 semaphore(%run_scoped3A : memref<!tpu.dma_semaphore, #tpu.memory_space<semaphore_mem>>) src(%dma_wait3A_47 : memref<64x128xf32, #tpu.memory_space<vmem>>) dst(%dma_wait3A_44 : memref<64x128xf32, #tpu.memory_space<vmem_shared>>)
      tpu.yield
    }) : () -> ()
    %eq3A = arith.constant 0 : i32
    %eq3A_15 = arith.cmpi eq, %arg1, %eq3A : i32
    %convert_element_type3A = arith.extui %eq3A_15 : i1 to i32
    %cond3A = arith.constant 0 : i32
    %cond3A_16 = arith.cmpi ne, %convert_element_type3A, %cond3A : i32
    scf.if %cond3A_16 {
      "tpu.region"() ({
        %run_scoped3A = tpu.sem_alloc : memref<!tpu.dma_semaphore, #tpu.memory_space<semaphore_mem>>
        %dma_start3A = arith.constant 0 : i32
        %dma_start3A_30 = arith.constant 0 : i32
        %dma_start3A_31 = tpu.memref_slice %arg13[%dma_start3A, %dma_start3A_30] : memref<80x128xf32, #tpu.memory_space<vmem>> -> memref<16x128xf32, #tpu.memory_space<vmem>>
        %dma_start3A_32 = arith.constant 9984 : i32
        %dma_start3A_33 = arith.constant 0 : i32
        %dma_start3A_34 = tpu.memref_slice %arg15[%dma_start3A_32, %dma_start3A_33] : memref<10000x128xf32, #tpu.memory_space<vmem_shared>> -> memref<16x128xf32, #tpu.memory_space<vmem_shared>>
        %dma_start3A_35 = arith.constant 9984 : i32
        %dma_start3A_36 = arith.constant 0 : i32
        %dma_start3A_37 = tpu.memref_slice %arg15[%dma_start3A_35, %dma_start3A_36] : memref<10000x128xf32, #tpu.memory_space<vmem_shared>> -> memref<16x128xf32, #tpu.memory_space<vmem_shared>>
        %dma_start3A_38 = arith.constant 0 : i32
        %dma_start3A_39 = arith.constant 0 : i32
        %dma_start3A_40 = tpu.memref_slice %arg13[%dma_start3A_38, %dma_start3A_39] : memref<80x128xf32, #tpu.memory_space<vmem>> -> memref<16x128xf32, #tpu.memory_space<vmem>>
        tpu.enqueue_dma source(%dma_start3A_40 : memref<16x128xf32, #tpu.memory_space<vmem>>) target(%dma_start3A_37 : memref<16x128xf32, #tpu.memory_space<vmem_shared>>) target_semaphore(%run_scoped3A : memref<!tpu.dma_semaphore, #tpu.memory_space<semaphore_mem>>)
        %dma_wait3A = arith.constant 0 : i32
        %dma_wait3A_41 = arith.constant 0 : i32
        %dma_wait3A_42 = tpu.memref_slice %arg13[%dma_wait3A, %dma_wait3A_41] : memref<80x128xf32, #tpu.memory_space<vmem>> -> memref<16x128xf32, #tpu.memory_space<vmem>>
        %dma_wait3A_43 = arith.constant 9984 : i32
        %dma_wait3A_44 = arith.constant 0 : i32
        %dma_wait3A_45 = tpu.memref_slice %arg15[%dma_wait3A_43, %dma_wait3A_44] : memref<10000x128xf32, #tpu.memory_space<vmem_shared>> -> memref<16x128xf32, #tpu.memory_space<vmem_shared>>
        %dma_wait3A_46 = arith.constant 9984 : i32
        %dma_wait3A_47 = arith.constant 0 : i32
        %dma_wait3A_48 = tpu.memref_slice %arg15[%dma_wait3A_46, %dma_wait3A_47] : memref<10000x128xf32, #tpu.memory_space<vmem_shared>> -> memref<16x128xf32, #tpu.memory_space<vmem_shared>>
        %dma_wait3A_49 = arith.constant 0 : i32
        %dma_wait3A_50 = arith.constant 0 : i32
        %dma_wait3A_51 = tpu.memref_slice %arg13[%dma_wait3A_49, %dma_wait3A_50] : memref<80x128xf32, #tpu.memory_space<vmem>> -> memref<16x128xf32, #tpu.memory_space<vmem>>
        tpu.wait_dma2 semaphore(%run_scoped3A : memref<!tpu.dma_semaphore, #tpu.memory_space<semaphore_mem>>) src(%dma_wait3A_51 : memref<16x128xf32, #tpu.memory_space<vmem>>) dst(%dma_wait3A_48 : memref<16x128xf32, #tpu.memory_space<vmem_shared>>)
        tpu.yield
      }) : () -> ()
    } else {
    }
    %barrier3A = arith.constant 0 : index
    tpu.barrier barrier_id(%barrier3A)
    %scan3A_17 = arith.constant 0 : i32
    %scan3A_18 = arith.constant 5 : i32
    %scan3A_19 = arith.addi %scan3A_17, %scan3A_18 : i32
    %scan3A_20 = arith.constant 1 : i32
    scf.for %scan3A_30 = %scan3A_17 to %scan3A_19 step %scan3A_20  : i32 {
      %mul3A_31 = arith.constant 1 : i32
      %mul3A_32 = arith.muli %scan3A_30, %mul3A_31 : i32
      %add3A_33 = arith.constant 0 : i32
      %add3A_34 = arith.addi %add3A_33, %mul3A_32 : i32
      "tpu.region"() ({
        %run_scoped3A_58 = tpu.sem_alloc : memref<!tpu.dma_semaphore, #tpu.memory_space<semaphore_mem>>
        %dma_start3A_59 = arith.constant 0 : i32
        %dma_start3A_60 = tpu.memref_slice %arg3[%add3A, %add3A_34, %dma_start3A_59] : memref<32x5x2000xi32, #tpu.memory_space<hbm>> -> memref<1x1x2000xi32, #tpu.memory_space<hbm>>
        %dma_start3A_61 = tpu.memref_squeeze %dma_start3A_60 : memref<1x1x2000xi32, #tpu.memory_space<hbm>> -> memref<2000xi32, #tpu.memory_space<hbm>>
        %dma_start3A_62 = arith.constant 0 : i32
        %dma_start3A_63 = tpu.memref_slice %arg3[%add3A, %add3A_34, %dma_start3A_62] : memref<32x5x2000xi32, #tpu.memory_space<hbm>> -> memref<1x1x2000xi32, #tpu.memory_space<hbm>>
        %dma_start3A_64 = tpu.memref_squeeze %dma_start3A_63 : memref<1x1x2000xi32, #tpu.memory_space<hbm>> -> memref<2000xi32, #tpu.memory_space<hbm>>
        tpu.enqueue_dma source(%dma_start3A_64 : memref<2000xi32, #tpu.memory_space<hbm>>) target(%arg8 : memref<2000xi32, #tpu.memory_space<vmem>>) target_semaphore(%run_scoped3A_58 : memref<!tpu.dma_semaphore, #tpu.memory_space<semaphore_mem>>)
        %dma_wait3A_65 = arith.constant 0 : i32
        %dma_wait3A_66 = tpu.memref_slice %arg3[%add3A, %add3A_34, %dma_wait3A_65] : memref<32x5x2000xi32, #tpu.memory_space<hbm>> -> memref<1x1x2000xi32, #tpu.memory_space<hbm>>
        %dma_wait3A_67 = tpu.memref_squeeze %dma_wait3A_66 : memref<1x1x2000xi32, #tpu.memory_space<hbm>> -> memref<2000xi32, #tpu.memory_space<hbm>>
        %dma_wait3A_68 = arith.constant 0 : i32
        %dma_wait3A_69 = tpu.memref_slice %arg3[%add3A, %add3A_34, %dma_wait3A_68] : memref<32x5x2000xi32, #tpu.memory_space<hbm>> -> memref<1x1x2000xi32, #tpu.memory_space<hbm>>
        %dma_wait3A_70 = tpu.memref_squeeze %dma_wait3A_69 : memref<1x1x2000xi32, #tpu.memory_space<hbm>> -> memref<2000xi32, #tpu.memory_space<hbm>>
        tpu.wait_dma2 semaphore(%run_scoped3A_58 : memref<!tpu.dma_semaphore, #tpu.memory_space<semaphore_mem>>) src(%dma_wait3A_70 : memref<2000xi32, #tpu.memory_space<hbm>>) dst(%arg8 : memref<2000xi32, #tpu.memory_space<vmem>>)
        tpu.yield
      }) : () -> ()
      "tpu.region"() ({
        %run_scoped3A_58 = tpu.sem_alloc : memref<!tpu.dma_semaphore, #tpu.memory_space<semaphore_mem>>
        %dma_start3A_59 = arith.constant 0 : i32
        %dma_start3A_60 = tpu.memref_slice %arg4[%add3A, %add3A_34, %dma_start3A_59] : memref<32x5x2000xi32, #tpu.memory_space<hbm>> -> memref<1x1x2000xi32, #tpu.memory_space<hbm>>
        %dma_start3A_61 = tpu.memref_squeeze %dma_start3A_60 : memref<1x1x2000xi32, #tpu.memory_space<hbm>> -> memref<2000xi32, #tpu.memory_space<hbm>>
        %dma_start3A_62 = arith.constant 0 : i32
        %dma_start3A_63 = tpu.memref_slice %arg4[%add3A, %add3A_34, %dma_start3A_62] : memref<32x5x2000xi32, #tpu.memory_space<hbm>> -> memref<1x1x2000xi32, #tpu.memory_space<hbm>>
        %dma_start3A_64 = tpu.memref_squeeze %dma_start3A_63 : memref<1x1x2000xi32, #tpu.memory_space<hbm>> -> memref<2000xi32, #tpu.memory_space<hbm>>
        tpu.enqueue_dma source(%dma_start3A_64 : memref<2000xi32, #tpu.memory_space<hbm>>) target(%arg9 : memref<2000xi32, #tpu.memory_space<vmem>>) target_semaphore(%run_scoped3A_58 : memref<!tpu.dma_semaphore, #tpu.memory_space<semaphore_mem>>)
        %dma_wait3A_65 = arith.constant 0 : i32
        %dma_wait3A_66 = tpu.memref_slice %arg4[%add3A, %add3A_34, %dma_wait3A_65] : memref<32x5x2000xi32, #tpu.memory_space<hbm>> -> memref<1x1x2000xi32, #tpu.memory_space<hbm>>
        %dma_wait3A_67 = tpu.memref_squeeze %dma_wait3A_66 : memref<1x1x2000xi32, #tpu.memory_space<hbm>> -> memref<2000xi32, #tpu.memory_space<hbm>>
        %dma_wait3A_68 = arith.constant 0 : i32
        %dma_wait3A_69 = tpu.memref_slice %arg4[%add3A, %add3A_34, %dma_wait3A_68] : memref<32x5x2000xi32, #tpu.memory_space<hbm>> -> memref<1x1x2000xi32, #tpu.memory_space<hbm>>
        %dma_wait3A_70 = tpu.memref_squeeze %dma_wait3A_69 : memref<1x1x2000xi32, #tpu.memory_space<hbm>> -> memref<2000xi32, #tpu.memory_space<hbm>>
        tpu.wait_dma2 semaphore(%run_scoped3A_58 : memref<!tpu.dma_semaphore, #tpu.memory_space<semaphore_mem>>) src(%dma_wait3A_70 : memref<2000xi32, #tpu.memory_space<hbm>>) dst(%arg9 : memref<2000xi32, #tpu.memory_space<vmem>>)
        tpu.yield
      }) : () -> ()
      "tpu.region"() ({
        %run_scoped3A_58 = tpu.sem_alloc : memref<!tpu.dma_semaphore, #tpu.memory_space<semaphore_mem>>
        %dma_start3A_59 = arith.constant 0 : i32
        %dma_start3A_60 = arith.constant 0 : i32
        %dma_start3A_61 = tpu.memref_slice %arg5[%add3A, %add3A_34, %dma_start3A_59, %dma_start3A_60] : memref<32x5x25x80xi32, #tpu.memory_space<hbm>> -> memref<1x1x25x80xi32, #tpu.memory_space<hbm>>
        %dma_start3A_62 = tpu.memref_squeeze %dma_start3A_61 : memref<1x1x25x80xi32, #tpu.memory_space<hbm>> -> memref<25x80xi32, #tpu.memory_space<hbm>>
        %dma_start3A_63 = arith.constant 0 : i32
        %dma_start3A_64 = arith.constant 0 : i32
        %dma_start3A_65 = tpu.memref_slice %arg5[%add3A, %add3A_34, %dma_start3A_63, %dma_start3A_64] : memref<32x5x25x80xi32, #tpu.memory_space<hbm>> -> memref<1x1x25x80xi32, #tpu.memory_space<hbm>>
        %dma_start3A_66 = tpu.memref_squeeze %dma_start3A_65 : memref<1x1x25x80xi32, #tpu.memory_space<hbm>> -> memref<25x80xi32, #tpu.memory_space<hbm>>
        tpu.enqueue_dma source(%dma_start3A_66 : memref<25x80xi32, #tpu.memory_space<hbm>>) target(%arg11 : memref<25x80xi32, #tpu.memory_space<vmem>>) target_semaphore(%run_scoped3A_58 : memref<!tpu.dma_semaphore, #tpu.memory_space<semaphore_mem>>)
        %dma_wait3A_67 = arith.constant 0 : i32
        %dma_wait3A_68 = arith.constant 0 : i32
        %dma_wait3A_69 = tpu.memref_slice %arg5[%add3A, %add3A_34, %dma_wait3A_67, %dma_wait3A_68] : memref<32x5x25x80xi32, #tpu.memory_space<hbm>> -> memref<1x1x25x80xi32, #tpu.memory_space<hbm>>
        %dma_wait3A_70 = tpu.memref_squeeze %dma_wait3A_69 : memref<1x1x25x80xi32, #tpu.memory_space<hbm>> -> memref<25x80xi32, #tpu.memory_space<hbm>>
        %dma_wait3A_71 = arith.constant 0 : i32
        %dma_wait3A_72 = arith.constant 0 : i32
        %dma_wait3A_73 = tpu.memref_slice %arg5[%add3A, %add3A_34, %dma_wait3A_71, %dma_wait3A_72] : memref<32x5x25x80xi32, #tpu.memory_space<hbm>> -> memref<1x1x25x80xi32, #tpu.memory_space<hbm>>
        %dma_wait3A_74 = tpu.memref_squeeze %dma_wait3A_73 : memref<1x1x25x80xi32, #tpu.memory_space<hbm>> -> memref<25x80xi32, #tpu.memory_space<hbm>>
        tpu.wait_dma2 semaphore(%run_scoped3A_58 : memref<!tpu.dma_semaphore, #tpu.memory_space<semaphore_mem>>) src(%dma_wait3A_74 : memref<25x80xi32, #tpu.memory_space<hbm>>) dst(%arg11 : memref<25x80xi32, #tpu.memory_space<vmem>>)
        tpu.yield
      }) : () -> ()
      "tpu.region"() ({
        %run_scoped3A_58 = tpu.sem_alloc : memref<!tpu.dma_semaphore, #tpu.memory_space<semaphore_mem>>
        %dma_start3A_59 = arith.constant 0 : i32
        %dma_start3A_60 = tpu.memref_slice %arg6[%add3A, %add3A_34, %dma_start3A_59] : memref<32x5x2000xf32, #tpu.memory_space<hbm>> -> memref<1x1x2000xf32, #tpu.memory_space<hbm>>
        %dma_start3A_61 = tpu.memref_squeeze %dma_start3A_60 : memref<1x1x2000xf32, #tpu.memory_space<hbm>> -> memref<2000xf32, #tpu.memory_space<hbm>>
        %dma_start3A_62 = arith.constant 0 : i32
        %dma_start3A_63 = tpu.memref_slice %arg6[%add3A, %add3A_34, %dma_start3A_62] : memref<32x5x2000xf32, #tpu.memory_space<hbm>> -> memref<1x1x2000xf32, #tpu.memory_space<hbm>>
        %dma_start3A_64 = tpu.memref_squeeze %dma_start3A_63 : memref<1x1x2000xf32, #tpu.memory_space<hbm>> -> memref<2000xf32, #tpu.memory_space<hbm>>
        tpu.enqueue_dma source(%dma_start3A_64 : memref<2000xf32, #tpu.memory_space<hbm>>) target(%arg12 : memref<2000xf32, #tpu.memory_space<vmem>>) target_semaphore(%run_scoped3A_58 : memref<!tpu.dma_semaphore, #tpu.memory_space<semaphore_mem>>)
        %dma_wait3A_65 = arith.constant 0 : i32
        %dma_wait3A_66 = tpu.memref_slice %arg6[%add3A, %add3A_34, %dma_wait3A_65] : memref<32x5x2000xf32, #tpu.memory_space<hbm>> -> memref<1x1x2000xf32, #tpu.memory_space<hbm>>
        %dma_wait3A_67 = tpu.memref_squeeze %dma_wait3A_66 : memref<1x1x2000xf32, #tpu.memory_space<hbm>> -> memref<2000xf32, #tpu.memory_space<hbm>>
        %dma_wait3A_68 = arith.constant 0 : i32
        %dma_wait3A_69 = tpu.memref_slice %arg6[%add3A, %add3A_34, %dma_wait3A_68] : memref<32x5x2000xf32, #tpu.memory_space<hbm>> -> memref<1x1x2000xf32, #tpu.memory_space<hbm>>
        %dma_wait3A_70 = tpu.memref_squeeze %dma_wait3A_69 : memref<1x1x2000xf32, #tpu.memory_space<hbm>> -> memref<2000xf32, #tpu.memory_space<hbm>>
        tpu.wait_dma2 semaphore(%run_scoped3A_58 : memref<!tpu.dma_semaphore, #tpu.memory_space<semaphore_mem>>) src(%dma_wait3A_70 : memref<2000xf32, #tpu.memory_space<hbm>>) dst(%arg12 : memref<2000xf32, #tpu.memory_space<vmem>>)
        tpu.yield
      }) : () -> ()
      %scan3A_35 = arith.constant 0 : i32
      %scan3A_36 = arith.constant 125 : i32
      %scan3A_37 = arith.addi %scan3A_35, %scan3A_36 : i32
      %scan3A_38 = arith.constant 1 : i32
      scf.for %scan3A_58 = %scan3A_35 to %scan3A_37 step %scan3A_38  : i32 {
        %mul3A_59 = arith.constant 1 : i32
        %mul3A_60 = arith.muli %scan3A_58, %mul3A_59 : i32
        %add3A_61 = arith.constant 0 : i32
        %add3A_62 = arith.addi %add3A_61, %mul3A_60 : i32
        %mul3A_63 = arith.constant 16 : i32
        %mul3A_64 = arith.muli %add3A_62, %mul3A_63 : i32
        %get3A = arith.index_cast %mul3A_64 : i32 to index
        %get3A_65 = tpu.vector_load %arg9[%get3A] {strides = array<i32>} : memref<2000xi32, #tpu.memory_space<vmem>>, vector<16xi32>,
        %mul3A_66 = arith.constant 10000 : i32
        %mul3A_67 = vector.broadcast %mul3A_66 : i32 to vector<16xi32>
        %mul3A_68 = arith.muli %get3A_65, %mul3A_67 : vector<16xi32>
        %mul3A_69 = arith.constant 16 : i32
        %mul3A_70 = arith.muli %add3A_62, %mul3A_69 : i32
        %get3A_71 = arith.index_cast %mul3A_70 : i32 to index
        %get3A_72 = tpu.vector_load %arg8[%get3A_71] {strides = array<i32>} : memref<2000xi32, #tpu.memory_space<vmem>>, vector<16xi32>,
        %add3A_73 = arith.addi %mul3A_68, %get3A_72 : vector<16xi32>
        %mul3A_74 = arith.constant 16 : i32
        %mul3A_75 = arith.muli %add3A_62, %mul3A_74 : i32
        %swap3A = arith.index_cast %mul3A_75 : i32 to index
        %swap3A_76 = tpu.vector_load %arg10[%swap3A] {strides = array<i32>} : memref<2000xi32, #tpu.memory_space<vmem>>, vector<16xi32>,
        tpu.vector_store %arg10[%swap3A], %add3A_73 {strides = array<i32>} : memref<2000xi32, #tpu.memory_space<vmem>>, vector<16xi32>,
      }
      %scan3A_39 = arith.constant 125 : i32
      %dma_start3A = arith.constant 0 : i32
      %dma_start3A_40 = tpu.memref_slice %arg10[%dma_start3A] : memref<2000xi32, #tpu.memory_space<vmem>> -> memref<80xi32, #tpu.memory_space<vmem>>
      %dma_start3A_41 = arith.constant 0 : i32
      %dma_start3A_42 = arith.constant 0 : i32
      %dma_start3A_43 = tpu.memref_slice %arg2[%dma_start3A_41, %dma_start3A_42] : memref<160000x128xf32, #tpu.memory_space<hbm>> -> memref<160000x128xf32, #tpu.memory_space<hbm>>
      tpu.enqueue_indirect_dma source(%dma_start3A_43 : memref<160000x128xf32, #tpu.memory_space<hbm>>) target(%arg13 : memref<80x128xf32, #tpu.memory_space<vmem>>) offsets(%dma_start3A_40 : memref<80xi32, #tpu.memory_space<vmem>>) semaphore(%arg16 : memref<!tpu.dma_semaphore, #tpu.memory_space<semaphore_mem>>)
      %scan3A_44 = arith.constant 0 : i32
      %scan3A_45 = arith.constant 12 : i32
      %scan3A_46 = arith.addi %scan3A_44, %scan3A_45 : i32
      %scan3A_47 = arith.constant 1 : i32
      scf.for %scan3A_58 = %scan3A_44 to %scan3A_46 step %scan3A_47  : i32 {
        %mul3A_59 = arith.constant 1 : i32
        %mul3A_60 = arith.muli %scan3A_58, %mul3A_59 : i32
        %add3A_61 = arith.constant 0 : i32
        %add3A_62 = arith.addi %add3A_61, %mul3A_60 : i32
        %mul3A_63 = arith.constant 2 : i32
        %mul3A_64 = arith.muli %mul3A_63, %add3A_62 : i32
        %add3A_65 = arith.constant 1 : i32
        %add3A_66 = arith.addi %mul3A_64, %add3A_65 : i32
        %mul3A_67 = arith.constant 80 : i32
        %mul3A_68 = arith.muli %add3A_66, %mul3A_67 : i32
        %dma_start3A_69 = tpu.memref_slice %arg10[%mul3A_68] : memref<2000xi32, #tpu.memory_space<vmem>> -> memref<80xi32, #tpu.memory_space<vmem>>
        %dma_start3A_70 = arith.constant 0 : i32
        %dma_start3A_71 = arith.constant 0 : i32
        %dma_start3A_72 = tpu.memref_slice %arg2[%dma_start3A_70, %dma_start3A_71] : memref<160000x128xf32, #tpu.memory_space<hbm>> -> memref<160000x128xf32, #tpu.memory_space<hbm>>
        tpu.enqueue_indirect_dma source(%dma_start3A_72 : memref<160000x128xf32, #tpu.memory_space<hbm>>) target(%arg14 : memref<80x128xf32, #tpu.memory_space<vmem>>) offsets(%dma_start3A_69 : memref<80xi32, #tpu.memory_space<vmem>>) semaphore(%arg17 : memref<!tpu.dma_semaphore, #tpu.memory_space<semaphore_mem>>)
        %dma_wait3A_73 = arith.constant 0 : i32
        %dma_wait3A_74 = tpu.memref_slice %arg10[%dma_wait3A_73] : memref<2000xi32, #tpu.memory_space<vmem>> -> memref<80xi32, #tpu.memory_space<vmem>>
        %dma_wait3A_75 = arith.constant 0 : i32
        %dma_wait3A_76 = arith.constant 0 : i32
        %dma_wait3A_77 = tpu.memref_slice %arg2[%dma_wait3A_75, %dma_wait3A_76] : memref<160000x128xf32, #tpu.memory_space<hbm>> -> memref<160000x128xf32, #tpu.memory_space<hbm>>
        tpu.wait_indirect_dma semaphore(%arg16 : memref<!tpu.dma_semaphore, #tpu.memory_space<semaphore_mem>>) src(%dma_wait3A_77 : memref<160000x128xf32, #tpu.memory_space<hbm>>) dst(%arg13 : memref<80x128xf32, #tpu.memory_space<vmem>>)
        %mul3A_78 = arith.constant 2 : i32
        %mul3A_79 = arith.muli %mul3A_78, %add3A_62 : i32
        %scan3A_80 = arith.constant 0 : i32
        %scan3A_81 = arith.constant 80 : i32
        %scan3A_82 = arith.addi %scan3A_80, %scan3A_81 : i32
        %scan3A_83 = arith.constant 1 : i32
        scf.for %scan3A_109 = %scan3A_80 to %scan3A_82 step %scan3A_83  : i32 {
          %mul3A_110 = arith.constant 1 : i32
          %mul3A_111 = arith.muli %scan3A_109, %mul3A_110 : i32
          %add3A_112 = arith.constant 0 : i32
          %add3A_113 = arith.addi %add3A_112, %mul3A_111 : i32
          %mul3A_114 = arith.constant 80 : i32
          %mul3A_115 = arith.muli %mul3A_79, %mul3A_114 : i32
          %add3A_116 = arith.addi %mul3A_115, %add3A_113 : i32
          %broadcast_in_dim3A_117 = vector.broadcast %add3A_116 : i32 to vector<16xi32>
          %gather3A = tpu.vector_load_idx %arg12[%broadcast_in_dim3A_117] : memref<2000xf32, #tpu.memory_space<vmem>>[vector<16xi32>], vector<16xf32>,
          %get3A = arith.index_cast %add3A_113 : i32 to index
          %get3A_118 = arith.constant 0 : index
          %get3A_119 = tpu.vector_load %arg13[%get3A, %get3A_118] {strides = array<i32>} : memref<80x128xf32, #tpu.memory_space<vmem>>, vector<16xf32>,
          %mul3A_120 = arith.mulf %get3A_119, %gather3A : vector<16xf32>
          %swap3A = arith.index_cast %add3A_113 : i32 to index
          %swap3A_121 = arith.constant 0 : index
          %swap3A_122 = tpu.vector_load %arg13[%swap3A, %swap3A_121] {strides = array<i32>} : memref<80x128xf32, #tpu.memory_space<vmem>>, vector<16xf32>,
          tpu.vector_store %arg13[%swap3A, %swap3A_121], %mul3A_120 {strides = array<i32>} : memref<80x128xf32, #tpu.memory_space<vmem>>, vector<16xf32>,
          %get3A_123 = arith.index_cast %add3A_113 : i32 to index
          %get3A_124 = arith.constant 16 : index
          %get3A_125 = tpu.vector_load %arg13[%get3A_123, %get3A_124] {strides = array<i32>} : memref<80x128xf32, #tpu.memory_space<vmem>>, vector<16xf32>,
          %mul3A_126 = arith.mulf %get3A_125, %gather3A : vector<16xf32>
          %swap3A_127 = arith.index_cast %add3A_113 : i32 to index
          %swap3A_128 = arith.constant 16 : index
          %swap3A_129 = tpu.vector_load %arg13[%swap3A_127, %swap3A_128] {strides = array<i32>} : memref<80x128xf32, #tpu.memory_space<vmem>>, vector<16xf32>,
          tpu.vector_store %arg13[%swap3A_127, %swap3A_128], %mul3A_126 {strides = array<i32>} : memref<80x128xf32, #tpu.memory_space<vmem>>, vector<16xf32>,
          %get3A_130 = arith.index_cast %add3A_113 : i32 to index
          %get3A_131 = arith.constant 32 : index
          %get3A_132 = tpu.vector_load %arg13[%get3A_130, %get3A_131] {strides = array<i32>} : memref<80x128xf32, #tpu.memory_space<vmem>>, vector<16xf32>,
          %mul3A_133 = arith.mulf %get3A_132, %gather3A : vector<16xf32>
          %swap3A_134 = arith.index_cast %add3A_113 : i32 to index
          %swap3A_135 = arith.constant 32 : index
          %swap3A_136 = tpu.vector_load %arg13[%swap3A_134, %swap3A_135] {strides = array<i32>} : memref<80x128xf32, #tpu.memory_space<vmem>>, vector<16xf32>,
          tpu.vector_store %arg13[%swap3A_134, %swap3A_135], %mul3A_133 {strides = array<i32>} : memref<80x128xf32, #tpu.memory_space<vmem>>, vector<16xf32>,
          %get3A_137 = arith.index_cast %add3A_113 : i32 to index
          %get3A_138 = arith.constant 48 : index
          %get3A_139 = tpu.vector_load %arg13[%get3A_137, %get3A_138] {strides = array<i32>} : memref<80x128xf32, #tpu.memory_space<vmem>>, vector<16xf32>,
          %mul3A_140 = arith.mulf %get3A_139, %gather3A : vector<16xf32>
          %swap3A_141 = arith.index_cast %add3A_113 : i32 to index
          %swap3A_142 = arith.constant 48 : index
          %swap3A_143 = tpu.vector_load %arg13[%swap3A_141, %swap3A_142] {strides = array<i32>} : memref<80x128xf32, #tpu.memory_space<vmem>>, vector<16xf32>,
          tpu.vector_store %arg13[%swap3A_141, %swap3A_142], %mul3A_140 {strides = array<i32>} : memref<80x128xf32, #tpu.memory_space<vmem>>, vector<16xf32>,
          %get3A_144 = arith.index_cast %add3A_113 : i32 to index
          %get3A_145 = arith.constant 64 : index
          %get3A_146 = tpu.vector_load %arg13[%get3A_144, %get3A_145] {strides = array<i32>} : memref<80x128xf32, #tpu.memory_space<vmem>>, vector<16xf32>,
          %mul3A_147 = arith.mulf %get3A_146, %gather3A : vector<16xf32>
          %swap3A_148 = arith.index_cast %add3A_113 : i32 to index
          %swap3A_149 = arith.constant 64 : index
          %swap3A_150 = tpu.vector_load %arg13[%swap3A_148, %swap3A_149] {strides = array<i32>} : memref<80x128xf32, #tpu.memory_space<vmem>>, vector<16xf32>,
          tpu.vector_store %arg13[%swap3A_148, %swap3A_149], %mul3A_147 {strides = array<i32>} : memref<80x128xf32, #tpu.memory_space<vmem>>, vector<16xf32>,
          %get3A_151 = arith.index_cast %add3A_113 : i32 to index
          %get3A_152 = arith.constant 80 : index
          %get3A_153 = tpu.vector_load %arg13[%get3A_151, %get3A_152] {strides = array<i32>} : memref<80x128xf32, #tpu.memory_space<vmem>>, vector<16xf32>,
          %mul3A_154 = arith.mulf %get3A_153, %gather3A : vector<16xf32>
          %swap3A_155 = arith.index_cast %add3A_113 : i32 to index
          %swap3A_156 = arith.constant 80 : index
          %swap3A_157 = tpu.vector_load %arg13[%swap3A_155, %swap3A_156] {strides = array<i32>} : memref<80x128xf32, #tpu.memory_space<vmem>>, vector<16xf32>,
          tpu.vector_store %arg13[%swap3A_155, %swap3A_156], %mul3A_154 {strides = array<i32>} : memref<80x128xf32, #tpu.memory_space<vmem>>, vector<16xf32>,
          %get3A_158 = arith.index_cast %add3A_113 : i32 to index
          %get3A_159 = arith.constant 96 : index
          %get3A_160 = tpu.vector_load %arg13[%get3A_158, %get3A_159] {strides = array<i32>} : memref<80x128xf32, #tpu.memory_space<vmem>>, vector<16xf32>,
          %mul3A_161 = arith.mulf %get3A_160, %gather3A : vector<16xf32>
          %swap3A_162 = arith.index_cast %add3A_113 : i32 to index
          %swap3A_163 = arith.constant 96 : index
          %swap3A_164 = tpu.vector_load %arg13[%swap3A_162, %swap3A_163] {strides = array<i32>} : memref<80x128xf32, #tpu.memory_space<vmem>>, vector<16xf32>,
          tpu.vector_store %arg13[%swap3A_162, %swap3A_163], %mul3A_161 {strides = array<i32>} : memref<80x128xf32, #tpu.memory_space<vmem>>, vector<16xf32>,
          %get3A_165 = arith.index_cast %add3A_113 : i32 to index
          %get3A_166 = arith.constant 112 : index
          %get3A_167 = tpu.vector_load %arg13[%get3A_165, %get3A_166] {strides = array<i32>} : memref<80x128xf32, #tpu.memory_space<vmem>>, vector<16xf32>,
          %mul3A_168 = arith.mulf %get3A_167, %gather3A : vector<16xf32>
          %swap3A_169 = arith.index_cast %add3A_113 : i32 to index
          %swap3A_170 = arith.constant 112 : index
          %swap3A_171 = tpu.vector_load %arg13[%swap3A_169, %swap3A_170] {strides = array<i32>} : memref<80x128xf32, #tpu.memory_space<vmem>>, vector<16xf32>,
          tpu.vector_store %arg13[%swap3A_169, %swap3A_170], %mul3A_168 {strides = array<i32>} : memref<80x128xf32, #tpu.memory_space<vmem>>, vector<16xf32>,
        }
        %scan3A_84 = arith.constant 80 : i32
        "tpu.region"() ({
          %run_scoped3A_109 = tpu.sem_alloc : memref<!tpu.dma_semaphore, #tpu.memory_space<semaphore_mem>>
          %dma_start3A_110 = arith.constant 0 : i32
          %dma_start3A_111 = tpu.memref_slice %arg11[%mul3A_79, %dma_start3A_110] : memref<25x80xi32, #tpu.memory_space<vmem>> -> memref<1x80xi32, #tpu.memory_space<vmem>>
          %dma_start3A_112 = tpu.memref_squeeze %dma_start3A_111 : memref<1x80xi32, #tpu.memory_space<vmem>> -> memref<80xi32, #tpu.memory_space<vmem>>
          %dma_start3A_113 = arith.constant 0 : i32
          %dma_start3A_114 = arith.constant 0 : i32
          %dma_start3A_115 = tpu.memref_slice %arg15[%dma_start3A_113, %dma_start3A_114] : memref<10000x128xf32, #tpu.memory_space<vmem_shared>> -> memref<10000x128xf32, #tpu.memory_space<vmem_shared>>
          tpu.enqueue_indirect_dma source(%arg13 : memref<80x128xf32, #tpu.memory_space<vmem>>) target(%dma_start3A_115 : memref<10000x128xf32, #tpu.memory_space<vmem_shared>>) offsets(%dma_start3A_112 : memref<80xi32, #tpu.memory_space<vmem>>) semaphore(%run_scoped3A_109 : memref<!tpu.dma_semaphore, #tpu.memory_space<semaphore_mem>>) {add = true}
          %dma_wait3A_116 = arith.constant 0 : i32
          %dma_wait3A_117 = tpu.memref_slice %arg11[%mul3A_79, %dma_wait3A_116] : memref<25x80xi32, #tpu.memory_space<vmem>> -> memref<1x80xi32, #tpu.memory_space<vmem>>
          %dma_wait3A_118 = tpu.memref_squeeze %dma_wait3A_117 : memref<1x80xi32, #tpu.memory_space<vmem>> -> memref<80xi32, #tpu.memory_space<vmem>>
          %dma_wait3A_119 = arith.constant 0 : i32
          %dma_wait3A_120 = arith.constant 0 : i32
          %dma_wait3A_121 = tpu.memref_slice %arg15[%dma_wait3A_119, %dma_wait3A_120] : memref<10000x128xf32, #tpu.memory_space<vmem_shared>> -> memref<10000x128xf32, #tpu.memory_space<vmem_shared>>
          tpu.wait_indirect_dma semaphore(%run_scoped3A_109 : memref<!tpu.dma_semaphore, #tpu.memory_space<semaphore_mem>>) src(%arg13 : memref<80x128xf32, #tpu.memory_space<vmem>>) dst(%dma_wait3A_121 : memref<10000x128xf32, #tpu.memory_space<vmem_shared>>)
          tpu.yield
        }) : () -> ()
        %mul3A_85 = arith.constant 2 : i32
        %mul3A_86 = arith.muli %mul3A_85, %add3A_62 : i32
        %add3A_87 = arith.constant 2 : i32
        %add3A_88 = arith.addi %mul3A_86, %add3A_87 : i32
        %mul3A_89 = arith.constant 80 : i32
        %mul3A_90 = arith.muli %add3A_88, %mul3A_89 : i32
        %dma_start3A_91 = tpu.memref_slice %arg10[%mul3A_90] : memref<2000xi32, #tpu.memory_space<vmem>> -> memref<80xi32, #tpu.memory_space<vmem>>
        %dma_start3A_92 = arith.constant 0 : i32
        %dma_start3A_93 = arith.constant 0 : i32
        %dma_start3A_94 = tpu.memref_slice %arg2[%dma_start3A_92, %dma_start3A_93] : memref<160000x128xf32, #tpu.memory_space<hbm>> -> memref<160000x128xf32, #tpu.memory_space<hbm>>
        tpu.enqueue_indirect_dma source(%dma_start3A_94 : memref<160000x128xf32, #tpu.memory_space<hbm>>) target(%arg13 : memref<80x128xf32, #tpu.memory_space<vmem>>) offsets(%dma_start3A_91 : memref<80xi32, #tpu.memory_space<vmem>>) semaphore(%arg16 : memref<!tpu.dma_semaphore, #tpu.memory_space<semaphore_mem>>)
        %dma_wait3A_95 = arith.constant 0 : i32
        %dma_wait3A_96 = tpu.memref_slice %arg10[%dma_wait3A_95] : memref<2000xi32, #tpu.memory_space<vmem>> -> memref<80xi32, #tpu.memory_space<vmem>>
        %dma_wait3A_97 = arith.constant 0 : i32
        %dma_wait3A_98 = arith.constant 0 : i32
        %dma_wait3A_99 = tpu.memref_slice %arg2[%dma_wait3A_97, %dma_wait3A_98] : memref<160000x128xf32, #tpu.memory_space<hbm>> -> memref<160000x128xf32, #tpu.memory_space<hbm>>
        tpu.wait_indirect_dma semaphore(%arg17 : memref<!tpu.dma_semaphore, #tpu.memory_space<semaphore_mem>>) src(%dma_wait3A_99 : memref<160000x128xf32, #tpu.memory_space<hbm>>) dst(%arg14 : memref<80x128xf32, #tpu.memory_space<vmem>>)
        %mul3A_100 = arith.constant 2 : i32
        %mul3A_101 = arith.muli %mul3A_100, %add3A_62 : i32
        %add3A_102 = arith.constant 1 : i32
        %add3A_103 = arith.addi %mul3A_101, %add3A_102 : i32
        %scan3A_104 = arith.constant 0 : i32
        %scan3A_105 = arith.constant 80 : i32
        %scan3A_106 = arith.addi %scan3A_104, %scan3A_105 : i32
        %scan3A_107 = arith.constant 1 : i32
        scf.for %scan3A_109 = %scan3A_104 to %scan3A_106 step %scan3A_107  : i32 {
          %mul3A_110 = arith.constant 1 : i32
          %mul3A_111 = arith.muli %scan3A_109, %mul3A_110 : i32
          %add3A_112 = arith.constant 0 : i32
          %add3A_113 = arith.addi %add3A_112, %mul3A_111 : i32
          %mul3A_114 = arith.constant 80 : i32
          %mul3A_115 = arith.muli %add3A_103, %mul3A_114 : i32
          %add3A_116 = arith.addi %mul3A_115, %add3A_113 : i32
          %broadcast_in_dim3A_117 = vector.broadcast %add3A_116 : i32 to vector<16xi32>
          %gather3A = tpu.vector_load_idx %arg12[%broadcast_in_dim3A_117] : memref<2000xf32, #tpu.memory_space<vmem>>[vector<16xi32>], vector<16xf32>,
          %get3A = arith.index_cast %add3A_113 : i32 to index
          %get3A_118 = arith.constant 0 : index
          %get3A_119 = tpu.vector_load %arg14[%get3A, %get3A_118] {strides = array<i32>} : memref<80x128xf32, #tpu.memory_space<vmem>>, vector<16xf32>,
          %mul3A_120 = arith.mulf %get3A_119, %gather3A : vector<16xf32>
          %swap3A = arith.index_cast %add3A_113 : i32 to index
          %swap3A_121 = arith.constant 0 : index
          %swap3A_122 = tpu.vector_load %arg14[%swap3A, %swap3A_121] {strides = array<i32>} : memref<80x128xf32, #tpu.memory_space<vmem>>, vector<16xf32>,
          tpu.vector_store %arg14[%swap3A, %swap3A_121], %mul3A_120 {strides = array<i32>} : memref<80x128xf32, #tpu.memory_space<vmem>>, vector<16xf32>,
          %get3A_123 = arith.index_cast %add3A_113 : i32 to index
          %get3A_124 = arith.constant 16 : index
          %get3A_125 = tpu.vector_load %arg14[%get3A_123, %get3A_124] {strides = array<i32>} : memref<80x128xf32, #tpu.memory_space<vmem>>, vector<16xf32>,
          %mul3A_126 = arith.mulf %get3A_125, %gather3A : vector<16xf32>
          %swap3A_127 = arith.index_cast %add3A_113 : i32 to index
          %swap3A_128 = arith.constant 16 : index
          %swap3A_129 = tpu.vector_load %arg14[%swap3A_127, %swap3A_128] {strides = array<i32>} : memref<80x128xf32, #tpu.memory_space<vmem>>, vector<16xf32>,
          tpu.vector_store %arg14[%swap3A_127, %swap3A_128], %mul3A_126 {strides = array<i32>} : memref<80x128xf32, #tpu.memory_space<vmem>>, vector<16xf32>,
          %get3A_130 = arith.index_cast %add3A_113 : i32 to index
          %get3A_131 = arith.constant 32 : index
          %get3A_132 = tpu.vector_load %arg14[%get3A_130, %get3A_131] {strides = array<i32>} : memref<80x128xf32, #tpu.memory_space<vmem>>, vector<16xf32>,
          %mul3A_133 = arith.mulf %get3A_132, %gather3A : vector<16xf32>
          %swap3A_134 = arith.index_cast %add3A_113 : i32 to index
          %swap3A_135 = arith.constant 32 : index
          %swap3A_136 = tpu.vector_load %arg14[%swap3A_134, %swap3A_135] {strides = array<i32>} : memref<80x128xf32, #tpu.memory_space<vmem>>, vector<16xf32>,
          tpu.vector_store %arg14[%swap3A_134, %swap3A_135], %mul3A_133 {strides = array<i32>} : memref<80x128xf32, #tpu.memory_space<vmem>>, vector<16xf32>,
          %get3A_137 = arith.index_cast %add3A_113 : i32 to index
          %get3A_138 = arith.constant 48 : index
          %get3A_139 = tpu.vector_load %arg14[%get3A_137, %get3A_138] {strides = array<i32>} : memref<80x128xf32, #tpu.memory_space<vmem>>, vector<16xf32>,
          %mul3A_140 = arith.mulf %get3A_139, %gather3A : vector<16xf32>
          %swap3A_141 = arith.index_cast %add3A_113 : i32 to index
          %swap3A_142 = arith.constant 48 : index
          %swap3A_143 = tpu.vector_load %arg14[%swap3A_141, %swap3A_142] {strides = array<i32>} : memref<80x128xf32, #tpu.memory_space<vmem>>, vector<16xf32>,
          tpu.vector_store %arg14[%swap3A_141, %swap3A_142], %mul3A_140 {strides = array<i32>} : memref<80x128xf32, #tpu.memory_space<vmem>>, vector<16xf32>,
          %get3A_144 = arith.index_cast %add3A_113 : i32 to index
          %get3A_145 = arith.constant 64 : index
          %get3A_146 = tpu.vector_load %arg14[%get3A_144, %get3A_145] {strides = array<i32>} : memref<80x128xf32, #tpu.memory_space<vmem>>, vector<16xf32>,
          %mul3A_147 = arith.mulf %get3A_146, %gather3A : vector<16xf32>
          %swap3A_148 = arith.index_cast %add3A_113 : i32 to index
          %swap3A_149 = arith.constant 64 : index
          %swap3A_150 = tpu.vector_load %arg14[%swap3A_148, %swap3A_149] {strides = array<i32>} : memref<80x128xf32, #tpu.memory_space<vmem>>, vector<16xf32>,
          tpu.vector_store %arg14[%swap3A_148, %swap3A_149], %mul3A_147 {strides = array<i32>} : memref<80x128xf32, #tpu.memory_space<vmem>>, vector<16xf32>,
          %get3A_151 = arith.index_cast %add3A_113 : i32 to index
          %get3A_152 = arith.constant 80 : index
          %get3A_153 = tpu.vector_load %arg14[%get3A_151, %get3A_152] {strides = array<i32>} : memref<80x128xf32, #tpu.memory_space<vmem>>, vector<16xf32>,
          %mul3A_154 = arith.mulf %get3A_153, %gather3A : vector<16xf32>
          %swap3A_155 = arith.index_cast %add3A_113 : i32 to index
          %swap3A_156 = arith.constant 80 : index
          %swap3A_157 = tpu.vector_load %arg14[%swap3A_155, %swap3A_156] {strides = array<i32>} : memref<80x128xf32, #tpu.memory_space<vmem>>, vector<16xf32>,
          tpu.vector_store %arg14[%swap3A_155, %swap3A_156], %mul3A_154 {strides = array<i32>} : memref<80x128xf32, #tpu.memory_space<vmem>>, vector<16xf32>,
          %get3A_158 = arith.index_cast %add3A_113 : i32 to index
          %get3A_159 = arith.constant 96 : index
          %get3A_160 = tpu.vector_load %arg14[%get3A_158, %get3A_159] {strides = array<i32>} : memref<80x128xf32, #tpu.memory_space<vmem>>, vector<16xf32>,
          %mul3A_161 = arith.mulf %get3A_160, %gather3A : vector<16xf32>
          %swap3A_162 = arith.index_cast %add3A_113 : i32 to index
          %swap3A_163 = arith.constant 96 : index
          %swap3A_164 = tpu.vector_load %arg14[%swap3A_162, %swap3A_163] {strides = array<i32>} : memref<80x128xf32, #tpu.memory_space<vmem>>, vector<16xf32>,
          tpu.vector_store %arg14[%swap3A_162, %swap3A_163], %mul3A_161 {strides = array<i32>} : memref<80x128xf32, #tpu.memory_space<vmem>>, vector<16xf32>,
          %get3A_165 = arith.index_cast %add3A_113 : i32 to index
          %get3A_166 = arith.constant 112 : index
          %get3A_167 = tpu.vector_load %arg14[%get3A_165, %get3A_166] {strides = array<i32>} : memref<80x128xf32, #tpu.memory_space<vmem>>, vector<16xf32>,
          %mul3A_168 = arith.mulf %get3A_167, %gather3A : vector<16xf32>
          %swap3A_169 = arith.index_cast %add3A_113 : i32 to index
          %swap3A_170 = arith.constant 112 : index
          %swap3A_171 = tpu.vector_load %arg14[%swap3A_169, %swap3A_170] {strides = array<i32>} : memref<80x128xf32, #tpu.memory_space<vmem>>, vector<16xf32>,
          tpu.vector_store %arg14[%swap3A_169, %swap3A_170], %mul3A_168 {strides = array<i32>} : memref<80x128xf32, #tpu.memory_space<vmem>>, vector<16xf32>,
        }
        %scan3A_108 = arith.constant 80 : i32
        "tpu.region"() ({
          %run_scoped3A_109 = tpu.sem_alloc : memref<!tpu.dma_semaphore, #tpu.memory_space<semaphore_mem>>
          %dma_start3A_110 = arith.constant 0 : i32
          %dma_start3A_111 = tpu.memref_slice %arg11[%add3A_103, %dma_start3A_110] : memref<25x80xi32, #tpu.memory_space<vmem>> -> memref<1x80xi32, #tpu.memory_space<vmem>>
          %dma_start3A_112 = tpu.memref_squeeze %dma_start3A_111 : memref<1x80xi32, #tpu.memory_space<vmem>> -> memref<80xi32, #tpu.memory_space<vmem>>
          %dma_start3A_113 = arith.constant 0 : i32
          %dma_start3A_114 = arith.constant 0 : i32
          %dma_start3A_115 = tpu.memref_slice %arg15[%dma_start3A_113, %dma_start3A_114] : memref<10000x128xf32, #tpu.memory_space<vmem_shared>> -> memref<10000x128xf32, #tpu.memory_space<vmem_shared>>
          tpu.enqueue_indirect_dma source(%arg14 : memref<80x128xf32, #tpu.memory_space<vmem>>) target(%dma_start3A_115 : memref<10000x128xf32, #tpu.memory_space<vmem_shared>>) offsets(%dma_start3A_112 : memref<80xi32, #tpu.memory_space<vmem>>) semaphore(%run_scoped3A_109 : memref<!tpu.dma_semaphore, #tpu.memory_space<semaphore_mem>>) {add = true}
          %dma_wait3A_116 = arith.constant 0 : i32
          %dma_wait3A_117 = tpu.memref_slice %arg11[%add3A_103, %dma_wait3A_116] : memref<25x80xi32, #tpu.memory_space<vmem>> -> memref<1x80xi32, #tpu.memory_space<vmem>>
          %dma_wait3A_118 = tpu.memref_squeeze %dma_wait3A_117 : memref<1x80xi32, #tpu.memory_space<vmem>> -> memref<80xi32, #tpu.memory_space<vmem>>
          %dma_wait3A_119 = arith.constant 0 : i32
          %dma_wait3A_120 = arith.constant 0 : i32
          %dma_wait3A_121 = tpu.memref_slice %arg15[%dma_wait3A_119, %dma_wait3A_120] : memref<10000x128xf32, #tpu.memory_space<vmem_shared>> -> memref<10000x128xf32, #tpu.memory_space<vmem_shared>>
          tpu.wait_indirect_dma semaphore(%run_scoped3A_109 : memref<!tpu.dma_semaphore, #tpu.memory_space<semaphore_mem>>) src(%arg14 : memref<80x128xf32, #tpu.memory_space<vmem>>) dst(%dma_wait3A_121 : memref<10000x128xf32, #tpu.memory_space<vmem_shared>>)
          tpu.yield
        }) : () -> ()
      }
      %scan3A_48 = arith.constant 12 : i32
      %dma_wait3A = arith.constant 0 : i32
      %dma_wait3A_49 = tpu.memref_slice %arg10[%dma_wait3A] : memref<2000xi32, #tpu.memory_space<vmem>> -> memref<80xi32, #tpu.memory_space<vmem>>
      %dma_wait3A_50 = arith.constant 0 : i32
      %dma_wait3A_51 = arith.constant 0 : i32
      %dma_wait3A_52 = tpu.memref_slice %arg2[%dma_wait3A_50, %dma_wait3A_51] : memref<160000x128xf32, #tpu.memory_space<hbm>> -> memref<160000x128xf32, #tpu.memory_space<hbm>>
      tpu.wait_indirect_dma semaphore(%arg16 : memref<!tpu.dma_semaphore, #tpu.memory_space<semaphore_mem>>) src(%dma_wait3A_52 : memref<160000x128xf32, #tpu.memory_space<hbm>>) dst(%arg13 : memref<80x128xf32, #tpu.memory_space<vmem>>)
      %scan3A_53 = arith.constant 0 : i32
      %scan3A_54 = arith.constant 80 : i32
      %scan3A_55 = arith.addi %scan3A_53, %scan3A_54 : i32
      %scan3A_56 = arith.constant 1 : i32
      scf.for %scan3A_58 = %scan3A_53 to %scan3A_55 step %scan3A_56  : i32 {
        %mul3A_59 = arith.constant 1 : i32
        %mul3A_60 = arith.muli %scan3A_58, %mul3A_59 : i32
        %add3A_61 = arith.constant 0 : i32
        %add3A_62 = arith.addi %add3A_61, %mul3A_60 : i32
        %add3A_63 = arith.constant 1920 : i32
        %add3A_64 = arith.addi %add3A_63, %add3A_62 : i32
        %broadcast_in_dim3A_65 = vector.broadcast %add3A_64 : i32 to vector<16xi32>
        %gather3A = tpu.vector_load_idx %arg12[%broadcast_in_dim3A_65] : memref<2000xf32, #tpu.memory_space<vmem>>[vector<16xi32>], vector<16xf32>,
        %get3A = arith.index_cast %add3A_62 : i32 to index
        %get3A_66 = arith.constant 0 : index
        %get3A_67 = tpu.vector_load %arg13[%get3A, %get3A_66] {strides = array<i32>} : memref<80x128xf32, #tpu.memory_space<vmem>>, vector<16xf32>,
        %mul3A_68 = arith.mulf %get3A_67, %gather3A : vector<16xf32>
        %swap3A = arith.index_cast %add3A_62 : i32 to index
        %swap3A_69 = arith.constant 0 : index
        %swap3A_70 = tpu.vector_load %arg13[%swap3A, %swap3A_69] {strides = array<i32>} : memref<80x128xf32, #tpu.memory_space<vmem>>, vector<16xf32>,
        tpu.vector_store %arg13[%swap3A, %swap3A_69], %mul3A_68 {strides = array<i32>} : memref<80x128xf32, #tpu.memory_space<vmem>>, vector<16xf32>,
        %get3A_71 = arith.index_cast %add3A_62 : i32 to index
        %get3A_72 = arith.constant 16 : index
        %get3A_73 = tpu.vector_load %arg13[%get3A_71, %get3A_72] {strides = array<i32>} : memref<80x128xf32, #tpu.memory_space<vmem>>, vector<16xf32>,
        %mul3A_74 = arith.mulf %get3A_73, %gather3A : vector<16xf32>
        %swap3A_75 = arith.index_cast %add3A_62 : i32 to index
        %swap3A_76 = arith.constant 16 : index
        %swap3A_77 = tpu.vector_load %arg13[%swap3A_75, %swap3A_76] {strides = array<i32>} : memref<80x128xf32, #tpu.memory_space<vmem>>, vector<16xf32>,
        tpu.vector_store %arg13[%swap3A_75, %swap3A_76], %mul3A_74 {strides = array<i32>} : memref<80x128xf32, #tpu.memory_space<vmem>>, vector<16xf32>,
        %get3A_78 = arith.index_cast %add3A_62 : i32 to index
        %get3A_79 = arith.constant 32 : index
        %get3A_80 = tpu.vector_load %arg13[%get3A_78, %get3A_79] {strides = array<i32>} : memref<80x128xf32, #tpu.memory_space<vmem>>, vector<16xf32>,
        %mul3A_81 = arith.mulf %get3A_80, %gather3A : vector<16xf32>
        %swap3A_82 = arith.index_cast %add3A_62 : i32 to index
        %swap3A_83 = arith.constant 32 : index
        %swap3A_84 = tpu.vector_load %arg13[%swap3A_82, %swap3A_83] {strides = array<i32>} : memref<80x128xf32, #tpu.memory_space<vmem>>, vector<16xf32>,
        tpu.vector_store %arg13[%swap3A_82, %swap3A_83], %mul3A_81 {strides = array<i32>} : memref<80x128xf32, #tpu.memory_space<vmem>>, vector<16xf32>,
        %get3A_85 = arith.index_cast %add3A_62 : i32 to index
        %get3A_86 = arith.constant 48 : index
        %get3A_87 = tpu.vector_load %arg13[%get3A_85, %get3A_86] {strides = array<i32>} : memref<80x128xf32, #tpu.memory_space<vmem>>, vector<16xf32>,
        %mul3A_88 = arith.mulf %get3A_87, %gather3A : vector<16xf32>
        %swap3A_89 = arith.index_cast %add3A_62 : i32 to index
        %swap3A_90 = arith.constant 48 : index
        %swap3A_91 = tpu.vector_load %arg13[%swap3A_89, %swap3A_90] {strides = array<i32>} : memref<80x128xf32, #tpu.memory_space<vmem>>, vector<16xf32>,
        tpu.vector_store %arg13[%swap3A_89, %swap3A_90], %mul3A_88 {strides = array<i32>} : memref<80x128xf32, #tpu.memory_space<vmem>>, vector<16xf32>,
        %get3A_92 = arith.index_cast %add3A_62 : i32 to index
        %get3A_93 = arith.constant 64 : index
        %get3A_94 = tpu.vector_load %arg13[%get3A_92, %get3A_93] {strides = array<i32>} : memref<80x128xf32, #tpu.memory_space<vmem>>, vector<16xf32>,
        %mul3A_95 = arith.mulf %get3A_94, %gather3A : vector<16xf32>
        %swap3A_96 = arith.index_cast %add3A_62 : i32 to index
        %swap3A_97 = arith.constant 64 : index
        %swap3A_98 = tpu.vector_load %arg13[%swap3A_96, %swap3A_97] {strides = array<i32>} : memref<80x128xf32, #tpu.memory_space<vmem>>, vector<16xf32>,
        tpu.vector_store %arg13[%swap3A_96, %swap3A_97], %mul3A_95 {strides = array<i32>} : memref<80x128xf32, #tpu.memory_space<vmem>>, vector<16xf32>,
        %get3A_99 = arith.index_cast %add3A_62 : i32 to index
        %get3A_100 = arith.constant 80 : index
        %get3A_101 = tpu.vector_load %arg13[%get3A_99, %get3A_100] {strides = array<i32>} : memref<80x128xf32, #tpu.memory_space<vmem>>, vector<16xf32>,
        %mul3A_102 = arith.mulf %get3A_101, %gather3A : vector<16xf32>
        %swap3A_103 = arith.index_cast %add3A_62 : i32 to index
        %swap3A_104 = arith.constant 80 : index
        %swap3A_105 = tpu.vector_load %arg13[%swap3A_103, %swap3A_104] {strides = array<i32>} : memref<80x128xf32, #tpu.memory_space<vmem>>, vector<16xf32>,
        tpu.vector_store %arg13[%swap3A_103, %swap3A_104], %mul3A_102 {strides = array<i32>} : memref<80x128xf32, #tpu.memory_space<vmem>>, vector<16xf32>,
        %get3A_106 = arith.index_cast %add3A_62 : i32 to index
        %get3A_107 = arith.constant 96 : index
        %get3A_108 = tpu.vector_load %arg13[%get3A_106, %get3A_107] {strides = array<i32>} : memref<80x128xf32, #tpu.memory_space<vmem>>, vector<16xf32>,
        %mul3A_109 = arith.mulf %get3A_108, %gather3A : vector<16xf32>
        %swap3A_110 = arith.index_cast %add3A_62 : i32 to index
        %swap3A_111 = arith.constant 96 : index
        %swap3A_112 = tpu.vector_load %arg13[%swap3A_110, %swap3A_111] {strides = array<i32>} : memref<80x128xf32, #tpu.memory_space<vmem>>, vector<16xf32>,
        tpu.vector_store %arg13[%swap3A_110, %swap3A_111], %mul3A_109 {strides = array<i32>} : memref<80x128xf32, #tpu.memory_space<vmem>>, vector<16xf32>,
        %get3A_113 = arith.index_cast %add3A_62 : i32 to index
        %get3A_114 = arith.constant 112 : index
        %get3A_115 = tpu.vector_load %arg13[%get3A_113, %get3A_114] {strides = array<i32>} : memref<80x128xf32, #tpu.memory_space<vmem>>, vector<16xf32>,
        %mul3A_116 = arith.mulf %get3A_115, %gather3A : vector<16xf32>
        %swap3A_117 = arith.index_cast %add3A_62 : i32 to index
        %swap3A_118 = arith.constant 112 : index
        %swap3A_119 = tpu.vector_load %arg13[%swap3A_117, %swap3A_118] {strides = array<i32>} : memref<80x128xf32, #tpu.memory_space<vmem>>, vector<16xf32>,
        tpu.vector_store %arg13[%swap3A_117, %swap3A_118], %mul3A_116 {strides = array<i32>} : memref<80x128xf32, #tpu.memory_space<vmem>>, vector<16xf32>,
      }
      %scan3A_57 = arith.constant 80 : i32
      %run_scoped3A = arith.constant 24 : i32
      "tpu.region"() ({
        %run_scoped3A_58 = tpu.sem_alloc : memref<!tpu.dma_semaphore, #tpu.memory_space<semaphore_mem>>
        %dma_start3A_59 = arith.constant 0 : i32
        %dma_start3A_60 = tpu.memref_slice %arg11[%run_scoped3A, %dma_start3A_59] : memref<25x80xi32, #tpu.memory_space<vmem>> -> memref<1x80xi32, #tpu.memory_space<vmem>>
        %dma_start3A_61 = tpu.memref_squeeze %dma_start3A_60 : memref<1x80xi32, #tpu.memory_space<vmem>> -> memref<80xi32, #tpu.memory_space<vmem>>
        %dma_start3A_62 = arith.constant 0 : i32
        %dma_start3A_63 = arith.constant 0 : i32
        %dma_start3A_64 = tpu.memref_slice %arg15[%dma_start3A_62, %dma_start3A_63] : memref<10000x128xf32, #tpu.memory_space<vmem_shared>> -> memref<10000x128xf32, #tpu.memory_space<vmem_shared>>
        tpu.enqueue_indirect_dma source(%arg13 : memref<80x128xf32, #tpu.memory_space<vmem>>) target(%dma_start3A_64 : memref<10000x128xf32, #tpu.memory_space<vmem_shared>>) offsets(%dma_start3A_61 : memref<80xi32, #tpu.memory_space<vmem>>) semaphore(%run_scoped3A_58 : memref<!tpu.dma_semaphore, #tpu.memory_space<semaphore_mem>>) {add = true}
        %dma_wait3A_65 = arith.constant 0 : i32
        %dma_wait3A_66 = tpu.memref_slice %arg11[%run_scoped3A, %dma_wait3A_65] : memref<25x80xi32, #tpu.memory_space<vmem>> -> memref<1x80xi32, #tpu.memory_space<vmem>>
        %dma_wait3A_67 = tpu.memref_squeeze %dma_wait3A_66 : memref<1x80xi32, #tpu.memory_space<vmem>> -> memref<80xi32, #tpu.memory_space<vmem>>
        %dma_wait3A_68 = arith.constant 0 : i32
        %dma_wait3A_69 = arith.constant 0 : i32
        %dma_wait3A_70 = tpu.memref_slice %arg15[%dma_wait3A_68, %dma_wait3A_69] : memref<10000x128xf32, #tpu.memory_space<vmem_shared>> -> memref<10000x128xf32, #tpu.memory_space<vmem_shared>>
        tpu.wait_indirect_dma semaphore(%run_scoped3A_58 : memref<!tpu.dma_semaphore, #tpu.memory_space<semaphore_mem>>) src(%arg13 : memref<80x128xf32, #tpu.memory_space<vmem>>) dst(%dma_wait3A_70 : memref<10000x128xf32, #tpu.memory_space<vmem_shared>>)
        tpu.yield
      }) : () -> ()
    }
    %scan3A_21 = arith.constant 5 : i32
    %barrier3A_22 = arith.constant 0 : index
    tpu.barrier barrier_id(%barrier3A_22)
    %mul3A_23 = arith.constant 624 : i32
    %mul3A_24 = arith.muli %arg1, %mul3A_23 : i32
    "tpu.region"() ({
      %run_scoped3A = tpu.sem_alloc : memref<!tpu.dma_semaphore, #tpu.memory_space<semaphore_mem>>
      %dma_start3A = arith.constant 0 : i32
      %dma_start3A_30 = tpu.memref_slice %arg7[%arg0, %mul3A_24, %dma_start3A] : memref<2x10000x128xf32, #tpu.memory_space<hbm>> -> memref<1x624x128xf32, #tpu.memory_space<hbm>>
      %dma_start3A_31 = tpu.memref_squeeze %dma_start3A_30 : memref<1x624x128xf32, #tpu.memory_space<hbm>> -> memref<624x128xf32, #tpu.memory_space<hbm>>
      %dma_start3A_32 = arith.constant 0 : i32
      %dma_start3A_33 = tpu.memref_slice %arg15[%mul3A_24, %dma_start3A_32] : memref<10000x128xf32, #tpu.memory_space<vmem_shared>> -> memref<624x128xf32, #tpu.memory_space<vmem_shared>>
      tpu.enqueue_dma source(%dma_start3A_33 : memref<624x128xf32, #tpu.memory_space<vmem_shared>>) target(%dma_start3A_31 : memref<624x128xf32, #tpu.memory_space<hbm>>) target_semaphore(%run_scoped3A : memref<!tpu.dma_semaphore, #tpu.memory_space<semaphore_mem>>)
      %dma_wait3A = arith.constant 0 : i32
      %dma_wait3A_34 = tpu.memref_slice %arg7[%arg0, %mul3A_24, %dma_wait3A] : memref<2x10000x128xf32, #tpu.memory_space<hbm>> -> memref<1x624x128xf32, #tpu.memory_space<hbm>>
      %dma_wait3A_35 = tpu.memref_squeeze %dma_wait3A_34 : memref<1x624x128xf32, #tpu.memory_space<hbm>> -> memref<624x128xf32, #tpu.memory_space<hbm>>
      %dma_wait3A_36 = arith.constant 0 : i32
      %dma_wait3A_37 = tpu.memref_slice %arg15[%mul3A_24, %dma_wait3A_36] : memref<10000x128xf32, #tpu.memory_space<vmem_shared>> -> memref<624x128xf32, #tpu.memory_space<vmem_shared>>
      tpu.wait_dma2 semaphore(%run_scoped3A : memref<!tpu.dma_semaphore, #tpu.memory_space<semaphore_mem>>) src(%dma_wait3A_37 : memref<624x128xf32, #tpu.memory_space<vmem_shared>>) dst(%dma_wait3A_35 : memref<624x128xf32, #tpu.memory_space<hbm>>)
      tpu.yield
    }) : () -> ()
    %eq3A_25 = arith.constant 0 : i32
    %eq3A_26 = arith.cmpi eq, %arg1, %eq3A_25 : i32
    %convert_element_type3A_27 = arith.extui %eq3A_26 : i1 to i32
    %cond3A_28 = arith.constant 0 : i32
    %cond3A_29 = arith.cmpi ne, %convert_element_type3A_27, %cond3A_28 : i32
    scf.if %cond3A_29 {
      "tpu.region"() ({
        %run_scoped3A = tpu.sem_alloc : memref<!tpu.dma_semaphore, #tpu.memory_space<semaphore_mem>>
        %dma_start3A = arith.constant 9984 : i32
        %dma_start3A_30 = arith.constant 0 : i32
        %dma_start3A_31 = tpu.memref_slice %arg7[%arg0, %dma_start3A, %dma_start3A_30] : memref<2x10000x128xf32, #tpu.memory_space<hbm>> -> memref<1x16x128xf32, #tpu.memory_space<hbm>>
        %dma_start3A_32 = tpu.memref_squeeze %dma_start3A_31 : memref<1x16x128xf32, #tpu.memory_space<hbm>> -> memref<16x128xf32, #tpu.memory_space<hbm>>
        %dma_start3A_33 = arith.constant 9984 : i32
        %dma_start3A_34 = arith.constant 0 : i32
        %dma_start3A_35 = tpu.memref_slice %arg15[%dma_start3A_33, %dma_start3A_34] : memref<10000x128xf32, #tpu.memory_space<vmem_shared>> -> memref<16x128xf32, #tpu.memory_space<vmem_shared>>
        tpu.enqueue_dma source(%dma_start3A_35 : memref<16x128xf32, #tpu.memory_space<vmem_shared>>) target(%dma_start3A_32 : memref<16x128xf32, #tpu.memory_space<hbm>>) target_semaphore(%run_scoped3A : memref<!tpu.dma_semaphore, #tpu.memory_space<semaphore_mem>>)
        %dma_wait3A = arith.constant 9984 : i32
        %dma_wait3A_36 = arith.constant 0 : i32
        %dma_wait3A_37 = tpu.memref_slice %arg7[%arg0, %dma_wait3A, %dma_wait3A_36] : memref<2x10000x128xf32, #tpu.memory_space<hbm>> -> memref<1x16x128xf32, #tpu.memory_space<hbm>>
        %dma_wait3A_38 = tpu.memref_squeeze %dma_wait3A_37 : memref<1x16x128xf32, #tpu.memory_space<hbm>> -> memref<16x128xf32, #tpu.memory_space<hbm>>
        %dma_wait3A_39 = arith.constant 9984 : i32
        %dma_wait3A_40 = arith.constant 0 : i32
        %dma_wait3A_41 = tpu.memref_slice %arg15[%dma_wait3A_39, %dma_wait3A_40] : memref<10000x128xf32, #tpu.memory_space<vmem_shared>> -> memref<16x128xf32, #tpu.memory_space<vmem_shared>>
        tpu.wait_dma2 semaphore(%run_scoped3A : memref<!tpu.dma_semaphore, #tpu.memory_space<semaphore_mem>>) src(%dma_wait3A_41 : memref<16x128xf32, #tpu.memory_space<vmem_shared>>) dst(%dma_wait3A_38 : memref<16x128xf32, #tpu.memory_space<hbm>>)
        tpu.yield
      }) : () -> ()
    } else {
    }
    return
  }
}

#map = affine_map<(d0, d1) -> (0, 0)>
#map1 = affine_map<(d0, d1) -> (0, 0, 0)>
#map2 = affine_map<(d0, d1) -> (0, 0, 0, 0)>
#map3 = affine_map<(d0, d1) -> (0)>
module attributes {stable_mosaic.version = 14 : i64} {
  func.func @body(%arg0: i32, %arg1: i32, %arg2: memref<160000x128xf32, #tpu.memory_space<hbm>>, %arg3: memref<32x5x2000xi32, #tpu.memory_space<hbm>>, %arg4: memref<32x5x2000xi32, #tpu.memory_space<hbm>>, %arg5: memref<32x5x25x80xi32, #tpu.memory_space<hbm>>, %arg6: memref<8xf32, #tpu.memory_space<hbm>>, %arg7: memref<2x10000x128xf32, #tpu.memory_space<hbm>>, %arg8: memref<2000xi32, #tpu.memory_space<vmem>>, %arg9: memref<2000xi32, #tpu.memory_space<vmem>>, %arg10: memref<2000xi32, #tpu.memory_space<vmem>>, %arg11: memref<25x80xi32, #tpu.memory_space<vmem>>, %arg12: memref<2000xf32, #tpu.memory_space<vmem>>, %arg13: memref<80x128xf32, #tpu.memory_space<vmem>>, %arg14: memref<80x128xf32, #tpu.memory_space<vmem>>, %arg15: memref<10000x128xf32, #tpu.memory_space<vmem_shared>>, %arg16: memref<!tpu.dma_semaphore, #tpu.memory_space<semaphore_mem>>, %arg17: memref<!tpu.dma_semaphore, #tpu.memory_space<semaphore_mem>>) attributes {dimension_semantics = [#tpu.dimension_semantics<core_parallel>, #tpu.dimension_semantics<subcore_parallel>], iteration_bounds = array<i64: 2, 16>, scalar_prefetch = 0 : i64, scratch_operands = 10 : i64, tpu.core_type = #tpu.core_type<sc_vector_subcore>, window_params = [{transform_indices = #map}, {transform_indices = #map1}, {transform_indices = #map1}, {transform_indices = #map2}, {transform_indices = #map3}, {transform_indices = #map1}]} {
    %mul3A = arith.constant 16 : i32
    %mul3A_0 = arith.muli %arg0, %mul3A : i32
    %add3A = arith.addi %mul3A_0, %arg1 : i32
    %broadcast_in_dim3A = arith.constant 0.000000e+00 : f32
    %broadcast_in_dim3A_1 = vector.broadcast %broadcast_in_dim3A : f32 to vector<16xf32>
    %scan3A = arith.constant 0 : i32
    %scan3A_2 = arith.constant 80 : i32
    %scan3A_3 = arith.addi %scan3A, %scan3A_2 : i32
    %scan3A_4 = arith.constant 1 : i32
    scf.for %scan3A_30 = %scan3A to %scan3A_3 step %scan3A_4  : i32 {
      %mul3A_31 = arith.constant 1 : i32
      %mul3A_32 = arith.muli %scan3A_30, %mul3A_31 : i32
      %add3A_33 = arith.constant 0 : i32
      %add3A_34 = arith.addi %add3A_33, %mul3A_32 : i32
      %swap3A = arith.index_cast %add3A_34 : i32 to index
      %swap3A_35 = arith.constant 0 : index
      %swap3A_36 = tpu.vector_load %arg13[%swap3A, %swap3A_35] {strides = array<i32>} : memref<80x128xf32, #tpu.memory_space<vmem>>, vector<16xf32>,
      tpu.vector_store %arg13[%swap3A, %swap3A_35], %broadcast_in_dim3A_1 {strides = array<i32>} : memref<80x128xf32, #tpu.memory_space<vmem>>, vector<16xf32>,
      %swap3A_37 = arith.index_cast %add3A_34 : i32 to index
      %swap3A_38 = arith.constant 16 : index
      %swap3A_39 = tpu.vector_load %arg13[%swap3A_37, %swap3A_38] {strides = array<i32>} : memref<80x128xf32, #tpu.memory_space<vmem>>, vector<16xf32>,
      tpu.vector_store %arg13[%swap3A_37, %swap3A_38], %broadcast_in_dim3A_1 {strides = array<i32>} : memref<80x128xf32, #tpu.memory_space<vmem>>, vector<16xf32>,
      %swap3A_40 = arith.index_cast %add3A_34 : i32 to index
      %swap3A_41 = arith.constant 32 : index
      %swap3A_42 = tpu.vector_load %arg13[%swap3A_40, %swap3A_41] {strides = array<i32>} : memref<80x128xf32, #tpu.memory_space<vmem>>, vector<16xf32>,
      tpu.vector_store %arg13[%swap3A_40, %swap3A_41], %broadcast_in_dim3A_1 {strides = array<i32>} : memref<80x128xf32, #tpu.memory_space<vmem>>, vector<16xf32>,
      %swap3A_43 = arith.index_cast %add3A_34 : i32 to index
      %swap3A_44 = arith.constant 48 : index
      %swap3A_45 = tpu.vector_load %arg13[%swap3A_43, %swap3A_44] {strides = array<i32>} : memref<80x128xf32, #tpu.memory_space<vmem>>, vector<16xf32>,
      tpu.vector_store %arg13[%swap3A_43, %swap3A_44], %broadcast_in_dim3A_1 {strides = array<i32>} : memref<80x128xf32, #tpu.memory_space<vmem>>, vector<16xf32>,
      %swap3A_46 = arith.index_cast %add3A_34 : i32 to index
      %swap3A_47 = arith.constant 64 : index
      %swap3A_48 = tpu.vector_load %arg13[%swap3A_46, %swap3A_47] {strides = array<i32>} : memref<80x128xf32, #tpu.memory_space<vmem>>, vector<16xf32>,
      tpu.vector_store %arg13[%swap3A_46, %swap3A_47], %broadcast_in_dim3A_1 {strides = array<i32>} : memref<80x128xf32, #tpu.memory_space<vmem>>, vector<16xf32>,
      %swap3A_49 = arith.index_cast %add3A_34 : i32 to index
      %swap3A_50 = arith.constant 80 : index
      %swap3A_51 = tpu.vector_load %arg13[%swap3A_49, %swap3A_50] {strides = array<i32>} : memref<80x128xf32, #tpu.memory_space<vmem>>, vector<16xf32>,
      tpu.vector_store %arg13[%swap3A_49, %swap3A_50], %broadcast_in_dim3A_1 {strides = array<i32>} : memref<80x128xf32, #tpu.memory_space<vmem>>, vector<16xf32>,
      %swap3A_52 = arith.index_cast %add3A_34 : i32 to index
      %swap3A_53 = arith.constant 96 : index
      %swap3A_54 = tpu.vector_load %arg13[%swap3A_52, %swap3A_53] {strides = array<i32>} : memref<80x128xf32, #tpu.memory_space<vmem>>, vector<16xf32>,
      tpu.vector_store %arg13[%swap3A_52, %swap3A_53], %broadcast_in_dim3A_1 {strides = array<i32>} : memref<80x128xf32, #tpu.memory_space<vmem>>, vector<16xf32>,
      %swap3A_55 = arith.index_cast %add3A_34 : i32 to index
      %swap3A_56 = arith.constant 112 : index
      %swap3A_57 = tpu.vector_load %arg13[%swap3A_55, %swap3A_56] {strides = array<i32>} : memref<80x128xf32, #tpu.memory_space<vmem>>, vector<16xf32>,
      tpu.vector_store %arg13[%swap3A_55, %swap3A_56], %broadcast_in_dim3A_1 {strides = array<i32>} : memref<80x128xf32, #tpu.memory_space<vmem>>, vector<16xf32>,
    }
    %scan3A_5 = arith.constant 80 : i32
    %mul3A_6 = arith.constant 624 : i32
    %mul3A_7 = arith.muli %arg1, %mul3A_6 : i32
    %scan3A_8 = arith.constant 0 : i32
    %scan3A_9 = arith.constant 7 : i32
    %scan3A_10 = arith.addi %scan3A_8, %scan3A_9 : i32
    %scan3A_11 = arith.constant 1 : i32
    scf.for %scan3A_30 = %scan3A_8 to %scan3A_10 step %scan3A_11  : i32 {
      %mul3A_31 = arith.constant 1 : i32
      %mul3A_32 = arith.muli %scan3A_30, %mul3A_31 : i32
      %add3A_33 = arith.constant 0 : i32
      %add3A_34 = arith.addi %add3A_33, %mul3A_32 : i32
      %mul3A_35 = arith.constant 80 : i32
      %mul3A_36 = arith.muli %add3A_34, %mul3A_35 : i32
      %add3A_37 = arith.addi %mul3A_7, %mul3A_36 : i32
      "tpu.region"() ({
        %run_scoped3A = tpu.sem_alloc : memref<!tpu.dma_semaphore, #tpu.memory_space<semaphore_mem>>
        %dma_start3A = arith.constant 0 : i32
        %dma_start3A_38 = tpu.memref_slice %arg15[%add3A_37, %dma_start3A] : memref<10000x128xf32, #tpu.memory_space<vmem_shared>> -> memref<80x128xf32, #tpu.memory_space<vmem_shared>>
        %dma_start3A_39 = arith.constant 0 : i32
        %dma_start3A_40 = tpu.memref_slice %arg15[%add3A_37, %dma_start3A_39] : memref<10000x128xf32, #tpu.memory_space<vmem_shared>> -> memref<80x128xf32, #tpu.memory_space<vmem_shared>>
        tpu.enqueue_dma source(%arg13 : memref<80x128xf32, #tpu.memory_space<vmem>>) target(%dma_start3A_40 : memref<80x128xf32, #tpu.memory_space<vmem_shared>>) target_semaphore(%run_scoped3A : memref<!tpu.dma_semaphore, #tpu.memory_space<semaphore_mem>>)
        %dma_wait3A = arith.constant 0 : i32
        %dma_wait3A_41 = tpu.memref_slice %arg15[%add3A_37, %dma_wait3A] : memref<10000x128xf32, #tpu.memory_space<vmem_shared>> -> memref<80x128xf32, #tpu.memory_space<vmem_shared>>
        %dma_wait3A_42 = arith.constant 0 : i32
        %dma_wait3A_43 = tpu.memref_slice %arg15[%add3A_37, %dma_wait3A_42] : memref<10000x128xf32, #tpu.memory_space<vmem_shared>> -> memref<80x128xf32, #tpu.memory_space<vmem_shared>>
        tpu.wait_dma2 semaphore(%run_scoped3A : memref<!tpu.dma_semaphore, #tpu.memory_space<semaphore_mem>>) src(%arg13 : memref<80x128xf32, #tpu.memory_space<vmem>>) dst(%dma_wait3A_43 : memref<80x128xf32, #tpu.memory_space<vmem_shared>>)
        tpu.yield
      }) : () -> ()
    }
    %scan3A_12 = arith.constant 7 : i32
    %add3A_13 = arith.constant 560 : i32
    %add3A_14 = arith.addi %mul3A_7, %add3A_13 : i32
    "tpu.region"() ({
      %run_scoped3A = tpu.sem_alloc : memref<!tpu.dma_semaphore, #tpu.memory_space<semaphore_mem>>
      %dma_start3A = arith.constant 0 : i32
      %dma_start3A_30 = arith.constant 0 : i32
      %dma_start3A_31 = tpu.memref_slice %arg13[%dma_start3A, %dma_start3A_30] : memref<80x128xf32, #tpu.memory_space<vmem>> -> memref<64x128xf32, #tpu.memory_space<vmem>>
      %dma_start3A_32 = arith.constant 0 : i32
      %dma_start3A_33 = tpu.memref_slice %arg15[%add3A_14, %dma_start3A_32] : memref<10000x128xf32, #tpu.memory_space<vmem_shared>> -> memref<64x128xf32, #tpu.memory_space<vmem_shared>>
      %dma_start3A_34 = arith.constant 0 : i32
      %dma_start3A_35 = tpu.memref_slice %arg15[%add3A_14, %dma_start3A_34] : memref<10000x128xf32, #tpu.memory_space<vmem_shared>> -> memref<64x128xf32, #tpu.memory_space<vmem_shared>>
      %dma_start3A_36 = arith.constant 0 : i32
      %dma_start3A_37 = arith.constant 0 : i32
      %dma_start3A_38 = tpu.memref_slice %arg13[%dma_start3A_36, %dma_start3A_37] : memref<80x128xf32, #tpu.memory_space<vmem>> -> memref<64x128xf32, #tpu.memory_space<vmem>>
      tpu.enqueue_dma source(%dma_start3A_38 : memref<64x128xf32, #tpu.memory_space<vmem>>) target(%dma_start3A_35 : memref<64x128xf32, #tpu.memory_space<vmem_shared>>) target_semaphore(%run_scoped3A : memref<!tpu.dma_semaphore, #tpu.memory_space<semaphore_mem>>)
      %dma_wait3A = arith.constant 0 : i32
      %dma_wait3A_39 = arith.constant 0 : i32
      %dma_wait3A_40 = tpu.memref_slice %arg13[%dma_wait3A, %dma_wait3A_39] : memref<80x128xf32, #tpu.memory_space<vmem>> -> memref<64x128xf32, #tpu.memory_space<vmem>>
      %dma_wait3A_41 = arith.constant 0 : i32
      %dma_wait3A_42 = tpu.memref_slice %arg15[%add3A_14, %dma_wait3A_41] : memref<10000x128xf32, #tpu.memory_space<vmem_shared>> -> memref<64x128xf32, #tpu.memory_space<vmem_shared>>
      %dma_wait3A_43 = arith.constant 0 : i32
      %dma_wait3A_44 = tpu.memref_slice %arg15[%add3A_14, %dma_wait3A_43] : memref<10000x128xf32, #tpu.memory_space<vmem_shared>> -> memref<64x128xf32, #tpu.memory_space<vmem_shared>>
      %dma_wait3A_45 = arith.constant 0 : i32
      %dma_wait3A_46 = arith.constant 0 : i32
      %dma_wait3A_47 = tpu.memref_slice %arg13[%dma_wait3A_45, %dma_wait3A_46] : memref<80x128xf32, #tpu.memory_space<vmem>> -> memref<64x128xf32, #tpu.memory_space<vmem>>
      tpu.wait_dma2 semaphore(%run_scoped3A : memref<!tpu.dma_semaphore, #tpu.memory_space<semaphore_mem>>) src(%dma_wait3A_47 : memref<64x128xf32, #tpu.memory_space<vmem>>) dst(%dma_wait3A_44 : memref<64x128xf32, #tpu.memory_space<vmem_shared>>)
      tpu.yield
    }) : () -> ()
    %eq3A = arith.constant 0 : i32
    %eq3A_15 = arith.cmpi eq, %arg1, %eq3A : i32
    %convert_element_type3A = arith.extui %eq3A_15 : i1 to i32
    %cond3A = arith.constant 0 : i32
    %cond3A_16 = arith.cmpi ne, %convert_element_type3A, %cond3A : i32
    scf.if %cond3A_16 {
      "tpu.region"() ({
        %run_scoped3A = tpu.sem_alloc : memref<!tpu.dma_semaphore, #tpu.memory_space<semaphore_mem>>
        %dma_start3A = arith.constant 0 : i32
        %dma_start3A_30 = arith.constant 0 : i32
        %dma_start3A_31 = tpu.memref_slice %arg13[%dma_start3A, %dma_start3A_30] : memref<80x128xf32, #tpu.memory_space<vmem>> -> memref<16x128xf32, #tpu.memory_space<vmem>>
        %dma_start3A_32 = arith.constant 9984 : i32
        %dma_start3A_33 = arith.constant 0 : i32
        %dma_start3A_34 = tpu.memref_slice %arg15[%dma_start3A_32, %dma_start3A_33] : memref<10000x128xf32, #tpu.memory_space<vmem_shared>> -> memref<16x128xf32, #tpu.memory_space<vmem_shared>>
        %dma_start3A_35 = arith.constant 9984 : i32
        %dma_start3A_36 = arith.constant 0 : i32
        %dma_start3A_37 = tpu.memref_slice %arg15[%dma_start3A_35, %dma_start3A_36] : memref<10000x128xf32, #tpu.memory_space<vmem_shared>> -> memref<16x128xf32, #tpu.memory_space<vmem_shared>>
        %dma_start3A_38 = arith.constant 0 : i32
        %dma_start3A_39 = arith.constant 0 : i32
        %dma_start3A_40 = tpu.memref_slice %arg13[%dma_start3A_38, %dma_start3A_39] : memref<80x128xf32, #tpu.memory_space<vmem>> -> memref<16x128xf32, #tpu.memory_space<vmem>>
        tpu.enqueue_dma source(%dma_start3A_40 : memref<16x128xf32, #tpu.memory_space<vmem>>) target(%dma_start3A_37 : memref<16x128xf32, #tpu.memory_space<vmem_shared>>) target_semaphore(%run_scoped3A : memref<!tpu.dma_semaphore, #tpu.memory_space<semaphore_mem>>)
        %dma_wait3A = arith.constant 0 : i32
        %dma_wait3A_41 = arith.constant 0 : i32
        %dma_wait3A_42 = tpu.memref_slice %arg13[%dma_wait3A, %dma_wait3A_41] : memref<80x128xf32, #tpu.memory_space<vmem>> -> memref<16x128xf32, #tpu.memory_space<vmem>>
        %dma_wait3A_43 = arith.constant 9984 : i32
        %dma_wait3A_44 = arith.constant 0 : i32
        %dma_wait3A_45 = tpu.memref_slice %arg15[%dma_wait3A_43, %dma_wait3A_44] : memref<10000x128xf32, #tpu.memory_space<vmem_shared>> -> memref<16x128xf32, #tpu.memory_space<vmem_shared>>
        %dma_wait3A_46 = arith.constant 9984 : i32
        %dma_wait3A_47 = arith.constant 0 : i32
        %dma_wait3A_48 = tpu.memref_slice %arg15[%dma_wait3A_46, %dma_wait3A_47] : memref<10000x128xf32, #tpu.memory_space<vmem_shared>> -> memref<16x128xf32, #tpu.memory_space<vmem_shared>>
        %dma_wait3A_49 = arith.constant 0 : i32
        %dma_wait3A_50 = arith.constant 0 : i32
        %dma_wait3A_51 = tpu.memref_slice %arg13[%dma_wait3A_49, %dma_wait3A_50] : memref<80x128xf32, #tpu.memory_space<vmem>> -> memref<16x128xf32, #tpu.memory_space<vmem>>
        tpu.wait_dma2 semaphore(%run_scoped3A : memref<!tpu.dma_semaphore, #tpu.memory_space<semaphore_mem>>) src(%dma_wait3A_51 : memref<16x128xf32, #tpu.memory_space<vmem>>) dst(%dma_wait3A_48 : memref<16x128xf32, #tpu.memory_space<vmem_shared>>)
        tpu.yield
      }) : () -> ()
    } else {
    }
    %barrier3A = arith.constant 0 : index
    tpu.barrier barrier_id(%barrier3A)
    %scan3A_17 = arith.constant 0 : i32
    %scan3A_18 = arith.constant 5 : i32
    %scan3A_19 = arith.addi %scan3A_17, %scan3A_18 : i32
    %scan3A_20 = arith.constant 1 : i32
    scf.for %scan3A_30 = %scan3A_17 to %scan3A_19 step %scan3A_20  : i32 {
      %mul3A_31 = arith.constant 1 : i32
      %mul3A_32 = arith.muli %scan3A_30, %mul3A_31 : i32
      %add3A_33 = arith.constant 0 : i32
      %add3A_34 = arith.addi %add3A_33, %mul3A_32 : i32
      "tpu.region"() ({
        %run_scoped3A_53 = tpu.sem_alloc : memref<!tpu.dma_semaphore, #tpu.memory_space<semaphore_mem>>
        %dma_start3A_54 = arith.constant 0 : i32
        %dma_start3A_55 = tpu.memref_slice %arg3[%add3A, %add3A_34, %dma_start3A_54] : memref<32x5x2000xi32, #tpu.memory_space<hbm>> -> memref<1x1x2000xi32, #tpu.memory_space<hbm>>
        %dma_start3A_56 = tpu.memref_squeeze %dma_start3A_55 : memref<1x1x2000xi32, #tpu.memory_space<hbm>> -> memref<2000xi32, #tpu.memory_space<hbm>>
        %dma_start3A_57 = arith.constant 0 : i32
        %dma_start3A_58 = tpu.memref_slice %arg3[%add3A, %add3A_34, %dma_start3A_57] : memref<32x5x2000xi32, #tpu.memory_space<hbm>> -> memref<1x1x2000xi32, #tpu.memory_space<hbm>>
        %dma_start3A_59 = tpu.memref_squeeze %dma_start3A_58 : memref<1x1x2000xi32, #tpu.memory_space<hbm>> -> memref<2000xi32, #tpu.memory_space<hbm>>
        tpu.enqueue_dma source(%dma_start3A_59 : memref<2000xi32, #tpu.memory_space<hbm>>) target(%arg8 : memref<2000xi32, #tpu.memory_space<vmem>>) target_semaphore(%run_scoped3A_53 : memref<!tpu.dma_semaphore, #tpu.memory_space<semaphore_mem>>)
        %dma_wait3A_60 = arith.constant 0 : i32
        %dma_wait3A_61 = tpu.memref_slice %arg3[%add3A, %add3A_34, %dma_wait3A_60] : memref<32x5x2000xi32, #tpu.memory_space<hbm>> -> memref<1x1x2000xi32, #tpu.memory_space<hbm>>
        %dma_wait3A_62 = tpu.memref_squeeze %dma_wait3A_61 : memref<1x1x2000xi32, #tpu.memory_space<hbm>> -> memref<2000xi32, #tpu.memory_space<hbm>>
        %dma_wait3A_63 = arith.constant 0 : i32
        %dma_wait3A_64 = tpu.memref_slice %arg3[%add3A, %add3A_34, %dma_wait3A_63] : memref<32x5x2000xi32, #tpu.memory_space<hbm>> -> memref<1x1x2000xi32, #tpu.memory_space<hbm>>
        %dma_wait3A_65 = tpu.memref_squeeze %dma_wait3A_64 : memref<1x1x2000xi32, #tpu.memory_space<hbm>> -> memref<2000xi32, #tpu.memory_space<hbm>>
        tpu.wait_dma2 semaphore(%run_scoped3A_53 : memref<!tpu.dma_semaphore, #tpu.memory_space<semaphore_mem>>) src(%dma_wait3A_65 : memref<2000xi32, #tpu.memory_space<hbm>>) dst(%arg8 : memref<2000xi32, #tpu.memory_space<vmem>>)
        tpu.yield
      }) : () -> ()
      "tpu.region"() ({
        %run_scoped3A_53 = tpu.sem_alloc : memref<!tpu.dma_semaphore, #tpu.memory_space<semaphore_mem>>
        %dma_start3A_54 = arith.constant 0 : i32
        %dma_start3A_55 = tpu.memref_slice %arg4[%add3A, %add3A_34, %dma_start3A_54] : memref<32x5x2000xi32, #tpu.memory_space<hbm>> -> memref<1x1x2000xi32, #tpu.memory_space<hbm>>
        %dma_start3A_56 = tpu.memref_squeeze %dma_start3A_55 : memref<1x1x2000xi32, #tpu.memory_space<hbm>> -> memref<2000xi32, #tpu.memory_space<hbm>>
        %dma_start3A_57 = arith.constant 0 : i32
        %dma_start3A_58 = tpu.memref_slice %arg4[%add3A, %add3A_34, %dma_start3A_57] : memref<32x5x2000xi32, #tpu.memory_space<hbm>> -> memref<1x1x2000xi32, #tpu.memory_space<hbm>>
        %dma_start3A_59 = tpu.memref_squeeze %dma_start3A_58 : memref<1x1x2000xi32, #tpu.memory_space<hbm>> -> memref<2000xi32, #tpu.memory_space<hbm>>
        tpu.enqueue_dma source(%dma_start3A_59 : memref<2000xi32, #tpu.memory_space<hbm>>) target(%arg9 : memref<2000xi32, #tpu.memory_space<vmem>>) target_semaphore(%run_scoped3A_53 : memref<!tpu.dma_semaphore, #tpu.memory_space<semaphore_mem>>)
        %dma_wait3A_60 = arith.constant 0 : i32
        %dma_wait3A_61 = tpu.memref_slice %arg4[%add3A, %add3A_34, %dma_wait3A_60] : memref<32x5x2000xi32, #tpu.memory_space<hbm>> -> memref<1x1x2000xi32, #tpu.memory_space<hbm>>
        %dma_wait3A_62 = tpu.memref_squeeze %dma_wait3A_61 : memref<1x1x2000xi32, #tpu.memory_space<hbm>> -> memref<2000xi32, #tpu.memory_space<hbm>>
        %dma_wait3A_63 = arith.constant 0 : i32
        %dma_wait3A_64 = tpu.memref_slice %arg4[%add3A, %add3A_34, %dma_wait3A_63] : memref<32x5x2000xi32, #tpu.memory_space<hbm>> -> memref<1x1x2000xi32, #tpu.memory_space<hbm>>
        %dma_wait3A_65 = tpu.memref_squeeze %dma_wait3A_64 : memref<1x1x2000xi32, #tpu.memory_space<hbm>> -> memref<2000xi32, #tpu.memory_space<hbm>>
        tpu.wait_dma2 semaphore(%run_scoped3A_53 : memref<!tpu.dma_semaphore, #tpu.memory_space<semaphore_mem>>) src(%dma_wait3A_65 : memref<2000xi32, #tpu.memory_space<hbm>>) dst(%arg9 : memref<2000xi32, #tpu.memory_space<vmem>>)
        tpu.yield
      }) : () -> ()
      "tpu.region"() ({
        %run_scoped3A_53 = tpu.sem_alloc : memref<!tpu.dma_semaphore, #tpu.memory_space<semaphore_mem>>
        %dma_start3A_54 = arith.constant 0 : i32
        %dma_start3A_55 = arith.constant 0 : i32
        %dma_start3A_56 = tpu.memref_slice %arg5[%add3A, %add3A_34, %dma_start3A_54, %dma_start3A_55] : memref<32x5x25x80xi32, #tpu.memory_space<hbm>> -> memref<1x1x25x80xi32, #tpu.memory_space<hbm>>
        %dma_start3A_57 = tpu.memref_squeeze %dma_start3A_56 : memref<1x1x25x80xi32, #tpu.memory_space<hbm>> -> memref<25x80xi32, #tpu.memory_space<hbm>>
        %dma_start3A_58 = arith.constant 0 : i32
        %dma_start3A_59 = arith.constant 0 : i32
        %dma_start3A_60 = tpu.memref_slice %arg5[%add3A, %add3A_34, %dma_start3A_58, %dma_start3A_59] : memref<32x5x25x80xi32, #tpu.memory_space<hbm>> -> memref<1x1x25x80xi32, #tpu.memory_space<hbm>>
        %dma_start3A_61 = tpu.memref_squeeze %dma_start3A_60 : memref<1x1x25x80xi32, #tpu.memory_space<hbm>> -> memref<25x80xi32, #tpu.memory_space<hbm>>
        tpu.enqueue_dma source(%dma_start3A_61 : memref<25x80xi32, #tpu.memory_space<hbm>>) target(%arg11 : memref<25x80xi32, #tpu.memory_space<vmem>>) target_semaphore(%run_scoped3A_53 : memref<!tpu.dma_semaphore, #tpu.memory_space<semaphore_mem>>)
        %dma_wait3A_62 = arith.constant 0 : i32
        %dma_wait3A_63 = arith.constant 0 : i32
        %dma_wait3A_64 = tpu.memref_slice %arg5[%add3A, %add3A_34, %dma_wait3A_62, %dma_wait3A_63] : memref<32x5x25x80xi32, #tpu.memory_space<hbm>> -> memref<1x1x25x80xi32, #tpu.memory_space<hbm>>
        %dma_wait3A_65 = tpu.memref_squeeze %dma_wait3A_64 : memref<1x1x25x80xi32, #tpu.memory_space<hbm>> -> memref<25x80xi32, #tpu.memory_space<hbm>>
        %dma_wait3A_66 = arith.constant 0 : i32
        %dma_wait3A_67 = arith.constant 0 : i32
        %dma_wait3A_68 = tpu.memref_slice %arg5[%add3A, %add3A_34, %dma_wait3A_66, %dma_wait3A_67] : memref<32x5x25x80xi32, #tpu.memory_space<hbm>> -> memref<1x1x25x80xi32, #tpu.memory_space<hbm>>
        %dma_wait3A_69 = tpu.memref_squeeze %dma_wait3A_68 : memref<1x1x25x80xi32, #tpu.memory_space<hbm>> -> memref<25x80xi32, #tpu.memory_space<hbm>>
        tpu.wait_dma2 semaphore(%run_scoped3A_53 : memref<!tpu.dma_semaphore, #tpu.memory_space<semaphore_mem>>) src(%dma_wait3A_69 : memref<25x80xi32, #tpu.memory_space<hbm>>) dst(%arg11 : memref<25x80xi32, #tpu.memory_space<vmem>>)
        tpu.yield
      }) : () -> ()
      %scan3A_35 = arith.constant 0 : i32
      %scan3A_36 = arith.constant 125 : i32
      %scan3A_37 = arith.addi %scan3A_35, %scan3A_36 : i32
      %scan3A_38 = arith.constant 1 : i32
      scf.for %scan3A_53 = %scan3A_35 to %scan3A_37 step %scan3A_38  : i32 {
        %mul3A_54 = arith.constant 1 : i32
        %mul3A_55 = arith.muli %scan3A_53, %mul3A_54 : i32
        %add3A_56 = arith.constant 0 : i32
        %add3A_57 = arith.addi %add3A_56, %mul3A_55 : i32
        %mul3A_58 = arith.constant 16 : i32
        %mul3A_59 = arith.muli %add3A_57, %mul3A_58 : i32
        %get3A = arith.index_cast %mul3A_59 : i32 to index
        %get3A_60 = tpu.vector_load %arg9[%get3A] {strides = array<i32>} : memref<2000xi32, #tpu.memory_space<vmem>>, vector<16xi32>,
        %mul3A_61 = arith.constant 10000 : i32
        %mul3A_62 = vector.broadcast %mul3A_61 : i32 to vector<16xi32>
        %mul3A_63 = arith.muli %get3A_60, %mul3A_62 : vector<16xi32>
        %mul3A_64 = arith.constant 16 : i32
        %mul3A_65 = arith.muli %add3A_57, %mul3A_64 : i32
        %get3A_66 = arith.index_cast %mul3A_65 : i32 to index
        %get3A_67 = tpu.vector_load %arg8[%get3A_66] {strides = array<i32>} : memref<2000xi32, #tpu.memory_space<vmem>>, vector<16xi32>,
        %add3A_68 = arith.addi %mul3A_63, %get3A_67 : vector<16xi32>
        %mul3A_69 = arith.constant 16 : i32
        %mul3A_70 = arith.muli %add3A_57, %mul3A_69 : i32
        %swap3A = arith.index_cast %mul3A_70 : i32 to index
        %swap3A_71 = tpu.vector_load %arg10[%swap3A] {strides = array<i32>} : memref<2000xi32, #tpu.memory_space<vmem>>, vector<16xi32>,
        tpu.vector_store %arg10[%swap3A], %add3A_68 {strides = array<i32>} : memref<2000xi32, #tpu.memory_space<vmem>>, vector<16xi32>,
      }
      %scan3A_39 = arith.constant 125 : i32
      %dma_start3A = arith.constant 0 : i32
      %dma_start3A_40 = tpu.memref_slice %arg10[%dma_start3A] : memref<2000xi32, #tpu.memory_space<vmem>> -> memref<80xi32, #tpu.memory_space<vmem>>
      %dma_start3A_41 = arith.constant 0 : i32
      %dma_start3A_42 = arith.constant 0 : i32
      %dma_start3A_43 = tpu.memref_slice %arg2[%dma_start3A_41, %dma_start3A_42] : memref<160000x128xf32, #tpu.memory_space<hbm>> -> memref<160000x128xf32, #tpu.memory_space<hbm>>
      tpu.enqueue_indirect_dma source(%dma_start3A_43 : memref<160000x128xf32, #tpu.memory_space<hbm>>) target(%arg13 : memref<80x128xf32, #tpu.memory_space<vmem>>) offsets(%dma_start3A_40 : memref<80xi32, #tpu.memory_space<vmem>>) semaphore(%arg16 : memref<!tpu.dma_semaphore, #tpu.memory_space<semaphore_mem>>)
      %scan3A_44 = arith.constant 0 : i32
      %scan3A_45 = arith.constant 12 : i32
      %scan3A_46 = arith.addi %scan3A_44, %scan3A_45 : i32
      %scan3A_47 = arith.constant 1 : i32
      scf.for %scan3A_53 = %scan3A_44 to %scan3A_46 step %scan3A_47  : i32 {
        %mul3A_54 = arith.constant 1 : i32
        %mul3A_55 = arith.muli %scan3A_53, %mul3A_54 : i32
        %add3A_56 = arith.constant 0 : i32
        %add3A_57 = arith.addi %add3A_56, %mul3A_55 : i32
        %mul3A_58 = arith.constant 2 : i32
        %mul3A_59 = arith.muli %mul3A_58, %add3A_57 : i32
        %add3A_60 = arith.constant 1 : i32
        %add3A_61 = arith.addi %mul3A_59, %add3A_60 : i32
        %mul3A_62 = arith.constant 80 : i32
        %mul3A_63 = arith.muli %add3A_61, %mul3A_62 : i32
        %dma_start3A_64 = tpu.memref_slice %arg10[%mul3A_63] : memref<2000xi32, #tpu.memory_space<vmem>> -> memref<80xi32, #tpu.memory_space<vmem>>
        %dma_start3A_65 = arith.constant 0 : i32
        %dma_start3A_66 = arith.constant 0 : i32
        %dma_start3A_67 = tpu.memref_slice %arg2[%dma_start3A_65, %dma_start3A_66] : memref<160000x128xf32, #tpu.memory_space<hbm>> -> memref<160000x128xf32, #tpu.memory_space<hbm>>
        tpu.enqueue_indirect_dma source(%dma_start3A_67 : memref<160000x128xf32, #tpu.memory_space<hbm>>) target(%arg14 : memref<80x128xf32, #tpu.memory_space<vmem>>) offsets(%dma_start3A_64 : memref<80xi32, #tpu.memory_space<vmem>>) semaphore(%arg17 : memref<!tpu.dma_semaphore, #tpu.memory_space<semaphore_mem>>)
        %dma_wait3A_68 = arith.constant 0 : i32
        %dma_wait3A_69 = tpu.memref_slice %arg10[%dma_wait3A_68] : memref<2000xi32, #tpu.memory_space<vmem>> -> memref<80xi32, #tpu.memory_space<vmem>>
        %dma_wait3A_70 = arith.constant 0 : i32
        %dma_wait3A_71 = arith.constant 0 : i32
        %dma_wait3A_72 = tpu.memref_slice %arg2[%dma_wait3A_70, %dma_wait3A_71] : memref<160000x128xf32, #tpu.memory_space<hbm>> -> memref<160000x128xf32, #tpu.memory_space<hbm>>
        tpu.wait_indirect_dma semaphore(%arg16 : memref<!tpu.dma_semaphore, #tpu.memory_space<semaphore_mem>>) src(%dma_wait3A_72 : memref<160000x128xf32, #tpu.memory_space<hbm>>) dst(%arg13 : memref<80x128xf32, #tpu.memory_space<vmem>>)
        %mul3A_73 = arith.constant 2 : i32
        %mul3A_74 = arith.muli %mul3A_73, %add3A_57 : i32
        "tpu.region"() ({
          %run_scoped3A_94 = tpu.sem_alloc : memref<!tpu.dma_semaphore, #tpu.memory_space<semaphore_mem>>
          %dma_start3A_95 = arith.constant 0 : i32
          %dma_start3A_96 = tpu.memref_slice %arg11[%mul3A_74, %dma_start3A_95] : memref<25x80xi32, #tpu.memory_space<vmem>> -> memref<1x80xi32, #tpu.memory_space<vmem>>
          %dma_start3A_97 = tpu.memref_squeeze %dma_start3A_96 : memref<1x80xi32, #tpu.memory_space<vmem>> -> memref<80xi32, #tpu.memory_space<vmem>>
          %dma_start3A_98 = arith.constant 0 : i32
          %dma_start3A_99 = arith.constant 0 : i32
          %dma_start3A_100 = tpu.memref_slice %arg15[%dma_start3A_98, %dma_start3A_99] : memref<10000x128xf32, #tpu.memory_space<vmem_shared>> -> memref<10000x128xf32, #tpu.memory_space<vmem_shared>>
          tpu.enqueue_indirect_dma source(%arg13 : memref<80x128xf32, #tpu.memory_space<vmem>>) target(%dma_start3A_100 : memref<10000x128xf32, #tpu.memory_space<vmem_shared>>) offsets(%dma_start3A_97 : memref<80xi32, #tpu.memory_space<vmem>>) semaphore(%run_scoped3A_94 : memref<!tpu.dma_semaphore, #tpu.memory_space<semaphore_mem>>) {add = true}
          %dma_wait3A_101 = arith.constant 0 : i32
          %dma_wait3A_102 = tpu.memref_slice %arg11[%mul3A_74, %dma_wait3A_101] : memref<25x80xi32, #tpu.memory_space<vmem>> -> memref<1x80xi32, #tpu.memory_space<vmem>>
          %dma_wait3A_103 = tpu.memref_squeeze %dma_wait3A_102 : memref<1x80xi32, #tpu.memory_space<vmem>> -> memref<80xi32, #tpu.memory_space<vmem>>
          %dma_wait3A_104 = arith.constant 0 : i32
          %dma_wait3A_105 = arith.constant 0 : i32
          %dma_wait3A_106 = tpu.memref_slice %arg15[%dma_wait3A_104, %dma_wait3A_105] : memref<10000x128xf32, #tpu.memory_space<vmem_shared>> -> memref<10000x128xf32, #tpu.memory_space<vmem_shared>>
          tpu.wait_indirect_dma semaphore(%run_scoped3A_94 : memref<!tpu.dma_semaphore, #tpu.memory_space<semaphore_mem>>) src(%arg13 : memref<80x128xf32, #tpu.memory_space<vmem>>) dst(%dma_wait3A_106 : memref<10000x128xf32, #tpu.memory_space<vmem_shared>>)
          tpu.yield
        }) : () -> ()
        %mul3A_75 = arith.constant 2 : i32
        %mul3A_76 = arith.muli %mul3A_75, %add3A_57 : i32
        %add3A_77 = arith.constant 2 : i32
        %add3A_78 = arith.addi %mul3A_76, %add3A_77 : i32
        %mul3A_79 = arith.constant 80 : i32
        %mul3A_80 = arith.muli %add3A_78, %mul3A_79 : i32
        %dma_start3A_81 = tpu.memref_slice %arg10[%mul3A_80] : memref<2000xi32, #tpu.memory_space<vmem>> -> memref<80xi32, #tpu.memory_space<vmem>>
        %dma_start3A_82 = arith.constant 0 : i32
        %dma_start3A_83 = arith.constant 0 : i32
        %dma_start3A_84 = tpu.memref_slice %arg2[%dma_start3A_82, %dma_start3A_83] : memref<160000x128xf32, #tpu.memory_space<hbm>> -> memref<160000x128xf32, #tpu.memory_space<hbm>>
        tpu.enqueue_indirect_dma source(%dma_start3A_84 : memref<160000x128xf32, #tpu.memory_space<hbm>>) target(%arg13 : memref<80x128xf32, #tpu.memory_space<vmem>>) offsets(%dma_start3A_81 : memref<80xi32, #tpu.memory_space<vmem>>) semaphore(%arg16 : memref<!tpu.dma_semaphore, #tpu.memory_space<semaphore_mem>>)
        %dma_wait3A_85 = arith.constant 0 : i32
        %dma_wait3A_86 = tpu.memref_slice %arg10[%dma_wait3A_85] : memref<2000xi32, #tpu.memory_space<vmem>> -> memref<80xi32, #tpu.memory_space<vmem>>
        %dma_wait3A_87 = arith.constant 0 : i32
        %dma_wait3A_88 = arith.constant 0 : i32
        %dma_wait3A_89 = tpu.memref_slice %arg2[%dma_wait3A_87, %dma_wait3A_88] : memref<160000x128xf32, #tpu.memory_space<hbm>> -> memref<160000x128xf32, #tpu.memory_space<hbm>>
        tpu.wait_indirect_dma semaphore(%arg17 : memref<!tpu.dma_semaphore, #tpu.memory_space<semaphore_mem>>) src(%dma_wait3A_89 : memref<160000x128xf32, #tpu.memory_space<hbm>>) dst(%arg14 : memref<80x128xf32, #tpu.memory_space<vmem>>)
        %mul3A_90 = arith.constant 2 : i32
        %mul3A_91 = arith.muli %mul3A_90, %add3A_57 : i32
        %add3A_92 = arith.constant 1 : i32
        %add3A_93 = arith.addi %mul3A_91, %add3A_92 : i32
        "tpu.region"() ({
          %run_scoped3A_94 = tpu.sem_alloc : memref<!tpu.dma_semaphore, #tpu.memory_space<semaphore_mem>>
          %dma_start3A_95 = arith.constant 0 : i32
          %dma_start3A_96 = tpu.memref_slice %arg11[%add3A_93, %dma_start3A_95] : memref<25x80xi32, #tpu.memory_space<vmem>> -> memref<1x80xi32, #tpu.memory_space<vmem>>
          %dma_start3A_97 = tpu.memref_squeeze %dma_start3A_96 : memref<1x80xi32, #tpu.memory_space<vmem>> -> memref<80xi32, #tpu.memory_space<vmem>>
          %dma_start3A_98 = arith.constant 0 : i32
          %dma_start3A_99 = arith.constant 0 : i32
          %dma_start3A_100 = tpu.memref_slice %arg15[%dma_start3A_98, %dma_start3A_99] : memref<10000x128xf32, #tpu.memory_space<vmem_shared>> -> memref<10000x128xf32, #tpu.memory_space<vmem_shared>>
          tpu.enqueue_indirect_dma source(%arg14 : memref<80x128xf32, #tpu.memory_space<vmem>>) target(%dma_start3A_100 : memref<10000x128xf32, #tpu.memory_space<vmem_shared>>) offsets(%dma_start3A_97 : memref<80xi32, #tpu.memory_space<vmem>>) semaphore(%run_scoped3A_94 : memref<!tpu.dma_semaphore, #tpu.memory_space<semaphore_mem>>) {add = true}
          %dma_wait3A_101 = arith.constant 0 : i32
          %dma_wait3A_102 = tpu.memref_slice %arg11[%add3A_93, %dma_wait3A_101] : memref<25x80xi32, #tpu.memory_space<vmem>> -> memref<1x80xi32, #tpu.memory_space<vmem>>
          %dma_wait3A_103 = tpu.memref_squeeze %dma_wait3A_102 : memref<1x80xi32, #tpu.memory_space<vmem>> -> memref<80xi32, #tpu.memory_space<vmem>>
          %dma_wait3A_104 = arith.constant 0 : i32
          %dma_wait3A_105 = arith.constant 0 : i32
          %dma_wait3A_106 = tpu.memref_slice %arg15[%dma_wait3A_104, %dma_wait3A_105] : memref<10000x128xf32, #tpu.memory_space<vmem_shared>> -> memref<10000x128xf32, #tpu.memory_space<vmem_shared>>
          tpu.wait_indirect_dma semaphore(%run_scoped3A_94 : memref<!tpu.dma_semaphore, #tpu.memory_space<semaphore_mem>>) src(%arg14 : memref<80x128xf32, #tpu.memory_space<vmem>>) dst(%dma_wait3A_106 : memref<10000x128xf32, #tpu.memory_space<vmem_shared>>)
          tpu.yield
        }) : () -> ()
      }
      %scan3A_48 = arith.constant 12 : i32
      %dma_wait3A = arith.constant 0 : i32
      %dma_wait3A_49 = tpu.memref_slice %arg10[%dma_wait3A] : memref<2000xi32, #tpu.memory_space<vmem>> -> memref<80xi32, #tpu.memory_space<vmem>>
      %dma_wait3A_50 = arith.constant 0 : i32
      %dma_wait3A_51 = arith.constant 0 : i32
      %dma_wait3A_52 = tpu.memref_slice %arg2[%dma_wait3A_50, %dma_wait3A_51] : memref<160000x128xf32, #tpu.memory_space<hbm>> -> memref<160000x128xf32, #tpu.memory_space<hbm>>
      tpu.wait_indirect_dma semaphore(%arg16 : memref<!tpu.dma_semaphore, #tpu.memory_space<semaphore_mem>>) src(%dma_wait3A_52 : memref<160000x128xf32, #tpu.memory_space<hbm>>) dst(%arg13 : memref<80x128xf32, #tpu.memory_space<vmem>>)
      %run_scoped3A = arith.constant 24 : i32
      "tpu.region"() ({
        %run_scoped3A_53 = tpu.sem_alloc : memref<!tpu.dma_semaphore, #tpu.memory_space<semaphore_mem>>
        %dma_start3A_54 = arith.constant 0 : i32
        %dma_start3A_55 = tpu.memref_slice %arg11[%run_scoped3A, %dma_start3A_54] : memref<25x80xi32, #tpu.memory_space<vmem>> -> memref<1x80xi32, #tpu.memory_space<vmem>>
        %dma_start3A_56 = tpu.memref_squeeze %dma_start3A_55 : memref<1x80xi32, #tpu.memory_space<vmem>> -> memref<80xi32, #tpu.memory_space<vmem>>
        %dma_start3A_57 = arith.constant 0 : i32
        %dma_start3A_58 = arith.constant 0 : i32
        %dma_start3A_59 = tpu.memref_slice %arg15[%dma_start3A_57, %dma_start3A_58] : memref<10000x128xf32, #tpu.memory_space<vmem_shared>> -> memref<10000x128xf32, #tpu.memory_space<vmem_shared>>
        tpu.enqueue_indirect_dma source(%arg13 : memref<80x128xf32, #tpu.memory_space<vmem>>) target(%dma_start3A_59 : memref<10000x128xf32, #tpu.memory_space<vmem_shared>>) offsets(%dma_start3A_56 : memref<80xi32, #tpu.memory_space<vmem>>) semaphore(%run_scoped3A_53 : memref<!tpu.dma_semaphore, #tpu.memory_space<semaphore_mem>>) {add = true}
        %dma_wait3A_60 = arith.constant 0 : i32
        %dma_wait3A_61 = tpu.memref_slice %arg11[%run_scoped3A, %dma_wait3A_60] : memref<25x80xi32, #tpu.memory_space<vmem>> -> memref<1x80xi32, #tpu.memory_space<vmem>>
        %dma_wait3A_62 = tpu.memref_squeeze %dma_wait3A_61 : memref<1x80xi32, #tpu.memory_space<vmem>> -> memref<80xi32, #tpu.memory_space<vmem>>
        %dma_wait3A_63 = arith.constant 0 : i32
        %dma_wait3A_64 = arith.constant 0 : i32
        %dma_wait3A_65 = tpu.memref_slice %arg15[%dma_wait3A_63, %dma_wait3A_64] : memref<10000x128xf32, #tpu.memory_space<vmem_shared>> -> memref<10000x128xf32, #tpu.memory_space<vmem_shared>>
        tpu.wait_indirect_dma semaphore(%run_scoped3A_53 : memref<!tpu.dma_semaphore, #tpu.memory_space<semaphore_mem>>) src(%arg13 : memref<80x128xf32, #tpu.memory_space<vmem>>) dst(%dma_wait3A_65 : memref<10000x128xf32, #tpu.memory_space<vmem_shared>>)
        tpu.yield
      }) : () -> ()
    }
    %scan3A_21 = arith.constant 5 : i32
    %barrier3A_22 = arith.constant 0 : index
    tpu.barrier barrier_id(%barrier3A_22)
    %mul3A_23 = arith.constant 624 : i32
    %mul3A_24 = arith.muli %arg1, %mul3A_23 : i32
    "tpu.region"() ({
      %run_scoped3A = tpu.sem_alloc : memref<!tpu.dma_semaphore, #tpu.memory_space<semaphore_mem>>
      %dma_start3A = arith.constant 0 : i32
      %dma_start3A_30 = tpu.memref_slice %arg7[%arg0, %mul3A_24, %dma_start3A] : memref<2x10000x128xf32, #tpu.memory_space<hbm>> -> memref<1x624x128xf32, #tpu.memory_space<hbm>>
      %dma_start3A_31 = tpu.memref_squeeze %dma_start3A_30 : memref<1x624x128xf32, #tpu.memory_space<hbm>> -> memref<624x128xf32, #tpu.memory_space<hbm>>
      %dma_start3A_32 = arith.constant 0 : i32
      %dma_start3A_33 = tpu.memref_slice %arg15[%mul3A_24, %dma_start3A_32] : memref<10000x128xf32, #tpu.memory_space<vmem_shared>> -> memref<624x128xf32, #tpu.memory_space<vmem_shared>>
      tpu.enqueue_dma source(%dma_start3A_33 : memref<624x128xf32, #tpu.memory_space<vmem_shared>>) target(%dma_start3A_31 : memref<624x128xf32, #tpu.memory_space<hbm>>) target_semaphore(%run_scoped3A : memref<!tpu.dma_semaphore, #tpu.memory_space<semaphore_mem>>)
      %dma_wait3A = arith.constant 0 : i32
      %dma_wait3A_34 = tpu.memref_slice %arg7[%arg0, %mul3A_24, %dma_wait3A] : memref<2x10000x128xf32, #tpu.memory_space<hbm>> -> memref<1x624x128xf32, #tpu.memory_space<hbm>>
      %dma_wait3A_35 = tpu.memref_squeeze %dma_wait3A_34 : memref<1x624x128xf32, #tpu.memory_space<hbm>> -> memref<624x128xf32, #tpu.memory_space<hbm>>
      %dma_wait3A_36 = arith.constant 0 : i32
      %dma_wait3A_37 = tpu.memref_slice %arg15[%mul3A_24, %dma_wait3A_36] : memref<10000x128xf32, #tpu.memory_space<vmem_shared>> -> memref<624x128xf32, #tpu.memory_space<vmem_shared>>
      tpu.wait_dma2 semaphore(%run_scoped3A : memref<!tpu.dma_semaphore, #tpu.memory_space<semaphore_mem>>) src(%dma_wait3A_37 : memref<624x128xf32, #tpu.memory_space<vmem_shared>>) dst(%dma_wait3A_35 : memref<624x128xf32, #tpu.memory_space<hbm>>)
      tpu.yield
    }) : () -> ()
    %eq3A_25 = arith.constant 0 : i32
    %eq3A_26 = arith.cmpi eq, %arg1, %eq3A_25 : i32
    %convert_element_type3A_27 = arith.extui %eq3A_26 : i1 to i32
    %cond3A_28 = arith.constant 0 : i32
    %cond3A_29 = arith.cmpi ne, %convert_element_type3A_27, %cond3A_28 : i32
    scf.if %cond3A_29 {
      "tpu.region"() ({
        %run_scoped3A = tpu.sem_alloc : memref<!tpu.dma_semaphore, #tpu.memory_space<semaphore_mem>>
        %dma_start3A = arith.constant 9984 : i32
        %dma_start3A_30 = arith.constant 0 : i32
        %dma_start3A_31 = tpu.memref_slice %arg7[%arg0, %dma_start3A, %dma_start3A_30] : memref<2x10000x128xf32, #tpu.memory_space<hbm>> -> memref<1x16x128xf32, #tpu.memory_space<hbm>>
        %dma_start3A_32 = tpu.memref_squeeze %dma_start3A_31 : memref<1x16x128xf32, #tpu.memory_space<hbm>> -> memref<16x128xf32, #tpu.memory_space<hbm>>
        %dma_start3A_33 = arith.constant 9984 : i32
        %dma_start3A_34 = arith.constant 0 : i32
        %dma_start3A_35 = tpu.memref_slice %arg15[%dma_start3A_33, %dma_start3A_34] : memref<10000x128xf32, #tpu.memory_space<vmem_shared>> -> memref<16x128xf32, #tpu.memory_space<vmem_shared>>
        tpu.enqueue_dma source(%dma_start3A_35 : memref<16x128xf32, #tpu.memory_space<vmem_shared>>) target(%dma_start3A_32 : memref<16x128xf32, #tpu.memory_space<hbm>>) target_semaphore(%run_scoped3A : memref<!tpu.dma_semaphore, #tpu.memory_space<semaphore_mem>>)
        %dma_wait3A = arith.constant 9984 : i32
        %dma_wait3A_36 = arith.constant 0 : i32
        %dma_wait3A_37 = tpu.memref_slice %arg7[%arg0, %dma_wait3A, %dma_wait3A_36] : memref<2x10000x128xf32, #tpu.memory_space<hbm>> -> memref<1x16x128xf32, #tpu.memory_space<hbm>>
        %dma_wait3A_38 = tpu.memref_squeeze %dma_wait3A_37 : memref<1x16x128xf32, #tpu.memory_space<hbm>> -> memref<16x128xf32, #tpu.memory_space<hbm>>
        %dma_wait3A_39 = arith.constant 9984 : i32
        %dma_wait3A_40 = arith.constant 0 : i32
        %dma_wait3A_41 = tpu.memref_slice %arg15[%dma_wait3A_39, %dma_wait3A_40] : memref<10000x128xf32, #tpu.memory_space<vmem_shared>> -> memref<16x128xf32, #tpu.memory_space<vmem_shared>>
        tpu.wait_dma2 semaphore(%run_scoped3A : memref<!tpu.dma_semaphore, #tpu.memory_space<semaphore_mem>>) src(%dma_wait3A_41 : memref<16x128xf32, #tpu.memory_space<vmem_shared>>) dst(%dma_wait3A_38 : memref<16x128xf32, #tpu.memory_space<hbm>>)
        tpu.yield
      }) : () -> ()
    } else {
    }
    return
  }
}

module attributes {stable_mosaic.version = 14 : i64} {
  func.func @_k1a_body(%arg0: i32, %arg1: i32, %arg2: memref<400x128xf32, #tpu.memory_space<vmem>>, %arg3: memref<1x128x128xf32, #tpu.memory_space<vmem>>, %arg4: memref<400x128xf32, #tpu.memory_space<vmem>>, %arg5: memref<1x128x128xf32, #tpu.memory_space<vmem>>, %arg6: memref<400x128xf32, #tpu.memory_space<vmem>>, %arg7: memref<400x128xf32, #tpu.memory_space<vmem>>) attributes {dimension_semantics = [#tpu.dimension_semantics<arbitrary>, #tpu.dimension_semantics<arbitrary>], iteration_bounds = array<i64: 16, 25>, scalar_prefetch = 0 : i64, scratch_operands = 0 : i64, tpu.core_type = #tpu.core_type<tc>, window_params = [{transform_indices = @transform_0, window_bounds = array<i64: 400, 128>}, {transform_indices = @transform_1, window_bounds = array<i64: 1, 128, 128>}, {transform_indices = @transform_2, window_bounds = array<i64: 400, 128>}, {transform_indices = @transform_3, window_bounds = array<i64: 1, 128, 128>}, {transform_indices = @transform_4, window_bounds = array<i64: 400, 128>}, {transform_indices = @transform_5, window_bounds = array<i64: 400, 128>}]} {
    %get3A = arith.constant 0 : index
    %get3A_0 = arith.constant 0 : index
    %get3A_1 = vector.load %arg2[%get3A, %get3A_0] : memref<400x128xf32, #tpu.memory_space<vmem>>, vector<400x128xf32>
    %get3A_2 = arith.constant 0 : index
    %get3A_3 = arith.constant 0 : index
    %get3A_4 = arith.constant 0 : index
    %get3A_5 = vector.load %arg3[%get3A_2, %get3A_3, %get3A_4] : memref<1x128x128xf32, #tpu.memory_space<vmem>>, vector<1x128x128xf32>
    %get3A_6 = vector.shape_cast %get3A_5 : vector<1x128x128xf32> to vector<128x128xf32>
    %dot_general3A = arith.constant dense<0.000000e+00> : vector<400x128xf32>
    %dot_general3A_7 = tpu.matmul %get3A_1, %get3A_6, %dot_general3A {dimension_numbers = #tpu.dot_dimension_numbers<[1], [0], [0], [1], [0, 0, 1, 1], [], []>, transpose_lhs_hint = false} : vector<400x128xf32>, vector<128x128xf32>, vector<400x128xf32> -> vector<400x128xf32>
    %swap3A = arith.constant 0 : index
    %swap3A_8 = arith.constant 0 : index
    %swap3A_9 = vector.load %arg6[%swap3A, %swap3A_8] : memref<400x128xf32, #tpu.memory_space<vmem>>, vector<400x128xf32>
    tpu.vector_store %arg6[%swap3A, %swap3A_8], %dot_general3A_7 {strides = array<i32>} : memref<400x128xf32, #tpu.memory_space<vmem>>, vector<400x128xf32>,
    %get3A_10 = arith.constant 0 : index
    %get3A_11 = arith.constant 0 : index
    %get3A_12 = vector.load %arg4[%get3A_10, %get3A_11] : memref<400x128xf32, #tpu.memory_space<vmem>>, vector<400x128xf32>
    %get3A_13 = arith.constant 0 : index
    %get3A_14 = arith.constant 0 : index
    %get3A_15 = arith.constant 0 : index
    %get3A_16 = vector.load %arg5[%get3A_13, %get3A_14, %get3A_15] : memref<1x128x128xf32, #tpu.memory_space<vmem>>, vector<1x128x128xf32>
    %get3A_17 = vector.shape_cast %get3A_16 : vector<1x128x128xf32> to vector<128x128xf32>
    %dot_general3A_18 = arith.constant dense<0.000000e+00> : vector<400x128xf32>
    %dot_general3A_19 = tpu.matmul %get3A_12, %get3A_17, %dot_general3A_18 {dimension_numbers = #tpu.dot_dimension_numbers<[1], [0], [0], [1], [0, 0, 1, 1], [], []>, transpose_lhs_hint = false} : vector<400x128xf32>, vector<128x128xf32>, vector<400x128xf32> -> vector<400x128xf32>
    %swap3A_20 = arith.constant 0 : index
    %swap3A_21 = arith.constant 0 : index
    %swap3A_22 = vector.load %arg7[%swap3A_20, %swap3A_21] : memref<400x128xf32, #tpu.memory_space<vmem>>, vector<400x128xf32>
    tpu.vector_store %arg7[%swap3A_20, %swap3A_21], %dot_general3A_19 {strides = array<i32>} : memref<400x128xf32, #tpu.memory_space<vmem>>, vector<400x128xf32>,
    return
  }
  func.func @transform_0(%arg0: i32, %arg1: i32) -> (i32, i32) {
    %c0_i32 = arith.constant 0 : i32
    %c0_i32_0 = arith.constant 0 : i32
    return %arg1, %c0_i32 : i32, i32
  }
  func.func @transform_1(%arg0: i32, %arg1: i32) -> (i32, i32, i32) {
    %c0_i32 = arith.constant 0 : i32
    %c0_i32_0 = arith.constant 0 : i32
    %c0_i32_1 = arith.constant 0 : i32
    return %arg0, %c0_i32, %c0_i32_0 : i32, i32, i32
  }
  func.func @transform_2(%arg0: i32, %arg1: i32) -> (i32, i32) {
    %c0_i32 = arith.constant 0 : i32
    %c0_i32_0 = arith.constant 0 : i32
    return %arg1, %c0_i32 : i32, i32
  }
  func.func @transform_3(%arg0: i32, %arg1: i32) -> (i32, i32, i32) {
    %c0_i32 = arith.constant 0 : i32
    %c0_i32_0 = arith.constant 0 : i32
    %c0_i32_1 = arith.constant 0 : i32
    return %arg0, %c0_i32, %c0_i32_0 : i32, i32, i32
  }
  func.func @transform_4(%arg0: i32, %arg1: i32) -> (i32, i32) {
    %mul3A = arith.constant 25 : i32
    %mul3A_0 = arith.muli %arg0, %mul3A : i32
    %add3A = arith.addi %mul3A_0, %arg1 : i32
    %c0_i32 = arith.constant 0 : i32
    %c0_i32_1 = arith.constant 0 : i32
    return %add3A, %c0_i32 : i32, i32
  }
  func.func @transform_5(%arg0: i32, %arg1: i32) -> (i32, i32) {
    %mul3A = arith.constant 25 : i32
    %mul3A_0 = arith.muli %arg0, %mul3A : i32
    %add3A = arith.addi %mul3A_0, %arg1 : i32
    %c0_i32 = arith.constant 0 : i32
    %c0_i32_1 = arith.constant 0 : i32
    return %add3A, %c0_i32 : i32, i32
  }
}

module attributes {stable_mosaic.version = 14 : i64} {
  func.func @_k1c_body(%arg0: memref<2500x128xf32, #tpu.memory_space<vmem>>, %arg1: memref<2500x128xf32, #tpu.memory_space<vmem>>, %arg2: memref<16x128xf32, #tpu.memory_space<vmem>>, %arg3: memref<128x128xf32, #tpu.memory_space<vmem>>, %arg4: memref<16x128xf32, #tpu.memory_space<vmem>>, %arg5: memref<128x128xf32, #tpu.memory_space<vmem>>, %arg6: memref<2500x128xf32, #tpu.memory_space<vmem>>, %arg7: memref<16x128xf32, #tpu.memory_space<vmem>>, %arg8: memref<16x128xf32, #tpu.memory_space<vmem>>) attributes {dimension_semantics = [], scalar_prefetch = 0 : i64, scratch_operands = 0 : i64, tpu.core_type = #tpu.core_type<tc>} {
    %get3A = arith.constant 0 : index
    %get3A_0 = arith.constant 0 : index
    %get3A_1 = vector.load %arg0[%get3A, %get3A_0] : memref<2500x128xf32, #tpu.memory_space<vmem>>, vector<2500x128xf32>
    %log3A = math.log %get3A_1 : vector<2500x128xf32>
    %neg3A = arith.constant 0.000000e+00 : f32
    %neg3A_2 = vector.broadcast %neg3A : f32 to vector<2500x128xf32>
    %neg3A_3 = arith.subf %neg3A_2, %log3A : vector<2500x128xf32>
    %log3A_4 = math.log %neg3A_3 : vector<2500x128xf32>
    %neg3A_5 = arith.constant 0.000000e+00 : f32
    %neg3A_6 = vector.broadcast %neg3A_5 : f32 to vector<2500x128xf32>
    %neg3A_7 = arith.subf %neg3A_6, %log3A_4 : vector<2500x128xf32>
    %get3A_8 = arith.constant 0 : index
    %get3A_9 = arith.constant 0 : index
    %get3A_10 = vector.load %arg1[%get3A_8, %get3A_9] : memref<2500x128xf32, #tpu.memory_space<vmem>>, vector<2500x128xf32>
    %log3A_11 = math.log %get3A_10 : vector<2500x128xf32>
    %neg3A_12 = arith.constant 0.000000e+00 : f32
    %neg3A_13 = vector.broadcast %neg3A_12 : f32 to vector<2500x128xf32>
    %neg3A_14 = arith.subf %neg3A_13, %log3A_11 : vector<2500x128xf32>
    %log3A_15 = math.log %neg3A_14 : vector<2500x128xf32>
    %neg3A_16 = arith.constant 0.000000e+00 : f32
    %neg3A_17 = vector.broadcast %neg3A_16 : f32 to vector<2500x128xf32>
    %neg3A_18 = arith.subf %neg3A_17, %log3A_15 : vector<2500x128xf32>
    %sub3A = arith.subf %neg3A_18, %neg3A_7 : vector<2500x128xf32>
    %swap3A = arith.constant 0 : index
    %swap3A_19 = arith.constant 0 : index
    %swap3A_20 = vector.load %arg6[%swap3A, %swap3A_19] : memref<2500x128xf32, #tpu.memory_space<vmem>>, vector<2500x128xf32>
    tpu.vector_store %arg6[%swap3A, %swap3A_19], %sub3A {strides = array<i32>} : memref<2500x128xf32, #tpu.memory_space<vmem>>, vector<2500x128xf32>,
    %get3A_21 = arith.constant 0 : index
    %get3A_22 = arith.constant 0 : index
    %get3A_23 = vector.load %arg2[%get3A_21, %get3A_22] : memref<16x128xf32, #tpu.memory_space<vmem>>, vector<16x128xf32>
    %get3A_24 = arith.constant 0 : index
    %get3A_25 = arith.constant 0 : index
    %get3A_26 = vector.load %arg3[%get3A_24, %get3A_25] : memref<128x128xf32, #tpu.memory_space<vmem>>, vector<128x128xf32>
    %dot_general3A = arith.constant dense<0.000000e+00> : vector<16x128xf32>
    %dot_general3A_27 = tpu.matmul %get3A_23, %get3A_26, %dot_general3A {dimension_numbers = #tpu.dot_dimension_numbers<[1], [0], [0], [1], [0, 0, 1, 1], [], []>, transpose_lhs_hint = false} : vector<16x128xf32>, vector<128x128xf32>, vector<16x128xf32> -> vector<16x128xf32>
    %swap3A_28 = arith.constant 0 : index
    %swap3A_29 = arith.constant 0 : index
    %swap3A_30 = vector.load %arg8[%swap3A_28, %swap3A_29] : memref<16x128xf32, #tpu.memory_space<vmem>>, vector<16x128xf32>
    tpu.vector_store %arg8[%swap3A_28, %swap3A_29], %dot_general3A_27 {strides = array<i32>} : memref<16x128xf32, #tpu.memory_space<vmem>>, vector<16x128xf32>,
    %get3A_31 = arith.constant 0 : index
    %get3A_32 = arith.constant 0 : index
    %get3A_33 = vector.load %arg4[%get3A_31, %get3A_32] : memref<16x128xf32, #tpu.memory_space<vmem>>, vector<16x128xf32>
    %get3A_34 = arith.constant 0 : index
    %get3A_35 = arith.constant 0 : index
    %get3A_36 = vector.load %arg5[%get3A_34, %get3A_35] : memref<128x128xf32, #tpu.memory_space<vmem>>, vector<128x128xf32>
    %dot_general3A_37 = arith.constant dense<0.000000e+00> : vector<16x128xf32>
    %dot_general3A_38 = tpu.matmul %get3A_33, %get3A_36, %dot_general3A_37 {dimension_numbers = #tpu.dot_dimension_numbers<[1], [0], [0], [1], [0, 0, 1, 1], [], []>, transpose_lhs_hint = false} : vector<16x128xf32>, vector<128x128xf32>, vector<16x128xf32> -> vector<16x128xf32>
    %swap3A_39 = arith.constant 0 : index
    %swap3A_40 = arith.constant 0 : index
    %swap3A_41 = vector.load %arg7[%swap3A_39, %swap3A_40] : memref<16x128xf32, #tpu.memory_space<vmem>>, vector<16x128xf32>
    tpu.vector_store %arg7[%swap3A_39, %swap3A_40], %dot_general3A_38 {strides = array<i32>} : memref<16x128xf32, #tpu.memory_space<vmem>>, vector<16x128xf32>,
    return
  }
}

module attributes {stable_mosaic.version = 14 : i64} {
  func.func @_k3_body(%arg0: i32, %arg1: memref<400x128xf32, #tpu.memory_space<vmem>>, %arg2: memref<400x128xf32, #tpu.memory_space<vmem>>, %arg3: memref<400x128xf32, #tpu.memory_space<vmem>>, %arg4: memref<128x128xf32, #tpu.memory_space<vmem>>, %arg5: memref<1x128xf32, #tpu.memory_space<vmem>>, %arg6: memref<400x128xf32, #tpu.memory_space<vmem>>) attributes {dimension_semantics = [#tpu.dimension_semantics<arbitrary>], iteration_bounds = array<i64: 25>, scalar_prefetch = 0 : i64, scratch_operands = 0 : i64, tpu.core_type = #tpu.core_type<tc>, window_params = [{transform_indices = @transform_0, window_bounds = array<i64: 400, 128>}, {transform_indices = @transform_1, window_bounds = array<i64: 400, 128>}, {transform_indices = @transform_2, window_bounds = array<i64: 400, 128>}, {pipeline_mode = #tpu.pipeline_mode<synchronous>, transform_indices = @transform_3, window_bounds = array<i64: 128, 128>}, {pipeline_mode = #tpu.pipeline_mode<synchronous>, transform_indices = @transform_4, window_bounds = array<i64: 1, 128>}, {transform_indices = @transform_5, window_bounds = array<i64: 400, 128>}]} {
    %get3A = arith.constant 0 : index
    %get3A_0 = arith.constant 0 : index
    %get3A_1 = vector.load %arg1[%get3A, %get3A_0] : memref<400x128xf32, #tpu.memory_space<vmem>>, vector<400x128xf32>
    %get3A_2 = arith.constant 0 : index
    %get3A_3 = arith.constant 0 : index
    %get3A_4 = vector.load %arg2[%get3A_2, %get3A_3] : memref<400x128xf32, #tpu.memory_space<vmem>>, vector<400x128xf32>
    %add3A = arith.addf %get3A_1, %get3A_4 : vector<400x128xf32>
    %get3A_5 = arith.constant 0 : index
    %get3A_6 = arith.constant 0 : index
    %get3A_7 = vector.load %arg5[%get3A_5, %get3A_6] : memref<1x128xf32, #tpu.memory_space<vmem>>, vector<1x128xf32>
    %add3A_8 = vector.broadcast %get3A_7 : vector<1x128xf32> to vector<400x128xf32>
    %add3A_9 = arith.addf %add3A, %add3A_8 : vector<400x128xf32>
    %get3A_10 = arith.constant 0 : index
    %get3A_11 = arith.constant 0 : index
    %get3A_12 = vector.load %arg3[%get3A_10, %get3A_11] : memref<400x128xf32, #tpu.memory_space<vmem>>, vector<400x128xf32>
    %get3A_13 = arith.constant 0 : index
    %get3A_14 = arith.constant 0 : index
    %get3A_15 = vector.load %arg4[%get3A_13, %get3A_14] : memref<128x128xf32, #tpu.memory_space<vmem>>, vector<128x128xf32>
    %dot_general3A = arith.constant dense<0.000000e+00> : vector<400x128xf32>
    %dot_general3A_16 = tpu.matmul %get3A_12, %get3A_15, %dot_general3A {dimension_numbers = #tpu.dot_dimension_numbers<[1], [0], [0], [1], [0, 0, 1, 1], [], []>, transpose_lhs_hint = false} : vector<400x128xf32>, vector<128x128xf32>, vector<400x128xf32> -> vector<400x128xf32>
    %add3A_17 = arith.addf %add3A_9, %dot_general3A_16 : vector<400x128xf32>
    %swap3A = arith.constant 0 : index
    %swap3A_18 = arith.constant 0 : index
    %swap3A_19 = vector.load %arg6[%swap3A, %swap3A_18] : memref<400x128xf32, #tpu.memory_space<vmem>>, vector<400x128xf32>
    tpu.vector_store %arg6[%swap3A, %swap3A_18], %add3A_17 {strides = array<i32>} : memref<400x128xf32, #tpu.memory_space<vmem>>, vector<400x128xf32>,
    return
  }
  func.func @transform_0(%arg0: i32) -> (i32, i32) {
    %c0_i32 = arith.constant 0 : i32
    %c0_i32_0 = arith.constant 0 : i32
    return %arg0, %c0_i32 : i32, i32
  }
  func.func @transform_1(%arg0: i32) -> (i32, i32) {
    %c0_i32 = arith.constant 0 : i32
    %c0_i32_0 = arith.constant 0 : i32
    return %arg0, %c0_i32 : i32, i32
  }
  func.func @transform_2(%arg0: i32) -> (i32, i32) {
    %c0_i32 = arith.constant 0 : i32
    %c0_i32_0 = arith.constant 0 : i32
    return %arg0, %c0_i32 : i32, i32
  }
  func.func @transform_3(%arg0: i32) -> (i32, i32) {
    %c0_i32 = arith.constant 0 : i32
    %c0_i32_0 = arith.constant 0 : i32
    %c0_i32_1 = arith.constant 0 : i32
    return %c0_i32, %c0_i32_0 : i32, i32
  }
  func.func @transform_4(%arg0: i32) -> (i32, i32) {
    %c0_i32 = arith.constant 0 : i32
    %c0_i32_0 = arith.constant 0 : i32
    %c0_i32_1 = arith.constant 0 : i32
    return %c0_i32, %c0_i32_0 : i32, i32
  }
  func.func @transform_5(%arg0: i32) -> (i32, i32) {
    %c0_i32 = arith.constant 0 : i32
    %c0_i32_0 = arith.constant 0 : i32
    return %arg0, %c0_i32 : i32, i32
  }
}

module attributes {stable_mosaic.version = 14 : i64} {
  func.func @_k4m_body(%arg0: i32, %arg1: memref<3200x128xf32, #tpu.memory_space<vmem>>, %arg2: memref<3200x128xf32, #tpu.memory_space<vmem>>, %arg3: memref<3200x128xf32, #tpu.memory_space<vmem>>, %arg4: memref<1x25x128xf32, #tpu.memory_space<vmem>>, %arg5: memref<384x128xf32, #tpu.memory_space<vmem>>, %arg6: memref<1x128xf32, #tpu.memory_space<vmem>>, %arg7: memref<128x1xf32, #tpu.memory_space<vmem>>, %arg8: memref<1x1xf32, #tpu.memory_space<vmem>>, %arg9: memref<1x25x128xf32, #tpu.memory_space<vmem>>, %arg10: memref<1x25x128xf32, #tpu.memory_space<vmem>>) attributes {dimension_semantics = [#tpu.dimension_semantics<arbitrary>], iteration_bounds = array<i64: 100>, scalar_prefetch = 0 : i64, scratch_operands = 0 : i64, tpu.core_type = #tpu.core_type<tc>, window_params = [{transform_indices = @transform_0, window_bounds = array<i64: 3200, 128>}, {transform_indices = @transform_1, window_bounds = array<i64: 3200, 128>}, {transform_indices = @transform_2, window_bounds = array<i64: 3200, 128>}, {transform_indices = @transform_3, window_bounds = array<i64: 1, 25, 128>}, {pipeline_mode = #tpu.pipeline_mode<synchronous>, transform_indices = @transform_4, window_bounds = array<i64: 384, 128>}, {pipeline_mode = #tpu.pipeline_mode<synchronous>, transform_indices = @transform_5, window_bounds = array<i64: 1, 128>}, {pipeline_mode = #tpu.pipeline_mode<synchronous>, transform_indices = @transform_6, window_bounds = array<i64: 128, 1>}, {pipeline_mode = #tpu.pipeline_mode<synchronous>, transform_indices = @transform_7, window_bounds = array<i64: 1, 1>}, {transform_indices = @transform_8, window_bounds = array<i64: 1, 25, 128>}, {transform_indices = @transform_9, window_bounds = array<i64: 1, 25, 128>}]} {
    %get3A = arith.constant 0 : index
    %get3A_0 = arith.constant 0 : index
    %get3A_1 = vector.load %arg1[%get3A, %get3A_0] : memref<3200x128xf32, #tpu.memory_space<vmem>>, vector<3200x128xf32>
    %get3A_2 = arith.constant 0 : index
    %get3A_3 = arith.constant 0 : index
    %get3A_4 = vector.load %arg3[%get3A_2, %get3A_3] : memref<3200x128xf32, #tpu.memory_space<vmem>>, vector<3200x128xf32>
    %get3A_5 = arith.constant 0 : index
    %get3A_6 = arith.constant 0 : index
    %get3A_7 = vector.load %arg2[%get3A_5, %get3A_6] : memref<3200x128xf32, #tpu.memory_space<vmem>>, vector<3200x128xf32>
    %concatenate3A = tpu.concatenate %get3A_1, %get3A_4, %get3A_7 in 1 : vector<3200x128xf32>, vector<3200x128xf32>, vector<3200x128xf32> -> vector<3200x384xf32>
    %mul3A = arith.mulf %concatenate3A, %concatenate3A : vector<3200x384xf32>
    %reduce_sum3A = arith.constant dense<0.000000e+00> : vector<3200xf32>
    %reduce_sum3A_8 = vector.multi_reduction <add>, %mul3A, %reduce_sum3A [1] : vector<3200x384xf32> to vector<3200xf32>
    %broadcast_in_dim3A = vector.shape_cast %reduce_sum3A_8 : vector<3200xf32> to vector<3200x1xf32>
    %sqrt3A = math.sqrt %broadcast_in_dim3A : vector<3200x1xf32>
    %max3A = arith.constant 9.99999996E-13 : f32
    %max3A_9 = vector.broadcast %max3A : f32 to vector<3200x1xf32>
    %max3A_10 = arith.maximumf %sqrt3A, %max3A_9 : vector<3200x1xf32>
    %div3A = vector.broadcast %max3A_10 : vector<3200x1xf32> to vector<3200x384xf32>
    %div3A_11 = arith.divf %concatenate3A, %div3A : vector<3200x384xf32>
    %get3A_12 = arith.constant 0 : index
    %get3A_13 = arith.constant 0 : index
    %get3A_14 = vector.load %arg5[%get3A_12, %get3A_13] : memref<384x128xf32, #tpu.memory_space<vmem>>, vector<384x128xf32>
    %dot_general3A = arith.constant dense<0.000000e+00> : vector<3200x128xf32>
    %dot_general3A_15 = tpu.matmul %div3A_11, %get3A_14, %dot_general3A {dimension_numbers = #tpu.dot_dimension_numbers<[1], [0], [0], [1], [0, 0, 1, 1], [], []>, transpose_lhs_hint = false} : vector<3200x384xf32>, vector<384x128xf32>, vector<3200x128xf32> -> vector<3200x128xf32>
    %get3A_16 = arith.constant 0 : index
    %get3A_17 = arith.constant 0 : index
    %get3A_18 = vector.load %arg6[%get3A_16, %get3A_17] : memref<1x128xf32, #tpu.memory_space<vmem>>, vector<1x128xf32>
    %add3A = vector.broadcast %get3A_18 : vector<1x128xf32> to vector<3200x128xf32>
    %add3A_19 = arith.addf %dot_general3A_15, %add3A : vector<3200x128xf32>
    %max3A_20 = arith.constant 0.000000e+00 : f32
    %max3A_21 = vector.broadcast %max3A_20 : f32 to vector<3200x128xf32>
    %max3A_22 = arith.maximumf %add3A_19, %max3A_21 : vector<3200x128xf32>
    %get3A_23 = arith.constant 0 : index
    %get3A_24 = arith.constant 0 : index
    %get3A_25 = vector.load %arg7[%get3A_23, %get3A_24] : memref<128x1xf32, #tpu.memory_space<vmem>>, vector<128x1xf32>
    %dot_general3A_26 = arith.constant dense<0.000000e+00> : vector<3200x1xf32>
    %dot_general3A_27 = tpu.matmul %max3A_22, %get3A_25, %dot_general3A_26 {dimension_numbers = #tpu.dot_dimension_numbers<[1], [0], [0], [1], [0, 0, 1, 1], [], []>, transpose_lhs_hint = false} : vector<3200x128xf32>, vector<128x1xf32>, vector<3200x1xf32> -> vector<3200x1xf32>
    %get3A_28 = arith.constant 0 : index
    %get3A_29 = arith.constant 0 : index
    %get3A_30 = vector.load %arg8[%get3A_28, %get3A_29] : memref<1x1xf32, #tpu.memory_space<vmem>>, vector<1x1xf32>
    %add3A_31 = vector.broadcast %get3A_30 : vector<1x1xf32> to vector<3200x1xf32>
    %add3A_32 = arith.addf %dot_general3A_27, %add3A_31 : vector<3200x1xf32>
    %logistic3A = arith.negf %add3A_32 : vector<3200x1xf32>
    %logistic3A_33 = math.exp %logistic3A : vector<3200x1xf32>
    %logistic3A_34 = arith.constant 1.000000e+00 : f32
    %logistic3A_35 = vector.broadcast %logistic3A_34 : f32 to vector<3200x1xf32>
    %logistic3A_36 = arith.addf %logistic3A_35, %logistic3A_33 : vector<3200x1xf32>
    %logistic3A_37 = arith.divf %logistic3A_35, %logistic3A_36 : vector<3200x1xf32>
    %reshape3A = vector.shape_cast %logistic3A_37 : vector<3200x1xf32> to vector<1x25x128xf32>
    %swap3A = arith.constant 0 : index
    %swap3A_38 = arith.constant 0 : index
    %swap3A_39 = arith.constant 0 : index
    %swap3A_40 = vector.load %arg9[%swap3A, %swap3A_38, %swap3A_39] : memref<1x25x128xf32, #tpu.memory_space<vmem>>, vector<1x25x128xf32>
    tpu.vector_store %arg9[%swap3A, %swap3A_38, %swap3A_39], %reshape3A {strides = array<i32>} : memref<1x25x128xf32, #tpu.memory_space<vmem>>, vector<1x25x128xf32>,
    %mul3A_41 = arith.constant 2.000000e+00 : f32
    %mul3A_42 = vector.broadcast %mul3A_41 : f32 to vector<1x25x128xf32>
    %mul3A_43 = arith.mulf %mul3A_42, %reshape3A : vector<1x25x128xf32>
    %sub3A = arith.constant 1.000000e+00 : f32
    %sub3A_44 = vector.broadcast %sub3A : f32 to vector<1x25x128xf32>
    %sub3A_45 = arith.subf %mul3A_43, %sub3A_44 : vector<1x25x128xf32>
    %get3A_46 = arith.constant 0 : index
    %get3A_47 = arith.constant 0 : index
    %get3A_48 = arith.constant 0 : index
    %get3A_49 = vector.load %arg4[%get3A_46, %get3A_47, %get3A_48] : memref<1x25x128xf32, #tpu.memory_space<vmem>>, vector<1x25x128xf32>
    %ge3A = arith.cmpf oge, %sub3A_45, %get3A_49 : vector<1x25x128xf32>
    %jit3A = arith.constant 1.000000e+00 : f32
    %jit3A_50 = arith.constant 0.000000e+00 : f32
    %broadcast_in_dim3A_51 = vector.broadcast %jit3A : f32 to vector<1x25x128xf32>
    %broadcast_in_dim3A_52 = vector.broadcast %jit3A_50 : f32 to vector<1x25x128xf32>
    %select_n3A = arith.select %ge3A, %broadcast_in_dim3A_51, %broadcast_in_dim3A_52 : vector<1x25x128xi1>, vector<1x25x128xf32>
    %swap3A_53 = arith.constant 0 : index
    %swap3A_54 = arith.constant 0 : index
    %swap3A_55 = arith.constant 0 : index
    %swap3A_56 = vector.load %arg10[%swap3A_53, %swap3A_54, %swap3A_55] : memref<1x25x128xf32, #tpu.memory_space<vmem>>, vector<1x25x128xf32>
    tpu.vector_store %arg10[%swap3A_53, %swap3A_54, %swap3A_55], %select_n3A {strides = array<i32>} : memref<1x25x128xf32, #tpu.memory_space<vmem>>, vector<1x25x128xf32>,
    return
  }
  func.func @transform_0(%arg0: i32) -> (i32, i32) {
    %c0_i32 = arith.constant 0 : i32
    %c0_i32_0 = arith.constant 0 : i32
    return %arg0, %c0_i32 : i32, i32
  }
  func.func @transform_1(%arg0: i32) -> (i32, i32) {
    %c0_i32 = arith.constant 0 : i32
    %c0_i32_0 = arith.constant 0 : i32
    return %arg0, %c0_i32 : i32, i32
  }
  func.func @transform_2(%arg0: i32) -> (i32, i32) {
    %c0_i32 = arith.constant 0 : i32
    %c0_i32_0 = arith.constant 0 : i32
    return %arg0, %c0_i32 : i32, i32
  }
  func.func @transform_3(%arg0: i32) -> (i32, i32, i32) {
    %c0_i32 = arith.constant 0 : i32
    %c0_i32_0 = arith.constant 0 : i32
    %c0_i32_1 = arith.constant 0 : i32
    return %arg0, %c0_i32, %c0_i32_0 : i32, i32, i32
  }
  func.func @transform_4(%arg0: i32) -> (i32, i32) {
    %c0_i32 = arith.constant 0 : i32
    %c0_i32_0 = arith.constant 0 : i32
    %c0_i32_1 = arith.constant 0 : i32
    return %c0_i32, %c0_i32_0 : i32, i32
  }
  func.func @transform_5(%arg0: i32) -> (i32, i32) {
    %c0_i32 = arith.constant 0 : i32
    %c0_i32_0 = arith.constant 0 : i32
    %c0_i32_1 = arith.constant 0 : i32
    return %c0_i32, %c0_i32_0 : i32, i32
  }
  func.func @transform_6(%arg0: i32) -> (i32, i32) {
    %c0_i32 = arith.constant 0 : i32
    %c0_i32_0 = arith.constant 0 : i32
    %c0_i32_1 = arith.constant 0 : i32
    return %c0_i32, %c0_i32_0 : i32, i32
  }
  func.func @transform_7(%arg0: i32) -> (i32, i32) {
    %c0_i32 = arith.constant 0 : i32
    %c0_i32_0 = arith.constant 0 : i32
    %c0_i32_1 = arith.constant 0 : i32
    return %c0_i32, %c0_i32_0 : i32, i32
  }
  func.func @transform_8(%arg0: i32) -> (i32, i32, i32) {
    %c0_i32 = arith.constant 0 : i32
    %c0_i32_0 = arith.constant 0 : i32
    %c0_i32_1 = arith.constant 0 : i32
    return %arg0, %c0_i32, %c0_i32_0 : i32, i32, i32
  }
  func.func @transform_9(%arg0: i32) -> (i32, i32, i32) {
    %c0_i32 = arith.constant 0 : i32
    %c0_i32_0 = arith.constant 0 : i32
    %c0_i32_1 = arith.constant 0 : i32
    return %arg0, %c0_i32, %c0_i32_0 : i32, i32, i32
  }
}

module attributes {stable_mosaic.version = 14 : i64} {
  func.func @_k5_body(%arg0: i32, %arg1: memref<400x128xf32, #tpu.memory_space<vmem>>, %arg2: memref<400x128xf32, #tpu.memory_space<vmem>>, %arg3: memref<400x128xf32, #tpu.memory_space<vmem>>, %arg4: memref<128x128xf32, #tpu.memory_space<vmem>>, %arg5: memref<1x128xf32, #tpu.memory_space<vmem>>, %arg6: memref<400x128xf32, #tpu.memory_space<vmem>>) attributes {dimension_semantics = [#tpu.dimension_semantics<arbitrary>], iteration_bounds = array<i64: 25>, scalar_prefetch = 0 : i64, scratch_operands = 0 : i64, tpu.core_type = #tpu.core_type<tc>, window_params = [{transform_indices = @transform_0, window_bounds = array<i64: 400, 128>}, {transform_indices = @transform_1, window_bounds = array<i64: 400, 128>}, {transform_indices = @transform_2, window_bounds = array<i64: 400, 128>}, {pipeline_mode = #tpu.pipeline_mode<synchronous>, transform_indices = @transform_3, window_bounds = array<i64: 128, 128>}, {pipeline_mode = #tpu.pipeline_mode<synchronous>, transform_indices = @transform_4, window_bounds = array<i64: 1, 128>}, {transform_indices = @transform_5, window_bounds = array<i64: 400, 128>}]} {
    %get3A = arith.constant 0 : index
    %get3A_0 = arith.constant 0 : index
    %get3A_1 = vector.load %arg1[%get3A, %get3A_0] : memref<400x128xf32, #tpu.memory_space<vmem>>, vector<400x128xf32>
    %get3A_2 = arith.constant 0 : index
    %get3A_3 = arith.constant 0 : index
    %get3A_4 = vector.load %arg2[%get3A_2, %get3A_3] : memref<400x128xf32, #tpu.memory_space<vmem>>, vector<400x128xf32>
    %add3A = arith.addf %get3A_1, %get3A_4 : vector<400x128xf32>
    %get3A_5 = arith.constant 0 : index
    %get3A_6 = arith.constant 0 : index
    %get3A_7 = vector.load %arg5[%get3A_5, %get3A_6] : memref<1x128xf32, #tpu.memory_space<vmem>>, vector<1x128xf32>
    %add3A_8 = vector.broadcast %get3A_7 : vector<1x128xf32> to vector<400x128xf32>
    %add3A_9 = arith.addf %add3A, %add3A_8 : vector<400x128xf32>
    %get3A_10 = arith.constant 0 : index
    %get3A_11 = arith.constant 0 : index
    %get3A_12 = vector.load %arg3[%get3A_10, %get3A_11] : memref<400x128xf32, #tpu.memory_space<vmem>>, vector<400x128xf32>
    %get3A_13 = arith.constant 0 : index
    %get3A_14 = arith.constant 0 : index
    %get3A_15 = vector.load %arg4[%get3A_13, %get3A_14] : memref<128x128xf32, #tpu.memory_space<vmem>>, vector<128x128xf32>
    %dot_general3A = arith.constant dense<0.000000e+00> : vector<400x128xf32>
    %dot_general3A_16 = tpu.matmul %get3A_12, %get3A_15, %dot_general3A {dimension_numbers = #tpu.dot_dimension_numbers<[1], [0], [0], [1], [0, 0, 1, 1], [], []>, transpose_lhs_hint = false} : vector<400x128xf32>, vector<128x128xf32>, vector<400x128xf32> -> vector<400x128xf32>
    %add3A_17 = arith.addf %add3A_9, %dot_general3A_16 : vector<400x128xf32>
    %swap3A = arith.constant 0 : index
    %swap3A_18 = arith.constant 0 : index
    %swap3A_19 = vector.load %arg6[%swap3A, %swap3A_18] : memref<400x128xf32, #tpu.memory_space<vmem>>, vector<400x128xf32>
    tpu.vector_store %arg6[%swap3A, %swap3A_18], %add3A_17 {strides = array<i32>} : memref<400x128xf32, #tpu.memory_space<vmem>>, vector<400x128xf32>,
    return
  }
  func.func @transform_0(%arg0: i32) -> (i32, i32) {
    %c0_i32 = arith.constant 0 : i32
    %c0_i32_0 = arith.constant 0 : i32
    return %arg0, %c0_i32 : i32, i32
  }
  func.func @transform_1(%arg0: i32) -> (i32, i32) {
    %c0_i32 = arith.constant 0 : i32
    %c0_i32_0 = arith.constant 0 : i32
    return %arg0, %c0_i32 : i32, i32
  }
  func.func @transform_2(%arg0: i32) -> (i32, i32) {
    %c0_i32 = arith.constant 0 : i32
    %c0_i32_0 = arith.constant 0 : i32
    return %arg0, %c0_i32 : i32, i32
  }
  func.func @transform_3(%arg0: i32) -> (i32, i32) {
    %c0_i32 = arith.constant 0 : i32
    %c0_i32_0 = arith.constant 0 : i32
    %c0_i32_1 = arith.constant 0 : i32
    return %c0_i32, %c0_i32_0 : i32, i32
  }
  func.func @transform_4(%arg0: i32) -> (i32, i32) {
    %c0_i32 = arith.constant 0 : i32
    %c0_i32_0 = arith.constant 0 : i32
    %c0_i32_1 = arith.constant 0 : i32
    return %c0_i32, %c0_i32_0 : i32, i32
  }
  func.func @transform_5(%arg0: i32) -> (i32, i32) {
    %c0_i32 = arith.constant 0 : i32
    %c0_i32_0 = arith.constant 0 : i32
    return %arg0, %c0_i32 : i32, i32
  }
}

</mosaic_0001>

<sc_bundles>
// kernel: kernel.10.cloned.1.call-start
scs
__scs_entry_jumppad:
0x0: {  	(pc) =	sbr.rel $0x88, $3  }
0x1: {  	(tag) =	ssettag $0x0;
	lr =	simm.s32 $0x1  }
0x2: {  	[smem:$0x3F8F] =	sst lr;
	_ =	strace $0xD0000000  }
0x3: {  	_ = 	snop  }
0x4: {  	_ = 	snop  }
0x5: {  	_ = 	snop  }
0x6: {  	_ = 	snop  }
0x7: {  	_ = 	snop  }
__scs_overlays_trampoline_lowered:
0x8: {  	[smem:$0x3F9E] =	sst s0  }
0x9: {  	[smem:$0x3F9F] =	sst s1  }
0xa: {  	[smem:$0x3FA0] =	sst s2  }
0xb: {  	[smem:$0x3FA1] =	sst s3  }
0xc: {  	[smem:$0x3FA2] =	sst s4  }
0xd: {  	[smem:$0x3FA3] =	sst s5  }
0xe: {  	[smem:$0x3FA4] =	sst s6  }
0xf: {  	[smem:$0x3FA5] =	sst s7  }
0x10: {  	[smem:$0x3FA6] =	sst s8  }
0x11: {  	[smem:$0x3FA7] =	sst s9;
	s0 =	simm.s32 @!p0 $0x0  }
0x12: {  	s1 =	sld [smem:$0x3F8D];
	s0 =	simm.s32 @p0 $0x1  }
0x13: {  	[smem:$0x3FA8] =	sst s0;
	s0 =	simm.s32 @!p1 $0x0  }
0x14: {  	s2 =	sld [smem:$0x3F8C];
	s0 =	simm.s32 @p1 $0x1  }
0x15: {  	[smem:$0x3FA9] =	sst s0;
	s0 =	simm.s32 @!p2 $0x0  }
0x16: {  	s3 =	sld [smem:$0x3FDB];
	s0 =	simm.s32 @p2 $0x1  }
0x17: {  	s4 =	simm.s32 $0x1BF5;
	[smem:$0x3FAB] =	sst s0  }
0x18: {  	s0 =	sld [smem:$0x3F8E];
	_ =	swait.ge [sflag:s4], $0x0  }
0x19: {  	s7 =	sld [smem:$0x3F8F]  }
0x1a: {  	s8 =	sadd.s32 $0xFFFFE003, lr  }
0x1b: {  	s9 =	sadd.s32 $0xFFFFFEF7, lr;
	s5 =	simm.s32 $0xFFFFFFFF;
	p2 =	slt.u32 s8, $0xFFFFF086  }
0x1c: {  	p1 =	slt.u32 s9, $0xF7A;
	s5 =	simm.s32 @!p2 $0x0  }
0x1d: {  	s5 =	simm.s32 @p1 $0x1;
	p0 =	seq.s32 s7, s2  }
0x1e: {  	s7 =	smul.u32 @!p0 $0xF7A, s2;
	p2 =	seq.s32 @!p0 s5, $0x0  }
0x1f: {  	s9 =	smul.u32 $0xF7A, s1;
	s8 =	simm.s32 @!p0 $0x1BF5;
	p2 =	por !p2, p0  }
0x20: {  	[sflag:s8] =	ssyncset.s32 @!p0 $0xFFFFF086;
	s6 =	sadd.s32 @!p0 s3, s7;
	s7 =	simm.s32 @!p0 $0x108  }
0x21: {  	s3 =	sadd.s32 s3, s9;
	s6 =	sadd.s32 @!p0 $0x88, s6;
	s7 =	simm.s32 @p2 $0x1082  }
0x22: {  	[simem:s7], [sflag:s8] =	dma.local @!p0 [hbm:s6], $0xF7A  }
0x23: {  	s9 =	sor.u32 $0xD0000000, s2;
	s6 =	simm.s32 $0x108;
	_ =	swait.ge @!p0 [sflag:s8], $0x0  }
0x24: {  	s3 =	sadd.s32 $0x88, s3;
	s6 =	simm.s32 @!p1 $0x1082;
	[sflag:s4] =	ssyncset.s32 $0xFFFFF086  }
0x25: {  	[simem:s6], [sflag:s4] =	dma.local [hbm:s3], $0xF7A  }
0x26: {  	[smem:$0x3F8F] =	sst s1;
	(tag) =	ssettag s2;
	_ =	strace s9  }
0x27: {  	s1 =	sld [smem:$0x3F9F]  }
0x28: {  	s2 =	sld [smem:$0x3FA0]  }
0x29: {  	s4 =	sld [smem:$0x3FA2]  }
0x2a: {  	p0 =	seq.s32 s5, $0x0;
	s5 =	sld [smem:$0x3FA3]  }
0x2b: {  	s6 =	sld [smem:$0x3FA4]  }
0x2c: {  	s7 =	sld [smem:$0x3FA5]  }
0x2d: {  	s3 =	simm.s32 $0x108;
	s8 =	sld [smem:$0x3FA6]  }
0x2e: {  	s3 =	simm.s32 @!p0 $0x1082;
	s9 =	sld [smem:$0x3FA7]  }
0x2f: {  	lr =	sadd.s32 s0, s3;
	s0 =	sld [smem:$0x3F9E]  }
0x30: {  	s3 =	sld [smem:$0x3FA1]  }
0x31: {  	[smem:$0x3FAA] =	sst s10  }
0x32: {  	s10 =	sld [smem:$0x3FA8];
	_ =	sdelay $0x3  }
0x33: {  	p0 =	seq.s32 s10, $0x1;
	s10 =	sld [smem:$0x3FAA];
	_ =	sdelay $0x3  }
0x34: {  	[smem:$0x3FAA] =	sst s10  }
0x35: {  	s10 =	sld [smem:$0x3FA9];
	_ =	sdelay $0x3  }
0x36: {  	p1 =	seq.s32 s10, $0x1;
	s10 =	sld [smem:$0x3FAA];
	_ =	sdelay $0x3  }
0x37: {  	[smem:$0x3FAA] =	sst s10  }
0x38: {  	s10 =	sld [smem:$0x3FAB]  }
0x39: {  	_ = 	snop;
	(pc) =	sbr.ind lr, $3  }
0x3a: {  	_ = 	snop  }
0x3b: {  	_ = 	snop  }
0x3c: {  	p2 =	seq.s32 s10, $0x1;
	s10 =	sld [smem:$0x3FAA]  }
0x3d: {  	_ =	shalt  }
0x3e: {  	_ =	shalt  }
0x3f: {  	_ =	shalt  }
0x40: {  	_ =	shalt  }
0x41: {  	_ =	shalt  }
0x42: {  	_ =	shalt  }
0x43: {  	_ =	shalt  }
0x44: {  	_ =	shalt  }
0x45: {  	_ =	shalt  }
0x46: {  	_ =	shalt  }
0x47: {  	_ =	shalt  }
0x48: {  	_ =	shalt  }
0x49: {  	_ =	shalt  }
0x4a: {  	_ =	shalt  }
0x4b: {  	_ =	shalt  }
0x4c: {  	_ =	shalt  }
0x4d: {  	_ =	shalt  }
0x4e: {  	_ =	shalt  }
0x4f: {  	_ =	shalt  }
0x50: {  	_ =	shalt  }
0x51: {  	_ =	shalt  }
0x52: {  	_ =	shalt  }
0x53: {  	_ =	shalt  }
0x54: {  	_ =	shalt  }
0x55: {  	_ =	shalt  }
0x56: {  	_ =	shalt  }
0x57: {  	_ =	shalt  }
0x58: {  	_ =	shalt  }
0x59: {  	_ =	shalt  }
0x5a: {  	_ =	shalt  }
0x5b: {  	_ =	shalt  }
0x5c: {  	_ =	shalt  }
0x5d: {  	_ =	shalt  }
0x5e: {  	_ =	shalt  }
0x5f: {  	_ =	shalt  }
0x60: {  	_ =	shalt  }
0x61: {  	_ =	shalt  }
0x62: {  	_ =	shalt  }
0x63: {  	_ =	shalt  }
0x64: {  	_ =	shalt  }
0x65: {  	_ =	shalt  }
0x66: {  	_ =	shalt  }
0x67: {  	_ =	shalt  }
0x68: {  	_ =	shalt  }
0x69: {  	_ =	shalt  }
0x6a: {  	_ =	shalt  }
0x6b: {  	_ =	shalt  }
0x6c: {  	_ =	shalt  }
0x6d: {  	_ =	shalt  }
0x6e: {  	_ =	shalt  }
0x6f: {  	_ =	shalt  }
0x70: {  	_ =	shalt  }
0x71: {  	_ =	shalt  }
0x72: {  	_ =	shalt  }
0x73: {  	_ =	shalt  }
0x74: {  	_ =	shalt  }
0x75: {  	_ =	shalt  }
0x76: {  	_ =	shalt  }
0x77: {  	_ =	shalt  }
0x78: {  	_ =	shalt  }
0x79: {  	_ =	shalt  }
0x7a: {  	_ =	shalt  }
0x7b: {  	_ =	shalt  }
0x7c: {  	_ =	shalt  }
0x7d: {  	_ =	shalt  }
0x7e: {  	_ =	shalt  }
0x7f: {  	_ =	shalt  }
0x80: {  	_ =	shalt  }
0x81: {  	_ =	shalt  }
0x82: {  	_ =	shalt  }
0x83: {  	_ =	shalt  }
0x84: {  	_ =	shalt  }
0x85: {  	_ =	shalt  }
0x86: {  	_ =	shalt  }
0x87: {  	_ =	shalt  }
.Lfunc_end0:
.L_simem_size_0:
called_computation_lowered:
.L_overlay_start_0:
0x88: {  	s2 =	sld [smem:$0x3FD9]  }
0x89: {  	s3 =	sld [smem:$0x3FFE];
	_ =	sdelay $0x1  }
0x8a: {  	s1 =	srdreg.scid  }
0x8b: {  	s0 =	sand.u32 $0x1, s1  }
0x8c: {  	s16 =	sshll.u32 s0, $0xA;
	s2 =	sadd.s32 s3, s2  }
0x8d: {  	s2 =	sadd.s32 s2, s16  }
0x8e: {  	[smem:$0x3FB6] =	sst s2  }
0x8f: {  	_ = 	snop  }
0x90: {  	(tm) =	ssettm $0x1  }
0x91: {  	s17 =	sld [smem:$0x3FFB];
	_ =	sdelay $0x3  }
0x92: {  	_ =	strace s17  }
0x93: {  	s2 =	sld [smem:$0x3FFC];
	_ =	sdelay $0x3  }
0x94: {  	_ =	strace s2  }
0x95: {  	s2 =	sld [smem:$0x3FFD];
	_ =	sdelay $0x3  }
0x96: {  	_ =	strace s2  }
0x97: {  	_ =	strace $0x8FFFFFFF  }
0x98: {  	s18 =	sld [smem:$0x3FDB];
	_ =	sdelay $0x1  }
0x99: {  	s19 =	simm.s32 $_scs_section_size  }
0x9a: {  	s4 =	simm.s32 $_size__tile_overlayer_lowered;
	s5 =	simm.s32 $_tile_overlayer_lowered  }
0x9b: {  	s22 =	simm.s32 $0x1BFF;
	s21 =	sshll.u32 s5, $0x1;
	s2 =	sadd.s32 s19, s18  }
0x9c: {  	s6 =	simm.s32 $0x0;
	s20 =	sshll.u32 s4, $0x1;
	s4 =	sadd.s32 s21, s2  }
0x9d: {  	[timem:s6], [sflag:s22] =	dma.local [hbm:s4], s20  }
0x9e: {  	_ =	swait.ge [sflag:s22], s20  }
0x9f: {  	s3 =	ssub.s32 $0x0, s20;
	[sflag:s22] =	ssyncset.done $0x0  }
0xa0: {  	[sflag:s22] =	ssyncadd.s32 s3;
	_ =	sdelay $0x1  }
0xa1: {  	s23 =	simm.s32 $0x1B8B  }
0xa2: {  	_ =	swait.ge [sflag:s23], $0x1  }
0xa3: {  	[sflag:s23] =	ssyncset.done $0x0  }
0xa4: {  	s25 =	simm.s32 $0x1B8E;
	s24 =	sld [smem:$0x3FFE];
	[sflag:s23] =	ssyncadd.s32 $0xFFFFFFFF  }
0xa5: {  	s26 =	simm.s32 $execute0_lowered;
	[smem:$0x3FD2] =	sst s25  }
0xa6: {  	s4 =	sshll.u32 s26, $0x1;
	_ =	strace $0x80000046;
	[dreg:$0x1] =	wrdreg $0xFFFFFFFF  }
0xa7: {  	s28 =	simm.s32 $_size_execute0_lowered;
	s2 =	sadd.s32 s2, s4;
	[dreg:$0x0] =	wrdreg $0x0  }
0xa8: {  	s4 =	sshll.u32 s28, $0x1;
	[dreg:$0x2] =	wrdreg s2  }
0xa9: {  	[dreg:$0x3] =	wrdreg s4  }
0xaa: {  	[dreg:$0x4] =	wrdreg $0xC0  }
0xab: {  	_ =	task [dreg:s6], $0x5FFFF  }
0xac: {  	[dreg:$0x1] =	wrdreg $0xFFFFFFFF  }
0xad: {  	[dreg:$0x0] =	wrdreg $0x60  }
0xae: {  	[dreg:$0x2] =	wrdreg s24  }
0xaf: {  	[dreg:$0x3] =	wrdreg $0x78000  }
0xb0: {  	[dreg:$0x4] =	wrdreg $0x9  }
0xb1: {  	_ =	task.clear_ibuf [dreg:s6], $0x5FFFF;
	_ =	strace $0x90000046  }
0xb2: {  	s29 =	simm.s32 $0x9;
	_ =	strace $0x80000048  }
0xb3: {  	_ =	swait.ge [sflag:s29], $0x1  }
0xb4: {  	[sflag:s29] =	ssyncadd.s32 $0xFFFFFFFF  }
0xb5: {  	_ =	strace $0x90000048  }
0xb6: {  	_ =	sfence  }
0xb7: {  	s30 =	sld [smem:$0x0];
	_ =	sdelay $0x2  }
0xb8: {  	s31 =	sshll.u32 s1, $0xD;
	s1 =	sshrl.u32 s1, $0x2  }
0xb9: {  	s3 =	sand.u32 $0x4000, s31;
	s1 =	sadd.s32 s1, s30  }
0xba: {  	s0 =	sor.u32 s3, s0;
	s1 =	sshll.u32 s1, $0x11  }
0xbb: {  	s0 =	sor.u32 s1, s0  }
0xbc: {  	s0 =	sadd.s32 $0x8F2B, s0  }
0xbd: {  	[sflag:s0] =	ssyncadd.remote.s32 $0x1  }
0xbe: {  	_ =	sfence.sel $0xFFFF  }
0xbf: {  	[dreg:$0x0] =	wrdreg $0xFFFFFFFF;
	(pc) =	sbr.abs _section_cstart, $3  }
0xc0: {  	[dreg:$0x1] =	wrdreg $0xFFFFFFFF  }
0xc1: {  	_ =	task.clear_ibuf [dreg:s6], $0x2FFFF;
	_ =	strace $0x9FFFFFFF  }
0xc2: {  	(tm) =	ssettm $0x7FFFFFFF  }
0xc3: {  	_ =	shalt  }
tec
execute0_lowered:
.L_overlay_start_1:
0x0: {  	(tag) =	ssettag $0x1  }
0x1: {  	s0 =	rddreg [dreg:$0x0]  }
0x2: {  	s1 =	rddreg [dreg:$0x1];
	s2 =	simm.s32 $0x0;
	s6 =	srdreg.scid  }
0x3: {  	s15 =	stileid.u32;
	s28 =	simm.s32 $0x1800;
	s29 =	simm.s32 $0x50  }
0x4: {  	s30 =	simm.s32 $0x1000;
	s31 =	simm.s32 $0x5000;
	[smem:$0x7FF] =	sst s2  }
0x5: {  	s3 =	sadd.s32 $0x38000, s0;
	s4 =	sadd.s32 $0x4000, s0;
	s5 =	sadd.s32 $0x14000, s0  }
0x6: {  	s6 =	sand.u32 $0x1, s6;
	s7 =	sadd.s32 $0x24000, s0;
	s9 =	smul.u32 $0x4E000, s15  }
0x7: {  	s0 =	sadd.s32 $0x51A000, s0;
	s11 =	smul.u32 $0x13800, s15;
	p0 =	sne.s32 s15, $0x0  }
0x8: {  	_ =	strace $0x80000047;
	s8 =	ssub.s32 $0x2, s6;
	s12 =	smul.u32 $0x138800, s6  }
0x9: {  	s6 =	sshll.u32 s6, $0x4;
	s10 =	sshrl.u32 s8, $0x1;
	s9 =	sshrl.u32 s9, $0x2  }
0xa: {  	s6 =	sor.u32 s15, s6;
	s13 =	ssub.s32 s8, s10;
	s8 =	sadd.s32 s9, s1  }
0xb: {  	s10 =	sadd.s32 $0x138000, s1;
	s20 =	sadd.s32 s11, s12;
	s9 =	sadd.s32 $0x11800, s8  }
0xc: {  	s11 =	sshll.u32 s6, $0xB;
	s22 =	smax.u32 s13, $0x1;
	[dreg:$0x3] =	wrdreg s9  }
0xd: {  	s14 =	sshrl.u32 s12, $0x3;
	s23 =	sadd.s32 $0x2800, s8;
	[dreg:$0x6] =	wrdreg s22  }
0xe: {  	s12 =	smul.u32 $0x5000, s6;
	s24 =	sadd.s32 $0x5000, s8;
	[dreg:$0x7] =	wrdreg s23  }
0xf: {  	s6 =	simm.s32 $0x2;
	s25 =	sadd.s32 $0x7800, s8;
	[dreg:$0x8] =	wrdreg s24  }
0x10: {  	s26 =	sadd.s32 $0xA000, s8;
	s9 =	sshrl.u32 s20, $0x3;
	[dreg:$0x9] =	wrdreg s25  }
0x11: {  	[dreg:$0xa] =	wrdreg s26;
	s20 =	sadd.s32 $0xC800, s8;
	s22 =	simm.s32 $0x2800  }
0x12: {  	s23 =	simm.s32 $0x3;
	s24 =	simm.s32 $0x80;
	s25 =	simm.s32 $0x400  }
0x13: {  	s26 =	simm.s32 $0x800;
	s21 =	sadd.s32 s0, s9;
	s0 =	sadd.s32 s0, s14  }
0x14: {  	s9 =	simm.s32 $0x2400;
	[dreg:$0x4] =	wrdreg s21;
	s0 =	sadd.s32 $0x27000, s0  }
0x15: {  	v0 =	vimm.f32 $0.0e+00;
	s21 =	sadd.s32 $0xF000, s8;
	[dreg:$0x5] =	wrdreg s0;
	s0 =	simm.s32 $0x1  }
.LBB2_1:
0x16: {  	s13 =	simm.s32 $0x0;
	s14 =	simm.s32 $0x200  }
.LBB2_2:
0x17: {  	p1 =	sne.s32 s14, $0x9E00;
	[tilespmem:s13+$0x2870] =	vst v0  }
0x18: {  	[tilespmem:s13+$0x2800] =	vst v0  }
0x19: {  	[tilespmem:s13+$0x2810] =	vst v0  }
.Ltmp0:
0x1a: {  	[tilespmem:s13+$0x2820] =	vst v0;
	(pc) =	sbr.rel @p1 .LBB2_2-.Ltmp0, $4  }
0x1b: {  	[tilespmem:s13+$0x2830] =	vst v0  }
0x1c: {  	[tilespmem:s13+$0x2840] =	vst v0  }
0x1d: {  	[tilespmem:s13+$0x2850] =	vst v0  }
0x1e: {  	[tilespmem:s13+$0x2860] =	vst v0;
	s13 =	sshra.s32 s14, $0x2;
	s14 =	sadd.s32 $0x200, s14  }
0x1f: {  	[tilespmem:s13+$0x2870] =	vst v0  }
0x20: {  	[tilespmem:s13+$0x2800] =	vst v0  }
0x21: {  	[tilespmem:s13+$0x2810] =	vst v0  }
0x22: {  	[tilespmem:s13+$0x2820] =	vst v0  }
0x23: {  	[tilespmem:s13+$0x2830] =	vst v0  }
0x24: {  	[tilespmem:s13+$0x2840] =	vst v0  }
0x25: {  	[tilespmem:s13+$0x2850] =	vst v0  }
0x26: {  	[tilespmem:s13+$0x2860] =	vst v0  }
0x27: {  	[spmem:s8] =	stream.linear.scatter [tilespmem:s22], [sflag:$0x3], $0x2800, $0x38;
	[tilespmem:$0x1B080] =	vst v63  }
0x28: {  	_ =	swait.ge [sflag:s23], $0x2800  }
0x29: {  	[sflag:s23] =	ssyncset.done $0x0  }
0x2a: {  	s15 =	rddreg [dreg:$0x7];
	[sflag:s23] =	ssyncadd.s32 $0xFFFFD800  }
0x2b: {  	[spmem:s15] =	stream.linear.scatter [tilespmem:s22], [sflag:$0x3], $0x2800, $0x38;
	[tilespmem:$0x1B080] =	vst v63  }
0x2c: {  	_ =	swait.ge [sflag:s23], $0x2800  }
0x2d: {  	[sflag:s23] =	ssyncset.done $0x0  }
0x2e: {  	s16 =	rddreg [dreg:$0x8];
	[sflag:s23] =	ssyncadd.s32 $0xFFFFD800  }
0x2f: {  	[spmem:s16] =	stream.linear.scatter [tilespmem:s22], [sflag:$0x3], $0x2800, $0x38;
	[tilespmem:$0x1B080] =	vst v63  }
0x30: {  	_ =	swait.ge [sflag:s23], $0x2800  }
0x31: {  	[sflag:s23] =	ssyncset.done $0x0  }
0x32: {  	s17 =	rddreg [dreg:$0x9];
	[sflag:s23] =	ssyncadd.s32 $0xFFFFD800  }
0x33: {  	[spmem:s17] =	stream.linear.scatter [tilespmem:s22], [sflag:$0x3], $0x2800, $0x38;
	[tilespmem:$0x1B080] =	vst v63  }
0x34: {  	_ =	swait.ge [sflag:s23], $0x2800  }
0x35: {  	[sflag:s23] =	ssyncset.done $0x0  }
0x36: {  	s18 =	rddreg [dreg:$0xa];
	[sflag:s23] =	ssyncadd.s32 $0xFFFFD800  }
0x37: {  	[spmem:s18] =	stream.linear.scatter [tilespmem:s22], [sflag:$0x3], $0x2800, $0x38;
	[tilespmem:$0x1B080] =	vst v63  }
0x38: {  	_ =	swait.ge [sflag:s23], $0x2800  }
0x39: {  	[sflag:s23] =	ssyncset.done $0x0  }
0x3a: {  	[sflag:s23] =	ssyncadd.s32 $0xFFFFD800  }
0x3b: {  	[spmem:s20] =	stream.linear.scatter [tilespmem:s22], [sflag:$0x3], $0x2800, $0x38;
	[tilespmem:$0x1B080] =	vst v63  }
0x3c: {  	_ =	swait.ge [sflag:s23], $0x2800  }
0x3d: {  	[sflag:s23] =	ssyncset.done $0x0  }
0x3e: {  	[sflag:s23] =	ssyncadd.s32 $0xFFFFD800  }
0x3f: {  	[spmem:s21] =	stream.linear.scatter [tilespmem:s22], [sflag:$0x3], $0x2800, $0x38;
	[tilespmem:$0x1B080] =	vst v63  }
0x40: {  	_ =	swait.ge [sflag:s23], $0x2800  }
0x41: {  	[sflag:s23] =	ssyncset.done $0x0  }
0x42: {  	s19 =	rddreg [dreg:$0x3];
	[sflag:s23] =	ssyncadd.s32 $0xFFFFD800  }
0x43: {  	[spmem:s19] =	stream.linear.scatter [tilespmem:s22], [sflag:$0x3], $0x2000, $0x38;
	[tilespmem:$0x1B080] =	vst v63  }
0x44: {  	_ =	swait.ge [sflag:s23], $0x2000  }
0x45: {  	[sflag:s23] =	ssyncset.done $0x0  }
0x46: {  	s13 =	simm.s32 @!p0 $0x2800;
	[sflag:s23] =	ssyncadd.s32 $0xFFFFE000  }
0x47: {  	[spmem:s10] =	stream.linear.scatter @!p0 [tilespmem:s13], [sflag:$0x3], $0x800, $0x38;
	[tilespmem:$0x1B080] =	vst v63  }
0x48: {  	s13 =	simm.s32 @!p0 $0x3  }
0x49: {  	_ =	swait.ge @!p0 [sflag:s13], $0x800  }
0x4a: {  	[sflag:s13] =	ssyncset.done @!p0 $0x0  }
0x4b: {  	[sflag:s13] =	ssyncadd.s32 @!p0 $0xFFFFF800  }
0x4c: {  	s14 =	simm.s32 $0x0;
	s13 =	simm.s32 $0x0;
	[bflag:$0x0] =	sbarrier.arrive $0xFFFF  }
.LBB2_4:
0x4d: {  	s15 =	sshll.u32 s14, $0x4  }
0x4e: {  	s15 =	sadd.s32 s11, s15  }
0x4f: {  	s16 =	sadd.s32 s4, s15  }
0x50: {  	[tilespmem:s13], [sflag:$0x3] =	stream.strided.gather [hbm4b:s16+s24], $0x800, s25, s24, $0x38;
	[tilespmem:$0x1B080] =	vst v63  }
0x51: {  	_ =	swait.ge [sflag:s23], $0x800  }
0x52: {  	[sflag:s23] =	ssyncset.done $0x0  }
0x53: {  	s19 =	sshll.u32 s14, $0xC;
	s15 =	sadd.s32 s5, s15;
	[sflag:s23] =	ssyncadd.s32 $0xFFFFF800  }
0x54: {  	[tilespmem:s26], [sflag:$0x3] =	stream.strided.gather [hbm4b:s15+s24], $0x800, s25, s24, $0x38;
	[tilespmem:$0x1B080] =	vst v63  }
0x55: {  	s15 =	sadd.s32 s12, s19;
	_ =	swait.ge [sflag:s23], $0x800  }
0x56: {  	s15 =	sshrl.u32 s15, $0x3;
	[sflag:s23] =	ssyncset.done $0x0  }
0x57: {  	s15 =	sadd.s32 s7, s15;
	[sflag:s23] =	ssyncadd.s32 $0xFFFFF800  }
0x58: {  	[tilespmem:s28], [sflag:$0x3] =	stream.linear.gather [hbm4b:s15+s13], $0xC80, $0x38;
	[tilespmem:$0x1B080] =	vst v63  }
0x59: {  	_ =	swait.ge [sflag:s23], $0xC80  }
0x5a: {  	[sflag:s23] =	ssyncset.done $0x0  }
0x5b: {  	s15 =	simm.s32 $0x0;
	[sflag:s23] =	ssyncadd.s32 $0xFFFFF380  }
0x5c: {  	v1 =	vld [tilespmem:s15+$0x800]  }
0x5d: {  	s16 =	simm.s32 $0x40;
	v2 =	vld [tilespmem:s15+$0x0]  }
.LBB2_5:
0x5e: {  	_ = 	snop  }
0x5f: {  	p1 =	sne.s32 s16, $0x1F00  }
.Ltmp1:
0x60: {  	_ = 	snop;
	(pc) =	sbr.rel @p1 .LBB2_5-.Ltmp1, $4  }
0x61: {  	v3 =	vmul.u32 $0x2710, v1  }
0x62: {  	s17 =	sshra.s32 s16, $0x2  }
0x63: {  	v1 =	vld [tilespmem:s17+$0x800];
	v3 =	vadd.s32 v2, v3  }
0x64: {  	s16 =	sadd.s32 $0x40, s16;
	v2 =	vld [tilespmem:s17+$0x0];
	[tilespmem:s15+$0x1000] =	vst v3;
	s15 =	smov.u32 s17  }
0x65: {  	_ =	sdelay $0x2  }
0x66: {  	v1 =	vmul.u32 $0x2710, v1;
	_ =	sdelay $0x1  }
0x67: {  	v1 =	vadd.s32 v2, v1  }
0x68: {  	[tilespmem:s15+$0x1000] =	vst v1  }
0x69: {  	[tilespmem:s22], [sflag:$0x1] =	stream.indirect.gather [hbm4b:s3+s29], $0x80, s30, s29, $0xb8;
	[tilespmem:$0x1B080] =	vst v63  }
0x6a: {  	s16 =	simm.s32 $0x1050  }
0x6b: {  	[tilespmem:s31], [sflag:$0x2] =	stream.indirect.gather [hbm4b:s3+s29], $0x80, s16, s29, $0xb8;
	[tilespmem:$0x1B080] =	vst v63  }
0x6c: {  	_ =	swait.ge [sflag:s0], $0x2800  }
0x6d: {  	[sflag:s0] =	ssyncset.done $0x0  }
0x6e: {  	s17 =	simm.s32 $0x1800;
	[sflag:s0] =	ssyncadd.s32 $0xFFFFD800  }
0x6f: {  	[spmem:s1] =	stream.indirect.scatter.add.f32 [tilespmem:s22], [sflag:$0x3], $0x80, s17, s29, $0xb8;
	[tilespmem:$0x1B080] =	vst v63  }
0x70: {  	_ =	swait.ge [sflag:s23], $0x2800  }
0x71: {  	[sflag:s23] =	ssyncset.done $0x0  }
0x72: {  	s18 =	simm.s32 $0x10A0;
	[sflag:s23] =	ssyncadd.s32 $0xFFFFD800  }
0x73: {  	[tilespmem:s22], [sflag:$0x1] =	stream.indirect.gather [hbm4b:s3+s29], $0x80, s18, s29, $0xb8;
	[tilespmem:$0x1B080] =	vst v63  }
0x74: {  	_ =	swait.ge [sflag:s6], $0x2800  }
0x75: {  	[sflag:s6] =	ssyncset.done $0x0  }
0x76: {  	s19 =	simm.s32 $0x1880;
	[sflag:s6] =	ssyncadd.s32 $0xFFFFD800  }
0x77: {  	[spmem:s1] =	stream.indirect.scatter.add.f32 [tilespmem:s31], [sflag:$0x3], $0x80, s19, s29, $0xb8;
	[tilespmem:$0x1B080] =	vst v63  }
0x78: {  	s15 =	simm.s32 $0x1140;
	_ =	swait.ge [sflag:s23], $0x2800  }
0x79: {  	s16 =	simm.s32 $0x400;
	s17 =	simm.s32 $0x800;
	[sflag:s23] =	ssyncset.done $0x0  }
.LBB2_7:
0x7a: {  	p1 =	sne.s32 s17, $0x2C00;
	s18 =	sadd.s32 $0xFFFFFFB0, s15;
	[sflag:s23] =	ssyncadd.s32 $0xFFFFD800  }
0x7b: {  	[tilespmem:s31], [sflag:$0x2] =	stream.indirect.gather [hbm4b:s3+s29], $0x80, s18, s29, $0xb8;
	[tilespmem:$0x1B080] =	vst v63  }
0x7c: {  	s18 =	smov.u32 s17;
	s17 =	sadd.s32 $0x400, s17;
	_ =	swait.ge [sflag:s0], $0x2800  }
0x7d: {  	s19 =	sshra.s32 s16, $0x2;
	s16 =	smov.u32 s18;
	[sflag:s0] =	ssyncset.done $0x0  }
0x7e: {  	s18 =	sadd.s32 $0x1800, s19;
	[sflag:s0] =	ssyncadd.s32 $0xFFFFD800  }
0x7f: {  	[spmem:s1] =	stream.indirect.scatter.add.f32 [tilespmem:s22], [sflag:$0x3], $0x80, s18, s29, $0xb8;
	[tilespmem:$0x1B080] =	vst v63  }
0x80: {  	_ =	swait.ge [sflag:s23], $0x2800  }
0x81: {  	[sflag:s23] =	ssyncset.done $0x0  }
0x82: {  	[sflag:s23] =	ssyncadd.s32 $0xFFFFD800  }
0x83: {  	[tilespmem:s22], [sflag:$0x1] =	stream.indirect.gather [hbm4b:s3+s29], $0x80, s15, s29, $0xb8;
	[tilespmem:$0x1B080] =	vst v63  }
0x84: {  	_ =	swait.ge [sflag:s6], $0x2800  }
.Ltmp2:
0x85: {  	[sflag:s6] =	ssyncset.done $0x0;
	(pc) =	sbr.rel @p1 .LBB2_7-.Ltmp2, $4  }
0x86: {  	s18 =	sadd.s32 $0x1880, s19;
	[sflag:s6] =	ssyncadd.s32 $0xFFFFD800  }
0x87: {  	[spmem:s1] =	stream.indirect.scatter.add.f32 [tilespmem:s31], [sflag:$0x3], $0x80, s18, s29, $0xb8;
	[tilespmem:$0x1B080] =	vst v63  }
0x88: {  	_ =	swait.ge [sflag:s23], $0x2800  }
0x89: {  	s15 =	sadd.s32 $0xA0, s15;
	[sflag:s23] =	ssyncset.done $0x0  }
0x8a: {  	s17 =	sadd.s32 $0xFFFFFFB0, s15;
	[sflag:s23] =	ssyncadd.s32 $0xFFFFD800  }
0x8b: {  	[tilespmem:s31], [sflag:$0x2] =	stream.indirect.gather [hbm4b:s3+s29], $0x80, s17, s29, $0xb8;
	[tilespmem:$0x1B080] =	vst v63  }
0x8c: {  	_ =	swait.ge [sflag:s0], $0x2800  }
0x8d: {  	s16 =	sshra.s32 s16, $0x2;
	[sflag:s0] =	ssyncset.done $0x0  }
0x8e: {  	s18 =	sadd.s32 $0x1800, s16;
	[sflag:s0] =	ssyncadd.s32 $0xFFFFD800  }
0x8f: {  	[spmem:s1] =	stream.indirect.scatter.add.f32 [tilespmem:s22], [sflag:$0x3], $0x80, s18, s29, $0xb8;
	[tilespmem:$0x1B080] =	vst v63  }
0x90: {  	_ =	swait.ge [sflag:s23], $0x2800  }
0x91: {  	[sflag:s23] =	ssyncset.done $0x0  }
0x92: {  	[sflag:s23] =	ssyncadd.s32 $0xFFFFD800  }
0x93: {  	[tilespmem:s22], [sflag:$0x1] =	stream.indirect.gather [hbm4b:s3+s29], $0x80, s15, s29, $0xb8;
	[tilespmem:$0x1B080] =	vst v63  }
0x94: {  	_ =	swait.ge [sflag:s6], $0x2800  }
0x95: {  	[sflag:s6] =	ssyncset.done $0x0  }
0x96: {  	s19 =	sadd.s32 $0x1880, s16;
	[sflag:s6] =	ssyncadd.s32 $0xFFFFD800  }
0x97: {  	[spmem:s1] =	stream.indirect.scatter.add.f32 [tilespmem:s31], [sflag:$0x3], $0x80, s19, s29, $0xb8;
	[tilespmem:$0x1B080] =	vst v63  }
0x98: {  	_ =	swait.ge [sflag:s23], $0x2800  }
0x99: {  	[sflag:s23] =	ssyncset.done $0x0  }
0x9a: {  	[sflag:s23] =	ssyncadd.s32 $0xFFFFD800  }
0x9b: {  	s14 =	sadd.s32 $0x1, s14;
	_ =	swait.ge [sflag:s0], $0x2800  }
0x9c: {  	p1 =	sne.s32 s14, $0x5;
	[sflag:s0] =	ssyncset.done $0x0  }
.Ltmp3:
0x9d: {  	[sflag:s0] =	ssyncadd.s32 $0xFFFFD800;
	(pc) =	sbr.rel @p1 .LBB2_4-.Ltmp3, $4  }
0x9e: {  	[spmem:s1] =	stream.indirect.scatter.add.f32 [tilespmem:s22], [sflag:$0x3], $0x80, s9, s29, $0xb8;
	[tilespmem:$0x1B080] =	vst v63  }
0x9f: {  	_ =	swait.ge [sflag:s23], $0x2800  }
0xa0: {  	[sflag:s23] =	ssyncset.done $0x0  }
0xa1: {  	[sflag:s23] =	ssyncadd.s32 $0xFFFFD800  }
0xa2: {  	s13 =	stileid.u32  }
0xa3: {  	[bflag:$0x0] =	sbarrier.arrive $0xFFFF;
	s13 =	sshll.u32 s13, $0x6  }
0xa4: {  	s14 =	sshrl.u32 s8, $0x3;
	s15 =	rddreg [dreg:$0x4];
	s13 =	sor.u32 $0x1C03, s13  }
0xa5: {  	[hbm:s15], [sflag:s13] =	dma.local [spmem:s14], $0x2700  }
0xa6: {  	_ =	swait.ge [sflag:s23], $0x2700  }
0xa7: {  	[sflag:s23] =	ssyncset.done $0x0  }
0xa8: {  	s14 =	sshrl.u32 @!p0 s10, $0x3;
	s15 =	rddreg [dreg:$0x5];
	[sflag:s23] =	ssyncadd.s32 $0xFFFFD900  }
0xa9: {  	[hbm:s15], [sflag:s13] =	dma.local @!p0 [spmem:s14], $0x100  }
0xaa: {  	s13 =	simm.s32 @!p0 $0x3  }
0xab: {  	_ =	swait.ge @!p0 [sflag:s13], $0x100  }
0xac: {  	s2 =	sadd.s32 $0x1, s2;
	s19 =	rddreg [dreg:$0x6]  }
0xad: {  	p1 =	sne.s32 s2, s19  }
.Ltmp4:
0xae: {  	_ = 	snop;
	(pc) =	sbr.rel @p1 .LBB2_1-.Ltmp4, $3  }
0xaf: {  	_ =	sdelay $0x1  }
0xb0: {  	[sflag:s13] =	ssyncset.done @!p0 $0x0  }
0xb1: {  	[sflag:s13] =	ssyncadd.s32 @!p0 $0xFFFFFF00  }
0xb2: {  	_ =	sfence.sel $0x180000  }
0xb3: {  	[bflag:$0x0] =	sbarrier.arrive $0xFFFF  }
0xb4: {  	_ =	strace $0x90000047  }
0xb5: {  	[bflag:$0x2] =	sbarrier.arrive $0xFFFF  }
0xb6: {  	s0 =	rddreg [dreg:$0x2]  }
0xb7: {  	s0 =	sadd.s32 @!p0 $0x100000, s0  }
0xb8: {  	[sflag:s0] =	ssyncadd.tile.s32 @!p0 $0x1;
	_ =	shalt  }
.Lfunc_end2:
_tile_overlayer_lowered:
.L_overlay_start_2:
0xb9: {  	(tag) =	ssettag $0x2  }
0xba: {  	s0 =	rddreg [dreg:$0x0];
	s2 =	stileid.u32  }
0xbb: {  	s1 =	rddreg [dreg:$0x1];
	p0 =	sne.s32 s2, $0x0  }
0xbc: {  	s3 =	rddreg [dreg:$0x2];
	[bflag:$0x3] =	sbarrier.arrive $0xFFFF;
	s2 =	simm.s32 @!p0 $0x1C03  }
0xbd: {  	[timem:s3], [sflag:s2] =	dma.local @!p0 [hbm:s0], s1  }
0xbe: {  	s0 =	simm.s32 @!p0 $0x3  }
0xbf: {  	_ =	swait.ge @!p0 [sflag:s0], s1  }
0xc0: {  	s1 =	ssub.s32 @!p0 $0x0, s1;
	[sflag:s0] =	ssyncset.done @!p0 $0x0  }
0xc1: {  	[sflag:s0] =	ssyncadd.s32 @!p0 s1  }
0xc2: {  	[bflag:$0x3] =	sbarrier.arrive $0xFFFF  }
0xc3: {  	_ =	shalt  }

// kernel: kernel.13.cloned.1.call-start
scs
__scs_entry_jumppad:
0x0: {  	(pc) =	sbr.rel $0x88, $3  }
0x1: {  	(tag) =	ssettag $0x0;
	lr =	simm.s32 $0x1  }
0x2: {  	[smem:$0x3F8F] =	sst lr;
	_ =	strace $0xD0000000  }
0x3: {  	_ = 	snop  }
0x4: {  	_ = 	snop  }
0x5: {  	_ = 	snop  }
0x6: {  	_ = 	snop  }
0x7: {  	_ = 	snop  }
__scs_overlays_trampoline_lowered:
0x8: {  	[smem:$0x3F9E] =	sst s0  }
0x9: {  	[smem:$0x3F9F] =	sst s1  }
0xa: {  	[smem:$0x3FA0] =	sst s2  }
0xb: {  	[smem:$0x3FA1] =	sst s3  }
0xc: {  	[smem:$0x3FA2] =	sst s4  }
0xd: {  	[smem:$0x3FA3] =	sst s5  }
0xe: {  	[smem:$0x3FA4] =	sst s6  }
0xf: {  	[smem:$0x3FA5] =	sst s7  }
0x10: {  	[smem:$0x3FA6] =	sst s8  }
0x11: {  	[smem:$0x3FA7] =	sst s9;
	s0 =	simm.s32 @!p0 $0x0  }
0x12: {  	s1 =	sld [smem:$0x3F8D];
	s0 =	simm.s32 @p0 $0x1  }
0x13: {  	[smem:$0x3FA8] =	sst s0;
	s0 =	simm.s32 @!p1 $0x0  }
0x14: {  	s2 =	sld [smem:$0x3F8C];
	s0 =	simm.s32 @p1 $0x1  }
0x15: {  	[smem:$0x3FA9] =	sst s0;
	s0 =	simm.s32 @!p2 $0x0  }
0x16: {  	s3 =	sld [smem:$0x3FDB];
	s0 =	simm.s32 @p2 $0x1  }
0x17: {  	s4 =	simm.s32 $0x1BF5;
	[smem:$0x3FAB] =	sst s0  }
0x18: {  	s0 =	sld [smem:$0x3F8E];
	_ =	swait.ge [sflag:s4], $0x0  }
0x19: {  	s7 =	sld [smem:$0x3F8F]  }
0x1a: {  	s8 =	sadd.s32 $0xFFFFE003, lr  }
0x1b: {  	s9 =	sadd.s32 $0xFFFFFEF7, lr;
	s5 =	simm.s32 $0xFFFFFFFF;
	p2 =	slt.u32 s8, $0xFFFFF086  }
0x1c: {  	p1 =	slt.u32 s9, $0xF7A;
	s5 =	simm.s32 @!p2 $0x0  }
0x1d: {  	s5 =	simm.s32 @p1 $0x1;
	p0 =	seq.s32 s7, s2  }
0x1e: {  	s7 =	smul.u32 @!p0 $0xF7A, s2;
	p2 =	seq.s32 @!p0 s5, $0x0  }
0x1f: {  	s9 =	smul.u32 $0xF7A, s1;
	s8 =	simm.s32 @!p0 $0x1BF5;
	p2 =	por !p2, p0  }
0x20: {  	[sflag:s8] =	ssyncset.s32 @!p0 $0xFFFFF086;
	s6 =	sadd.s32 @!p0 s3, s7;
	s7 =	simm.s32 @!p0 $0x108  }
0x21: {  	s3 =	sadd.s32 s3, s9;
	s6 =	sadd.s32 @!p0 $0x88, s6;
	s7 =	simm.s32 @p2 $0x1082  }
0x22: {  	[simem:s7], [sflag:s8] =	dma.local @!p0 [hbm:s6], $0xF7A  }
0x23: {  	s9 =	sor.u32 $0xD0000000, s2;
	s6 =	simm.s32 $0x108;
	_ =	swait.ge @!p0 [sflag:s8], $0x0  }
0x24: {  	s3 =	sadd.s32 $0x88, s3;
	s6 =	simm.s32 @!p1 $0x1082;
	[sflag:s4] =	ssyncset.s32 $0xFFFFF086  }
0x25: {  	[simem:s6], [sflag:s4] =	dma.local [hbm:s3], $0xF7A  }
0x26: {  	[smem:$0x3F8F] =	sst s1;
	(tag) =	ssettag s2;
	_ =	strace s9  }
0x27: {  	s1 =	sld [smem:$0x3F9F]  }
0x28: {  	s2 =	sld [smem:$0x3FA0]  }
0x29: {  	s4 =	sld [smem:$0x3FA2]  }
0x2a: {  	p0 =	seq.s32 s5, $0x0;
	s5 =	sld [smem:$0x3FA3]  }
0x2b: {  	s6 =	sld [smem:$0x3FA4]  }
0x2c: {  	s7 =	sld [smem:$0x3FA5]  }
0x2d: {  	s3 =	simm.s32 $0x108;
	s8 =	sld [smem:$0x3FA6]  }
0x2e: {  	s3 =	simm.s32 @!p0 $0x1082;
	s9 =	sld [smem:$0x3FA7]  }
0x2f: {  	lr =	sadd.s32 s0, s3;
	s0 =	sld [smem:$0x3F9E]  }
0x30: {  	s3 =	sld [smem:$0x3FA1]  }
0x31: {  	[smem:$0x3FAA] =	sst s10  }
0x32: {  	s10 =	sld [smem:$0x3FA8];
	_ =	sdelay $0x3  }
0x33: {  	p0 =	seq.s32 s10, $0x1;
	s10 =	sld [smem:$0x3FAA];
	_ =	sdelay $0x3  }
0x34: {  	[smem:$0x3FAA] =	sst s10  }
0x35: {  	s10 =	sld [smem:$0x3FA9];
	_ =	sdelay $0x3  }
0x36: {  	p1 =	seq.s32 s10, $0x1;
	s10 =	sld [smem:$0x3FAA];
	_ =	sdelay $0x3  }
0x37: {  	[smem:$0x3FAA] =	sst s10  }
0x38: {  	s10 =	sld [smem:$0x3FAB]  }
0x39: {  	_ = 	snop;
	(pc) =	sbr.ind lr, $3  }
0x3a: {  	_ = 	snop  }
0x3b: {  	_ = 	snop  }
0x3c: {  	p2 =	seq.s32 s10, $0x1;
	s10 =	sld [smem:$0x3FAA]  }
0x3d: {  	_ =	shalt  }
0x3e: {  	_ =	shalt  }
0x3f: {  	_ =	shalt  }
0x40: {  	_ =	shalt  }
0x41: {  	_ =	shalt  }
0x42: {  	_ =	shalt  }
0x43: {  	_ =	shalt  }
0x44: {  	_ =	shalt  }
0x45: {  	_ =	shalt  }
0x46: {  	_ =	shalt  }
0x47: {  	_ =	shalt  }
0x48: {  	_ =	shalt  }
0x49: {  	_ =	shalt  }
0x4a: {  	_ =	shalt  }
0x4b: {  	_ =	shalt  }
0x4c: {  	_ =	shalt  }
0x4d: {  	_ =	shalt  }
0x4e: {  	_ =	shalt  }
0x4f: {  	_ =	shalt  }
0x50: {  	_ =	shalt  }
0x51: {  	_ =	shalt  }
0x52: {  	_ =	shalt  }
0x53: {  	_ =	shalt  }
0x54: {  	_ =	shalt  }
0x55: {  	_ =	shalt  }
0x56: {  	_ =	shalt  }
0x57: {  	_ =	shalt  }
0x58: {  	_ =	shalt  }
0x59: {  	_ =	shalt  }
0x5a: {  	_ =	shalt  }
0x5b: {  	_ =	shalt  }
0x5c: {  	_ =	shalt  }
0x5d: {  	_ =	shalt  }
0x5e: {  	_ =	shalt  }
0x5f: {  	_ =	shalt  }
0x60: {  	_ =	shalt  }
0x61: {  	_ =	shalt  }
0x62: {  	_ =	shalt  }
0x63: {  	_ =	shalt  }
0x64: {  	_ =	shalt  }
0x65: {  	_ =	shalt  }
0x66: {  	_ =	shalt  }
0x67: {  	_ =	shalt  }
0x68: {  	_ =	shalt  }
0x69: {  	_ =	shalt  }
0x6a: {  	_ =	shalt  }
0x6b: {  	_ =	shalt  }
0x6c: {  	_ =	shalt  }
0x6d: {  	_ =	shalt  }
0x6e: {  	_ =	shalt  }
0x6f: {  	_ =	shalt  }
0x70: {  	_ =	shalt  }
0x71: {  	_ =	shalt  }
0x72: {  	_ =	shalt  }
0x73: {  	_ =	shalt  }
0x74: {  	_ =	shalt  }
0x75: {  	_ =	shalt  }
0x76: {  	_ =	shalt  }
0x77: {  	_ =	shalt  }
0x78: {  	_ =	shalt  }
0x79: {  	_ =	shalt  }
0x7a: {  	_ =	shalt  }
0x7b: {  	_ =	shalt  }
0x7c: {  	_ =	shalt  }
0x7d: {  	_ =	shalt  }
0x7e: {  	_ =	shalt  }
0x7f: {  	_ =	shalt  }
0x80: {  	_ =	shalt  }
0x81: {  	_ =	shalt  }
0x82: {  	_ =	shalt  }
0x83: {  	_ =	shalt  }
0x84: {  	_ =	shalt  }
0x85: {  	_ =	shalt  }
0x86: {  	_ =	shalt  }
0x87: {  	_ =	shalt  }
.Lfunc_end0:
.L_simem_size_0:
called_computation.1_lowered:
.L_overlay_start_0:
0x88: {  	s2 =	sld [smem:$0x3FD9]  }
0x89: {  	s3 =	sld [smem:$0x3FFE];
	_ =	sdelay $0x1  }
0x8a: {  	s1 =	srdreg.scid  }
0x8b: {  	s0 =	sand.u32 $0x1, s1  }
0x8c: {  	s14 =	sshll.u32 s0, $0xA;
	s2 =	sadd.s32 s3, s2  }
0x8d: {  	s2 =	sadd.s32 s2, s14  }
0x8e: {  	[smem:$0x3FB6] =	sst s2  }
0x8f: {  	_ = 	snop  }
0x90: {  	s2 =	sld [smem:$0x3FD0];
	_ =	sdelay $0x2  }
0x91: {  	s15 =	simm.s32 $0xA;
	s4 =	simm.s32 $0x10  }
0x92: {  	[smem:s4], [sflag:s15] =	dma.local [hbm:s2], $0x1  }
0x93: {  	_ =	swait.eq [sflag:s15], $0x1  }
0x94: {  	[sflag:s15] =	ssyncset.done $0x0  }
0x95: {  	s16 =	sld [smem:$0x10];
	[sflag:s15] =	ssyncadd.s32 $0xFFFFFFFF  }
0x96: {  	s17 =	sld [smem:$0x13];
	(tm) =	ssettm $0x1  }
0x97: {  	s18 =	sld [smem:$0x3FFB];
	_ =	sdelay $0x3  }
0x98: {  	_ =	strace s18  }
0x99: {  	s4 =	sld [smem:$0x3FFC];
	_ =	sdelay $0x3  }
0x9a: {  	_ =	strace s4  }
0x9b: {  	s4 =	sld [smem:$0x3FFD];
	_ =	sdelay $0x3  }
0x9c: {  	_ =	strace s4  }
0x9d: {  	_ =	strace $0x8FFFFFFF  }
0x9e: {  	s19 =	sld [smem:$0x3FDB];
	_ =	sdelay $0x1  }
0x9f: {  	s5 =	simm.s32 $_scs_section_size  }
0xa0: {  	s6 =	simm.s32 $_size__tile_overlayer_lowered;
	s7 =	simm.s32 $_tile_overlayer_lowered  }
0xa1: {  	s22 =	simm.s32 $0x1BFF;
	s21 =	sshll.u32 s7, $0x1;
	s4 =	sadd.s32 s5, s19  }
0xa2: {  	s8 =	simm.s32 $0x0;
	s20 =	sshll.u32 s6, $0x1;
	s6 =	sadd.s32 s21, s4  }
0xa3: {  	[timem:s8], [sflag:s22] =	dma.local [hbm:s6], s20  }
0xa4: {  	_ =	swait.ge [sflag:s22], s20  }
0xa5: {  	s5 =	ssub.s32 $0x0, s20;
	[sflag:s22] =	ssyncset.done $0x0  }
0xa6: {  	[sflag:s22] =	ssyncadd.s32 s5;
	_ =	sdelay $0x1  }
0xa7: {  	s23 =	simm.s32 $0x1B8B  }
0xa8: {  	_ =	swait.ge [sflag:s23], $0x1  }
0xa9: {  	[sflag:s23] =	ssyncset.done $0x0  }
0xaa: {  	s25 =	simm.s32 $0x1B8E;
	s24 =	sld [smem:$0x3FFE];
	[sflag:s23] =	ssyncadd.s32 $0xFFFFFFFF  }
0xab: {  	s26 =	simm.s32 $execute0_lowered;
	[smem:$0x3FD2] =	sst s25  }
0xac: {  	s6 =	sshll.u32 s26, $0x1;
	_ =	strace $0x80000049;
	[dreg:$0x1] =	wrdreg $0xFFFFFFFF  }
0xad: {  	s28 =	simm.s32 $_size_execute0_lowered;
	s4 =	sadd.s32 s4, s6;
	[dreg:$0x0] =	wrdreg $0x0  }
0xae: {  	s6 =	sshll.u32 s28, $0x1;
	[dreg:$0x2] =	wrdreg s4  }
0xaf: {  	[dreg:$0x3] =	wrdreg s6  }
0xb0: {  	[dreg:$0x4] =	wrdreg $0xC0  }
0xb1: {  	_ =	task [dreg:s8], $0x5FFFF  }
0xb2: {  	[dreg:$0x1] =	wrdreg $0xFFFFFFFF  }
0xb3: {  	[dreg:$0x0] =	wrdreg $0x60  }
0xb4: {  	[dreg:$0x2] =	wrdreg s16  }
0xb5: {  	[dreg:$0x3] =	wrdreg s17  }
0xb6: {  	[dreg:$0x4] =	wrdreg s24  }
0xb7: {  	[dreg:$0x5] =	wrdreg $0x9  }
0xb8: {  	_ =	task.clear_ibuf [dreg:s8], $0x6FFFF;
	_ =	strace $0x90000049  }
0xb9: {  	s29 =	simm.s32 $0x9;
	_ =	strace $0x8000004B  }
0xba: {  	_ =	swait.ge [sflag:s29], $0x1  }
0xbb: {  	[sflag:s29] =	ssyncadd.s32 $0xFFFFFFFF  }
0xbc: {  	_ =	strace $0x9000004B  }
0xbd: {  	_ =	sfence  }
0xbe: {  	s30 =	sld [smem:$0x0];
	_ =	sdelay $0x2  }
0xbf: {  	s31 =	sshll.u32 s1, $0xD;
	s1 =	sshrl.u32 s1, $0x2  }
0xc0: {  	s3 =	sand.u32 $0x4000, s31;
	s1 =	sadd.s32 s1, s30  }
0xc1: {  	s0 =	sor.u32 s3, s0;
	s1 =	sshll.u32 s1, $0x11  }
0xc2: {  	s0 =	sor.u32 s1, s0  }
0xc3: {  	s0 =	sadd.s32 $0x8F2B, s0  }
0xc4: {  	[sflag:s0] =	ssyncadd.remote.s32 $0x1  }
0xc5: {  	_ =	sfence.sel $0xFFFF  }
0xc6: {  	[dreg:$0x0] =	wrdreg $0xFFFFFFFF;
	(pc) =	sbr.abs _section_cstart, $3  }
0xc7: {  	[dreg:$0x1] =	wrdreg $0xFFFFFFFF  }
0xc8: {  	_ =	task.clear_ibuf [dreg:s8], $0x2FFFF;
	_ =	strace $0x9FFFFFFF  }
0xc9: {  	(tm) =	ssettm $0x7FFFFFFF  }
tec
execute0_lowered:
.L_overlay_start_1:
0x0: {  	(tag) =	ssettag $0x1  }
0x1: {  	s1 =	rddreg [dreg:$0x0]  }
0x2: {  	s0 =	rddreg [dreg:$0x2];
	s3 =	simm.s32 $0x0  }
0x3: {  	s22 =	srdreg.scid;
	s6 =	stileid.u32;
	s14 =	simm.s32 $0x10800  }
0x4: {  	s15 =	simm.s32 $0x5;
	s16 =	simm.s32 $0x80;
	s17 =	simm.s32 $0x400  }
0x5: {  	s19 =	simm.s32 $0x1000;
	s20 =	simm.s32 $0x1800;
	s21 =	simm.s32 $0x4000  }
0x6: {  	s28 =	simm.s32 $0xB800;
	s29 =	simm.s32 $0x3;
	s30 =	simm.s32 $0x4  }
0x7: {  	s31 =	simm.s32 $0xE000;
	[smem:$0x7FF] =	sst s3;
	s4 =	sadd.s32 $0x568200, s0  }
0x8: {  	s2 =	sadd.s32 $0x4000, s0;
	s23 =	sadd.s32 $0x14000, s0;
	s8 =	sadd.s32 $0x578200, s0  }
0x9: {  	s9 =	sadd.s32 $0xA5A200, s0;
	_ =	strace $0x8000004A;
	[dreg:$0x4] =	wrdreg s2  }
0xa: {  	s10 =	sadd.s32 $0xF3C200, s0;
	[dreg:$0x5] =	wrdreg s4;
	s2 =	sand.u32 $0x1, s22  }
0xb: {  	[dreg:$0x6] =	wrdreg s23;
	s24 =	ssub.s32 $0x2, s2;
	s2 =	sshll.u32 s2, $0x4  }
0xc: {  	s22 =	simm.s32 $0x50;
	s23 =	simm.s32 $0x6800;
	s2 =	sor.u32 s6, s2  }
0xd: {  	v0 =	vlaneseq.u32;
	s5 =	sshrl.u32 s24, $0x1;
	s26 =	sshll.u32 s2, $0xB;
	s2 =	smul.u32 $0x2710, s2  }
0xe: {  	v1 =	vor.u32 $0x10, v0;
	s25 =	ssub.s32 s24, s5;
	s24 =	simm.s32 $0x9000;
	[dreg:$0x7] =	wrdreg s26  }
0xf: {  	v2 =	vor.u32 $0x20, v0;
	v3 =	vor.u32 $0x30, v0;
	v4 =	vor.u32 $0x40, v0;
	s0 =	smax.u32 s25, $0x1;
	s25 =	simm.s32 $0x1;
	[dreg:$0x8] =	wrdreg s2  }
0x10: {  	v5 =	vor.u32 $0x50, v0;
	v6 =	vor.u32 $0x60, v0;
	v7 =	vor.u32 $0x70, v0;
	s26 =	simm.s32 $0x2;
	[dreg:$0x9] =	wrdreg s0;
	s2 =	simm.s32 $0x0  }
.LBB2_1:
0x11: {  	[dreg:$0xa] =	wrdreg s2  }
0x12: {  	s0 =	rddreg [dreg:$0x1]  }
0x13: {  	[tilespmem:s14], [sflag:$0x5] =	stream.linear.gather [hbm4b:s0+s3], $0x800, $0x38;
	[tilespmem:$0x11000] =	vst v63  }
0x14: {  	_ =	swait.ge [sflag:s15], $0x800  }
0x15: {  	[sflag:s15] =	ssyncset.done $0x0  }
0x16: {  	s7 =	simm.s32 $0x0;
	[sflag:s15] =	ssyncadd.s32 $0xFFFFF800  }
.LBB2_2:
0x17: {  	s0 =	sshll.u32 s7, $0x4;
	s2 =	rddreg [dreg:$0x7]  }
0x18: {  	s5 =	rddreg [dreg:$0x4];
	s0 =	sadd.s32 s2, s0  }
0x19: {  	s13 =	simm.s32 $0x0;
	s2 =	sadd.s32 s5, s0  }
0x1a: {  	[tilespmem:s13], [sflag:$0x5] =	stream.strided.gather [hbm4b:s2+s16], $0x800, s17, s16, $0x38;
	[tilespmem:$0x11000] =	vst v63  }
0x1b: {  	_ =	swait.ge [sflag:s15], $0x800  }
0x1c: {  	[sflag:s15] =	ssyncset.done $0x0;
	s6 =	rddreg [dreg:$0x5]  }
0x1d: {  	s4 =	simm.s32 $0x800;
	[sflag:s15] =	ssyncadd.s32 $0xFFFFF800;
	s2 =	sadd.s32 s6, s0  }
0x1e: {  	[tilespmem:s4], [sflag:$0x5] =	stream.strided.gather [hbm4b:s2+s16], $0x800, s17, s16, $0x38;
	[tilespmem:$0x11000] =	vst v63  }
0x1f: {  	_ =	swait.ge [sflag:s15], $0x800  }
0x20: {  	[sflag:s15] =	ssyncset.done $0x0;
	s11 =	rddreg [dreg:$0x6]  }
0x21: {  	[sflag:s15] =	ssyncadd.s32 $0xFFFFF800;
	s0 =	sadd.s32 s11, s0  }
0x22: {  	[tilespmem:s19], [sflag:$0x5] =	stream.strided.gather [hbm4b:s0+s16], $0x800, s17, s16, $0x38;
	[tilespmem:$0x11000] =	vst v63  }
0x23: {  	_ =	swait.ge [sflag:s15], $0x800  }
0x24: {  	[sflag:s15] =	ssyncset.done $0x0  }
0x25: {  	s0 =	simm.s32 $0x50;
	[sflag:s15] =	ssyncadd.s32 $0xFFFFF800  }
0x26: {  	[tilespmem:s20], [sflag:$0x1] =	stream.indirect.gather [hbm4b:s1+s0], $0x80, s13, s0, $0xb8;
	[tilespmem:$0x11000] =	vst v63  }
0x27: {  	s12 =	smul.u32 $0x7D0, s7;
	s18 =	rddreg [dreg:$0x8]  }
0x28: {  	[tilespmem:s21], [sflag:$0x2] =	stream.indirect.gather [hbm4b:s1+s0], $0x80, s4, s0, $0xb8;
	[tilespmem:$0x11000] =	vst v63  }
0x29: {  	s2 =	sadd.s32 s18, s12;
	s4 =	simm.s32 $0x0  }
.LBB2_3:
0x2a: {  	s6 =	smul.u32 $0xA0, s4;
	s5 =	sadd.s32 $0x0, s13  }
0x2b: {  	v8 =	vmov s5  }
0x2c: {  	s5 =	sadd.s32 $0x50, s6  }
0x2d: {  	[tilespmem:s23], [sflag:$0x3] =	stream.indirect.gather [hbm4b:s1+s22], $0x80, s5, s22, $0xb8;
	[tilespmem:$0x11000] =	vst v63  }
0x2e: {  	s11 =	sadd.s32 $0x850, s6  }
0x2f: {  	[tilespmem:s24], [sflag:$0x4] =	stream.indirect.gather [hbm4b:s1+s22], $0x80, s11, s22, $0xb8;
	[tilespmem:$0x11000] =	vst v63  }
0x30: {  	v8 =	vld.idx.msk [tilespmem:v8+s19+$0x0], $0xffff;
	_ =	sdelay $0x4  }
0x31: {  	v8 =	vshll.u32 v8, $0x7  }
0x32: {  	v9 =	vor.u32 v0, v8;
	_ =	sdelay $0x4  }
0x33: {  	v9 =	vld.idx.msk [tilespmem:v9+s14+$0x0], $0xffff  }
0x34: {  	v10 =	vor.u32 v1, v8;
	_ =	sdelay $0x2  }
0x35: {  	s11 =	simm.s32 $0xB840  }
0x36: {  	[tilespmem:s11+$0xFFFFFFC0] =	vst v9  }
0x37: {  	v9 =	vld.idx.msk [tilespmem:v10+s14+$0x0], $0xffff  }
0x38: {  	v10 =	vor.u32 v2, v8;
	_ =	sdelay $0x3  }
0x39: {  	[tilespmem:s11+$0xFFFFFFD0] =	vst v9  }
0x3a: {  	v9 =	vld.idx.msk [tilespmem:v10+s14+$0x0], $0xffff  }
0x3b: {  	v10 =	vor.u32 v3, v8;
	_ =	sdelay $0x3  }
0x3c: {  	[tilespmem:s11+$0xFFFFFFE0] =	vst v9  }
0x3d: {  	v9 =	vld.idx.msk [tilespmem:v10+s14+$0x0], $0xffff  }
0x3e: {  	v10 =	vor.u32 v4, v8;
	_ =	sdelay $0x3  }
0x3f: {  	[tilespmem:s11+$0xFFFFFFF0] =	vst v9  }
0x40: {  	v9 =	vld.idx.msk [tilespmem:v10+s14+$0x0], $0xffff  }
0x41: {  	v10 =	vor.u32 v5, v8;
	_ =	sdelay $0x3  }
0x42: {  	[tilespmem:s11+$0x0] =	vst v9  }
0x43: {  	v9 =	vld.idx.msk [tilespmem:v10+s14+$0x0], $0xffff  }
0x44: {  	v10 =	vor.u32 v6, v8;
	_ =	sdelay $0x3  }
0x45: {  	[tilespmem:s11+$0x10] =	vst v9  }
0x46: {  	v9 =	vld.idx.msk [tilespmem:v10+s14+$0x0], $0xffff  }
0x47: {  	v8 =	vor.u32 v7, v8;
	_ =	sdelay $0x3  }
0x48: {  	[tilespmem:s11+$0x20] =	vst v9  }
0x49: {  	s18 =	sadd.s32 $0x1, s13;
	v9 =	vld.idx.msk [tilespmem:v8+s14+$0x0], $0xffff  }
0x4a: {  	s12 =	simm.s32 $0x2;
	v8 =	vmov s18  }
.LBB2_4:
0x4b: {  	_ =	sdelay $0x1  }
0x4c: {  	p0 =	sne.s32 s12, $0x4F  }
0x4d: {  	s18 =	smov.u32 s12;
	s12 =	sadd.s32 $0x1, s12;
	[tilespmem:s11+$0x30] =	vst v9;
	s11 =	sadd.s32 $0x80, s11  }
0x4e: {  	v8 =	vld.idx.msk [tilespmem:v8+s19+$0x0], $0xffff;
	_ =	sdelay $0x5  }
0x4f: {  	v8 =	vshll.u32 v8, $0x7  }
0x50: {  	v9 =	vor.u32 v0, v8;
	_ =	sdelay $0x4  }
0x51: {  	v9 =	vld.idx.msk [tilespmem:v9+s14+$0x0], $0xffff;
	_ =	sdelay $0x1  }
0x52: {  	v10 =	vor.u32 v1, v8;
	_ =	sdelay $0x3  }
0x53: {  	[tilespmem:s11+$0xFFFFFFC0] =	vst v9  }
0x54: {  	v9 =	vld.idx.msk [tilespmem:v10+s14+$0x0], $0xffff;
	_ =	sdelay $0x1  }
0x55: {  	v10 =	vor.u32 v2, v8;
	_ =	sdelay $0x3  }
0x56: {  	[tilespmem:s11+$0xFFFFFFD0] =	vst v9  }
0x57: {  	v9 =	vld.idx.msk [tilespmem:v10+s14+$0x0], $0xffff;
	_ =	sdelay $0x1  }
0x58: {  	v10 =	vor.u32 v3, v8;
	_ =	sdelay $0x3  }
0x59: {  	[tilespmem:s11+$0xFFFFFFE0] =	vst v9  }
0x5a: {  	v9 =	vld.idx.msk [tilespmem:v10+s14+$0x0], $0xffff;
	_ =	sdelay $0x1  }
0x5b: {  	v10 =	vor.u32 v4, v8;
	_ =	sdelay $0x3  }
0x5c: {  	[tilespmem:s11+$0xFFFFFFF0] =	vst v9  }
0x5d: {  	v9 =	vld.idx.msk [tilespmem:v10+s14+$0x0], $0xffff;
	_ =	sdelay $0x1  }
0x5e: {  	v10 =	vor.u32 v5, v8;
	_ =	sdelay $0x3  }
0x5f: {  	[tilespmem:s11+$0x0] =	vst v9  }
0x60: {  	v9 =	vld.idx.msk [tilespmem:v10+s14+$0x0], $0xffff;
	_ =	sdelay $0x1  }
0x61: {  	v10 =	vor.u32 v6, v8;
	_ =	sdelay $0x3  }
0x62: {  	[tilespmem:s11+$0x10] =	vst v9  }
0x63: {  	v9 =	vld.idx.msk [tilespmem:v10+s14+$0x0], $0xffff;
	_ =	sdelay $0x1  }
0x64: {  	v8 =	vor.u32 v7, v8;
	_ =	sdelay $0x2  }
.Ltmp0:
0x65: {  	(pc) =	sbr.rel @p0 .LBB2_4-.Ltmp0, $4  }
0x66: {  	[tilespmem:s11+$0x20] =	vst v9  }
0x67: {  	v9 =	vld.idx.msk [tilespmem:v8+s14+$0x0], $0xffff  }
0x68: {  	s18 =	sadd.s32 s18, s13  }
0x69: {  	v8 =	vmov s18  }
0x6a: {  	_ =	sdelay $0x2  }
0x6b: {  	[tilespmem:s11+$0x30] =	vst v9  }
0x6c: {  	v8 =	vld.idx.msk [tilespmem:v8+s19+$0x0], $0xffff;
	_ =	sdelay $0x4  }
0x6d: {  	v8 =	vshll.u32 v8, $0x7  }
0x6e: {  	v9 =	vor.u32 v0, v8;
	_ =	sdelay $0x4  }
0x6f: {  	v9 =	vld.idx.msk [tilespmem:v9+s14+$0x0], $0xffff  }
0x70: {  	v10 =	vor.u32 v1, v8;
	_ =	sdelay $0x2  }
0x71: {  	s12 =	sadd.s32 $0x80, s11  }
0x72: {  	[tilespmem:s12+$0xFFFFFFC0] =	vst v9  }
0x73: {  	v9 =	vld.idx.msk [tilespmem:v10+s14+$0x0], $0xffff  }
0x74: {  	v10 =	vor.u32 v2, v8;
	_ =	sdelay $0x3  }
0x75: {  	[tilespmem:s12+$0xFFFFFFD0] =	vst v9  }
0x76: {  	v9 =	vld.idx.msk [tilespmem:v10+s14+$0x0], $0xffff  }
0x77: {  	v10 =	vor.u32 v3, v8;
	_ =	sdelay $0x3  }
0x78: {  	[tilespmem:s12+$0xFFFFFFE0] =	vst v9  }
0x79: {  	v9 =	vld.idx.msk [tilespmem:v10+s14+$0x0], $0xffff  }
0x7a: {  	v10 =	vor.u32 v4, v8;
	_ =	sdelay $0x3  }
0x7b: {  	[tilespmem:s12+$0xFFFFFFF0] =	vst v9  }
0x7c: {  	v9 =	vld.idx.msk [tilespmem:v10+s14+$0x0], $0xffff  }
0x7d: {  	v10 =	vor.u32 v5, v8;
	_ =	sdelay $0x3  }
0x7e: {  	[tilespmem:s12+$0x0] =	vst v9  }
0x7f: {  	v9 =	vld.idx.msk [tilespmem:v10+s14+$0x0], $0xffff  }
0x80: {  	v10 =	vor.u32 v6, v8;
	_ =	sdelay $0x3  }
0x81: {  	[tilespmem:s12+$0x10] =	vst v9  }
0x82: {  	v9 =	vld.idx.msk [tilespmem:v10+s14+$0x0], $0xffff  }
0x83: {  	v8 =	vor.u32 v7, v8;
	_ =	sdelay $0x3  }
0x84: {  	[tilespmem:s12+$0x20] =	vst v9  }
0x85: {  	v8 =	vld.idx.msk [tilespmem:v8+s14+$0x0], $0xffff;
	_ =	sdelay $0x4  }
0x86: {  	[tilespmem:s12+$0x30] =	vst v8  }
0x87: {  	_ =	swait.ge [sflag:s25], $0x2800  }
0x88: {  	[sflag:s25] =	ssyncset.done $0x0  }
0x89: {  	[sflag:s25] =	ssyncadd.s32 $0xFFFFD800  }
0x8a: {  	s18 =	sadd.s32 s2, s6;
	_ =	swait.ge [sflag:s26], $0x2800  }
0x8b: {  	s11 =	sshll.u32 s18, $0x4;
	[sflag:s26] =	ssyncset.done $0x0  }
0x8c: {  	s18 =	simm.s32 $0x0;
	s12 =	sadd.s32 s8, s11;
	[sflag:s26] =	ssyncadd.s32 $0xFFFFD800  }
0x8d: {  	[hbm4b:s12+s18] =	stream.linear.scatter [tilespmem:s20], [sflag:$0x5], $0x2800, $0x38;
	[tilespmem:$0x11000] =	vst v63  }
0x8e: {  	_ =	swait.ge [sflag:s15], $0x2800  }
0x8f: {  	[sflag:s15] =	ssyncset.done $0x0  }
0x90: {  	s12 =	sadd.s32 s9, s11;
	[sflag:s15] =	ssyncadd.s32 $0xFFFFD800  }
0x91: {  	[hbm4b:s12+s18] =	stream.linear.scatter [tilespmem:s21], [sflag:$0x5], $0x2800, $0x38;
	[tilespmem:$0x11000] =	vst v63  }
0x92: {  	_ =	swait.ge [sflag:s15], $0x2800  }
0x93: {  	[sflag:s15] =	ssyncset.done $0x0  }
0x94: {  	s11 =	sadd.s32 s10, s11;
	[sflag:s15] =	ssyncadd.s32 $0xFFFFD800  }
0x95: {  	[hbm4b:s11+s18] =	stream.linear.scatter [tilespmem:s28], [sflag:$0x5], $0x2800, $0x38;
	[tilespmem:$0x11000] =	vst v63  }
0x96: {  	s12 =	sadd.s32 $0x0, s0;
	_ =	swait.ge [sflag:s15], $0x2800  }
0x97: {  	v8 =	vmov s12;
	[sflag:s15] =	ssyncset.done $0x0  }
0x98: {  	s18 =	sadd.s32 $0xA0, s6;
	[sflag:s15] =	ssyncadd.s32 $0xFFFFD800  }
0x99: {  	[tilespmem:s20], [sflag:$0x1] =	stream.indirect.gather [hbm4b:s1+s22], $0x80, s18, s22, $0xb8;
	[tilespmem:$0x11000] =	vst v63  }
0x9a: {  	s12 =	sadd.s32 $0x8A0, s6  }
0x9b: {  	[tilespmem:s21], [sflag:$0x2] =	stream.indirect.gather [hbm4b:s1+s22], $0x80, s12, s22, $0xb8;
	[tilespmem:$0x11000] =	vst v63  }
0x9c: {  	v8 =	vld.idx.msk [tilespmem:v8+s19+$0x0], $0xffff;
	_ =	sdelay $0x4  }
0x9d: {  	v8 =	vshll.u32 v8, $0x7  }
0x9e: {  	v9 =	vor.u32 v0, v8;
	_ =	sdelay $0x4  }
0x9f: {  	v9 =	vld.idx.msk [tilespmem:v9+s14+$0x0], $0xffff  }
0xa0: {  	v10 =	vor.u32 v1, v8;
	_ =	sdelay $0x2  }
0xa1: {  	s6 =	simm.s32 $0xE040  }
0xa2: {  	[tilespmem:s6+$0xFFFFFFC0] =	vst v9  }
0xa3: {  	v9 =	vld.idx.msk [tilespmem:v10+s14+$0x0], $0xffff  }
0xa4: {  	v10 =	vor.u32 v2, v8;
	_ =	sdelay $0x3  }
0xa5: {  	[tilespmem:s6+$0xFFFFFFD0] =	vst v9  }
0xa6: {  	v9 =	vld.idx.msk [tilespmem:v10+s14+$0x0], $0xffff  }
0xa7: {  	v10 =	vor.u32 v3, v8;
	_ =	sdelay $0x3  }
0xa8: {  	[tilespmem:s6+$0xFFFFFFE0] =	vst v9  }
0xa9: {  	v9 =	vld.idx.msk [tilespmem:v10+s14+$0x0], $0xffff  }
0xaa: {  	v10 =	vor.u32 v4, v8;
	_ =	sdelay $0x3  }
0xab: {  	[tilespmem:s6+$0xFFFFFFF0] =	vst v9  }
0xac: {  	v9 =	vld.idx.msk [tilespmem:v10+s14+$0x0], $0xffff  }
0xad: {  	v10 =	vor.u32 v5, v8;
	_ =	sdelay $0x3  }
0xae: {  	[tilespmem:s6+$0x0] =	vst v9  }
0xaf: {  	v9 =	vld.idx.msk [tilespmem:v10+s14+$0x0], $0xffff  }
0xb0: {  	v10 =	vor.u32 v6, v8;
	_ =	sdelay $0x3  }
0xb1: {  	[tilespmem:s6+$0x10] =	vst v9  }
0xb2: {  	v9 =	vld.idx.msk [tilespmem:v10+s14+$0x0], $0xffff  }
0xb3: {  	v8 =	vor.u32 v7, v8;
	_ =	sdelay $0x3  }
0xb4: {  	[tilespmem:s6+$0x20] =	vst v9  }
0xb5: {  	s18 =	sadd.s32 $0x1, s0;
	v9 =	vld.idx.msk [tilespmem:v8+s14+$0x0], $0xffff  }
0xb6: {  	s11 =	simm.s32 $0x2;
	v8 =	vmov s18  }
.LBB2_6:
0xb7: {  	_ =	sdelay $0x1  }
0xb8: {  	p0 =	sne.s32 s11, $0x4F  }
0xb9: {  	s12 =	smov.u32 s11;
	s11 =	sadd.s32 $0x1, s11;
	[tilespmem:s6+$0x30] =	vst v9;
	s6 =	sadd.s32 $0x80, s6  }
0xba: {  	v8 =	vld.idx.msk [tilespmem:v8+s19+$0x0], $0xffff;
	_ =	sdelay $0x5  }
0xbb: {  	v8 =	vshll.u32 v8, $0x7  }
0xbc: {  	v9 =	vor.u32 v0, v8;
	_ =	sdelay $0x4  }
0xbd: {  	v9 =	vld.idx.msk [tilespmem:v9+s14+$0x0], $0xffff;
	_ =	sdelay $0x1  }
0xbe: {  	v10 =	vor.u32 v1, v8;
	_ =	sdelay $0x3  }
0xbf: {  	[tilespmem:s6+$0xFFFFFFC0] =	vst v9  }
0xc0: {  	v9 =	vld.idx.msk [tilespmem:v10+s14+$0x0], $0xffff;
	_ =	sdelay $0x1  }
0xc1: {  	v10 =	vor.u32 v2, v8;
	_ =	sdelay $0x3  }
0xc2: {  	[tilespmem:s6+$0xFFFFFFD0] =	vst v9  }
0xc3: {  	v9 =	vld.idx.msk [tilespmem:v10+s14+$0x0], $0xffff;
	_ =	sdelay $0x1  }
0xc4: {  	v10 =	vor.u32 v3, v8;
	_ =	sdelay $0x3  }
0xc5: {  	[tilespmem:s6+$0xFFFFFFE0] =	vst v9  }
0xc6: {  	v9 =	vld.idx.msk [tilespmem:v10+s14+$0x0], $0xffff;
	_ =	sdelay $0x1  }
0xc7: {  	v10 =	vor.u32 v4, v8;
	_ =	sdelay $0x3  }
0xc8: {  	[tilespmem:s6+$0xFFFFFFF0] =	vst v9  }
0xc9: {  	v9 =	vld.idx.msk [tilespmem:v10+s14+$0x0], $0xffff;
	_ =	sdelay $0x1  }
0xca: {  	v10 =	vor.u32 v5, v8;
	_ =	sdelay $0x3  }
0xcb: {  	[tilespmem:s6+$0x0] =	vst v9  }
0xcc: {  	v9 =	vld.idx.msk [tilespmem:v10+s14+$0x0], $0xffff;
	_ =	sdelay $0x1  }
0xcd: {  	v10 =	vor.u32 v6, v8;
	_ =	sdelay $0x3  }
0xce: {  	[tilespmem:s6+$0x10] =	vst v9  }
0xcf: {  	v9 =	vld.idx.msk [tilespmem:v10+s14+$0x0], $0xffff;
	_ =	sdelay $0x1  }
0xd0: {  	v8 =	vor.u32 v7, v8;
	_ =	sdelay $0x2  }
.Ltmp1:
0xd1: {  	(pc) =	sbr.rel @p0 .LBB2_6-.Ltmp1, $4  }
0xd2: {  	[tilespmem:s6+$0x20] =	vst v9  }
0xd3: {  	v9 =	vld.idx.msk [tilespmem:v8+s14+$0x0], $0xffff  }
0xd4: {  	s12 =	sadd.s32 s12, s0  }
0xd5: {  	v8 =	vmov s12  }
0xd6: {  	_ =	sdelay $0x2  }
0xd7: {  	[tilespmem:s6+$0x30] =	vst v9  }
0xd8: {  	v8 =	vld.idx.msk [tilespmem:v8+s19+$0x0], $0xffff;
	_ =	sdelay $0x4  }
0xd9: {  	v8 =	vshll.u32 v8, $0x7  }
0xda: {  	v58 =	vor.u32 v0, v8;
	_ =	sdelay $0x4  }
0xdb: {  	v9 =	vld.idx.msk [tilespmem:v58+s14+$0x0], $0xffff  }
0xdc: {  	v10 =	vor.u32 v1, v8;
	_ =	sdelay $0x2  }
0xdd: {  	s11 =	sadd.s32 $0x80, s6  }
0xde: {  	[tilespmem:s11+$0xFFFFFFC0] =	vst v9  }
0xdf: {  	v9 =	vld.idx.msk [tilespmem:v10+s14+$0x0], $0xffff  }
0xe0: {  	v59 =	vor.u32 v2, v8;
	_ =	sdelay $0x3  }
0xe1: {  	[tilespmem:s11+$0xFFFFFFD0] =	vst v9  }
0xe2: {  	v9 =	vld.idx.msk [tilespmem:v59+s14+$0x0], $0xffff  }
0xe3: {  	v60 =	vor.u32 v3, v8;
	_ =	sdelay $0x3  }
0xe4: {  	[tilespmem:s11+$0xFFFFFFE0] =	vst v9  }
0xe5: {  	v9 =	vld.idx.msk [tilespmem:v60+s14+$0x0], $0xffff  }
0xe6: {  	v61 =	vor.u32 v4, v8;
	_ =	sdelay $0x3  }
0xe7: {  	[tilespmem:s11+$0xFFFFFFF0] =	vst v9  }
0xe8: {  	v9 =	vld.idx.msk [tilespmem:v61+s14+$0x0], $0xffff  }
0xe9: {  	v62 =	vor.u32 v5, v8;
	_ =	sdelay $0x3  }
0xea: {  	[tilespmem:s11+$0x0] =	vst v9  }
0xeb: {  	v9 =	vld.idx.msk [tilespmem:v62+s14+$0x0], $0xffff  }
0xec: {  	v63 =	vor.u32 v6, v8;
	_ =	sdelay $0x3  }
0xed: {  	[tilespmem:s11+$0x10] =	vst v9  }
0xee: {  	v9 =	vld.idx.msk [tilespmem:v63+s14+$0x0], $0xffff  }
0xef: {  	v8 =	vor.u32 v7, v8;
	_ =	sdelay $0x3  }
0xf0: {  	[tilespmem:s11+$0x20] =	vst v9  }
0xf1: {  	v8 =	vld.idx.msk [tilespmem:v8+s14+$0x0], $0xffff;
	_ =	sdelay $0x4  }
0xf2: {  	[tilespmem:s11+$0x30] =	vst v8  }
0xf3: {  	_ =	swait.ge [sflag:s29], $0x2800  }
0xf4: {  	[sflag:s29] =	ssyncset.done $0x0  }
0xf5: {  	[sflag:s29] =	ssyncadd.s32 $0xFFFFD800  }
0xf6: {  	s5 =	sadd.s32 s2, s5;
	_ =	swait.ge [sflag:s30], $0x2800  }
0xf7: {  	s5 =	sshll.u32 s5, $0x4;
	[sflag:s30] =	ssyncset.done $0x0  }
0xf8: {  	s12 =	sadd.s32 s8, s5;
	[sflag:s30] =	ssyncadd.s32 $0xFFFFD800  }
0xf9: {  	[hbm4b:s12+s3] =	stream.linear.scatter [tilespmem:s23], [sflag:$0x5], $0x2800, $0x38;
	[tilespmem:$0x11000] =	vst v63  }
0xfa: {  	_ =	swait.ge [sflag:s15], $0x2800  }
0xfb: {  	[sflag:s15] =	ssyncset.done $0x0  }
0xfc: {  	s18 =	sadd.s32 s9, s5;
	[sflag:s15] =	ssyncadd.s32 $0xFFFFD800  }
0xfd: {  	[hbm4b:s18+s3] =	stream.linear.scatter [tilespmem:s24], [sflag:$0x5], $0x2800, $0x38;
	[tilespmem:$0x11000] =	vst v63  }
0xfe: {  	s4 =	sadd.s32 $0x1, s4;
	_ =	swait.ge [sflag:s15], $0x2800  }
0xff: {  	p0 =	sne.s32 s4, $0xC;
	[sflag:s15] =	ssyncset.done $0x0  }
.Ltmp2:
0x100: {  	s5 =	sadd.s32 s10, s5;
	[sflag:s15] =	ssyncadd.s32 $0xFFFFD800;
	(pc) =	sbr.rel @p0 .LBB2_3-.Ltmp2, $4  }
0x101: {  	[hbm4b:s5+s3] =	stream.linear.scatter [tilespmem:s31], [sflag:$0x5], $0x2800, $0x38;
	[tilespmem:$0x11000] =	vst v63  }
0x102: {  	_ =	swait.ge [sflag:s15], $0x2800  }
0x103: {  	[sflag:s15] =	ssyncset.done $0x0  }
0x104: {  	s13 =	sadd.s32 $0xA0, s13;
	s0 =	sadd.s32 $0xA0, s0;
	[sflag:s15] =	ssyncadd.s32 $0xFFFFD800  }
0x105: {  	s0 =	simm.s32 $0x780  }
0x106: {  	v8 =	vmov s0;
	_ =	sdelay $0x4  }
0x107: {  	v8 =	vld.idx.msk [tilespmem:v8+s19+$0x0], $0xffff;
	_ =	sdelay $0x4  }
0x108: {  	v8 =	vshll.u32 v8, $0x7  }
0x109: {  	v9 =	vor.u32 v0, v8;
	_ =	sdelay $0x4  }
0x10a: {  	v9 =	vld.idx.msk [tilespmem:v9+s14+$0x0], $0xffff  }
0x10b: {  	v10 =	vor.u32 v1, v8;
	_ =	sdelay $0x2  }
0x10c: {  	s0 =	simm.s32 $0xB840  }
0x10d: {  	[tilespmem:s0+$0xFFFFFFC0] =	vst v9  }
0x10e: {  	v9 =	vld.idx.msk [tilespmem:v10+s14+$0x0], $0xffff  }
0x10f: {  	v10 =	vor.u32 v2, v8;
	_ =	sdelay $0x3  }
0x110: {  	[tilespmem:s0+$0xFFFFFFD0] =	vst v9  }
0x111: {  	v9 =	vld.idx.msk [tilespmem:v10+s14+$0x0], $0xffff  }
0x112: {  	v10 =	vor.u32 v3, v8;
	_ =	sdelay $0x3  }
0x113: {  	[tilespmem:s0+$0xFFFFFFE0] =	vst v9  }
0x114: {  	v9 =	vld.idx.msk [tilespmem:v10+s14+$0x0], $0xffff  }
0x115: {  	v10 =	vor.u32 v4, v8;
	_ =	sdelay $0x3  }
0x116: {  	[tilespmem:s0+$0xFFFFFFF0] =	vst v9  }
0x117: {  	v9 =	vld.idx.msk [tilespmem:v10+s14+$0x0], $0xffff  }
0x118: {  	v10 =	vor.u32 v5, v8;
	_ =	sdelay $0x3  }
0x119: {  	[tilespmem:s0+$0x0] =	vst v9  }
0x11a: {  	v9 =	vld.idx.msk [tilespmem:v10+s14+$0x0], $0xffff  }
0x11b: {  	v10 =	vor.u32 v6, v8;
	_ =	sdelay $0x3  }
0x11c: {  	[tilespmem:s0+$0x10] =	vst v9  }
0x11d: {  	v9 =	vld.idx.msk [tilespmem:v10+s14+$0x0], $0xffff  }
0x11e: {  	v8 =	vor.u32 v7, v8;
	_ =	sdelay $0x3  }
0x11f: {  	[tilespmem:s0+$0x20] =	vst v9  }
0x120: {  	s5 =	simm.s32 $0x781;
	v9 =	vld.idx.msk [tilespmem:v8+s14+$0x0], $0xffff  }
0x121: {  	s4 =	simm.s32 $0x782;
	v8 =	vmov s5  }
.LBB2_9:
0x122: {  	_ =	sdelay $0x1  }
0x123: {  	p0 =	sne.s32 s4, $0x7CF  }
0x124: {  	s5 =	smov.u32 s4;
	s4 =	sadd.s32 $0x1, s4;
	[tilespmem:s0+$0x30] =	vst v9;
	s0 =	sadd.s32 $0x80, s0  }
0x125: {  	v8 =	vld.idx.msk [tilespmem:v8+s19+$0x0], $0xffff;
	_ =	sdelay $0x5  }
0x126: {  	v8 =	vshll.u32 v8, $0x7  }
0x127: {  	v9 =	vor.u32 v0, v8;
	_ =	sdelay $0x4  }
0x128: {  	v9 =	vld.idx.msk [tilespmem:v9+s14+$0x0], $0xffff;
	_ =	sdelay $0x1  }
0x129: {  	v10 =	vor.u32 v1, v8;
	_ =	sdelay $0x3  }
0x12a: {  	[tilespmem:s0+$0xFFFFFFC0] =	vst v9  }
0x12b: {  	v9 =	vld.idx.msk [tilespmem:v10+s14+$0x0], $0xffff;
	_ =	sdelay $0x1  }
0x12c: {  	v10 =	vor.u32 v2, v8;
	_ =	sdelay $0x3  }
0x12d: {  	[tilespmem:s0+$0xFFFFFFD0] =	vst v9  }
0x12e: {  	v9 =	vld.idx.msk [tilespmem:v10+s14+$0x0], $0xffff;
	_ =	sdelay $0x1  }
0x12f: {  	v10 =	vor.u32 v3, v8;
	_ =	sdelay $0x3  }
0x130: {  	[tilespmem:s0+$0xFFFFFFE0] =	vst v9  }
0x131: {  	v9 =	vld.idx.msk [tilespmem:v10+s14+$0x0], $0xffff;
	_ =	sdelay $0x1  }
0x132: {  	v10 =	vor.u32 v4, v8;
	_ =	sdelay $0x3  }
0x133: {  	[tilespmem:s0+$0xFFFFFFF0] =	vst v9  }
0x134: {  	v9 =	vld.idx.msk [tilespmem:v10+s14+$0x0], $0xffff;
	_ =	sdelay $0x1  }
0x135: {  	v10 =	vor.u32 v5, v8;
	_ =	sdelay $0x3  }
0x136: {  	[tilespmem:s0+$0x0] =	vst v9  }
0x137: {  	v9 =	vld.idx.msk [tilespmem:v10+s14+$0x0], $0xffff;
	_ =	sdelay $0x1  }
0x138: {  	v10 =	vor.u32 v6, v8;
	_ =	sdelay $0x3  }
0x139: {  	[tilespmem:s0+$0x10] =	vst v9  }
0x13a: {  	v9 =	vld.idx.msk [tilespmem:v10+s14+$0x0], $0xffff;
	_ =	sdelay $0x1  }
0x13b: {  	v8 =	vor.u32 v7, v8;
	_ =	sdelay $0x2  }
.Ltmp3:
0x13c: {  	(pc) =	sbr.rel @p0 .LBB2_9-.Ltmp3, $3  }
0x13d: {  	[tilespmem:s0+$0x20] =	vst v9  }
0x13e: {  	v9 =	vld.idx.msk [tilespmem:v8+s14+$0x0], $0xffff;
	_ =	sdelay $0x1  }
0x13f: {  	v8 =	vmov s5  }
0x140: {  	_ =	sdelay $0x2  }
0x141: {  	[tilespmem:s0+$0x30] =	vst v9  }
0x142: {  	v8 =	vld.idx.msk [tilespmem:v8+s19+$0x0], $0xffff;
	_ =	sdelay $0x4  }
0x143: {  	v8 =	vshll.u32 v8, $0x7  }
0x144: {  	v58 =	vor.u32 v0, v8;
	_ =	sdelay $0x4  }
0x145: {  	v9 =	vld.idx.msk [tilespmem:v58+s14+$0x0], $0xffff  }
0x146: {  	v10 =	vor.u32 v1, v8;
	_ =	sdelay $0x2  }
0x147: {  	s11 =	sadd.s32 $0x80, s0  }
0x148: {  	[tilespmem:s11+$0xFFFFFFC0] =	vst v9  }
0x149: {  	v9 =	vld.idx.msk [tilespmem:v10+s14+$0x0], $0xffff  }
0x14a: {  	v59 =	vor.u32 v2, v8;
	_ =	sdelay $0x3  }
0x14b: {  	[tilespmem:s11+$0xFFFFFFD0] =	vst v9  }
0x14c: {  	v9 =	vld.idx.msk [tilespmem:v59+s14+$0x0], $0xffff  }
0x14d: {  	v60 =	vor.u32 v3, v8;
	_ =	sdelay $0x3  }
0x14e: {  	[tilespmem:s11+$0xFFFFFFE0] =	vst v9  }
0x14f: {  	v9 =	vld.idx.msk [tilespmem:v60+s14+$0x0], $0xffff  }
0x150: {  	v61 =	vor.u32 v4, v8;
	_ =	sdelay $0x3  }
0x151: {  	[tilespmem:s11+$0xFFFFFFF0] =	vst v9  }
0x152: {  	v9 =	vld.idx.msk [tilespmem:v61+s14+$0x0], $0xffff  }
0x153: {  	v62 =	vor.u32 v5, v8;
	_ =	sdelay $0x3  }
0x154: {  	[tilespmem:s11+$0x0] =	vst v9  }
0x155: {  	v9 =	vld.idx.msk [tilespmem:v62+s14+$0x0], $0xffff  }
0x156: {  	v63 =	vor.u32 v6, v8;
	_ =	sdelay $0x3  }
0x157: {  	[tilespmem:s11+$0x10] =	vst v9  }
0x158: {  	v9 =	vld.idx.msk [tilespmem:v63+s14+$0x0], $0xffff  }
0x159: {  	v8 =	vor.u32 v7, v8;
	_ =	sdelay $0x3  }
0x15a: {  	[tilespmem:s11+$0x20] =	vst v9  }
0x15b: {  	v8 =	vld.idx.msk [tilespmem:v8+s14+$0x0], $0xffff;
	_ =	sdelay $0x4  }
0x15c: {  	[tilespmem:s11+$0x30] =	vst v8  }
0x15d: {  	_ =	swait.ge [sflag:s25], $0x2800  }
0x15e: {  	[sflag:s25] =	ssyncset.done $0x0  }
0x15f: {  	[sflag:s25] =	ssyncadd.s32 $0xFFFFD800  }
0x160: {  	s12 =	sshll.u32 s2, $0x4;
	_ =	swait.ge [sflag:s26], $0x2800  }
0x161: {  	s0 =	sadd.s32 $0x7800, s12;
	[sflag:s26] =	ssyncset.done $0x0  }
0x162: {  	s13 =	sadd.s32 s8, s0;
	[sflag:s26] =	ssyncadd.s32 $0xFFFFD800  }
0x163: {  	[hbm4b:s13+s3] =	stream.linear.scatter [tilespmem:s20], [sflag:$0x5], $0x2800, $0x38;
	[tilespmem:$0x11000] =	vst v63  }
0x164: {  	_ =	swait.ge [sflag:s15], $0x2800  }
0x165: {  	[sflag:s15] =	ssyncset.done $0x0  }
0x166: {  	s18 =	sadd.s32 s9, s0;
	[sflag:s15] =	ssyncadd.s32 $0xFFFFD800  }
0x167: {  	[hbm4b:s18+s3] =	stream.linear.scatter [tilespmem:s21], [sflag:$0x5], $0x2800, $0x38;
	[tilespmem:$0x11000] =	vst v63  }
0x168: {  	s7 =	sadd.s32 $0x1, s7;
	_ =	swait.ge [sflag:s15], $0x2800  }
0x169: {  	p0 =	sne.s32 s7, $0x5;
	[sflag:s15] =	ssyncset.done $0x0  }
.Ltmp4:
0x16a: {  	s0 =	sadd.s32 s10, s0;
	[sflag:s15] =	ssyncadd.s32 $0xFFFFD800;
	(pc) =	sbr.rel @p0 .LBB2_2-.Ltmp4, $4  }
0x16b: {  	[hbm4b:s0+s3] =	stream.linear.scatter [tilespmem:s28], [sflag:$0x5], $0x2800, $0x38;
	[tilespmem:$0x11000] =	vst v63  }
0x16c: {  	_ =	swait.ge [sflag:s15], $0x2800  }
0x16d: {  	[sflag:s15] =	ssyncset.done $0x0  }
0x16e: {  	[sflag:s15] =	ssyncadd.s32 $0xFFFFD800  }
0x16f: {  	s2 =	rddreg [dreg:$0xa]  }
0x170: {  	s0 =	rddreg [dreg:$0x9];
	s2 =	sadd.s32 $0x1, s2  }
0x171: {  	p0 =	sne.s32 s2, s0  }
.Ltmp5:
0x172: {  	_ = 	snop;
	(pc) =	sbr.rel @p0 .LBB2_1-.Ltmp5, $1  }
0x173: {  	_ =	sdelay $0x3  }
0x174: {  	_ =	sfence.sel $0x180000  }
0x175: {  	[bflag:$0x0] =	sbarrier.arrive $0xFFFF  }
0x176: {  	_ =	strace $0x9000004A  }
0x177: {  	s0 =	stileid.u32;
	[bflag:$0x2] =	sbarrier.arrive $0xFFFF  }
0x178: {  	p0 =	sne.s32 s0, $0x0;
	s0 =	rddreg [dreg:$0x3]  }
0x179: {  	s0 =	sadd.s32 @!p0 $0x100000, s0  }
0x17a: {  	[sflag:s0] =	ssyncadd.tile.s32 @!p0 $0x1;
	_ =	shalt  }
.Lfunc_end2:
_tile_overlayer_lowered:
.L_overlay_start_2:
0x17b: {  	(tag) =	ssettag $0x2  }
0x17c: {  	s0 =	rddreg [dreg:$0x0];
	s2 =	stileid.u32  }
0x17d: {  	s1 =	rddreg [dreg:$0x1];
	p0 =	sne.s32 s2, $0x0  }
0x17e: {  	s3 =	rddreg [dreg:$0x2];
	[bflag:$0x3] =	sbarrier.arrive $0xFFFF;
	s2 =	simm.s32 @!p0 $0x1C05  }
0x17f: {  	[timem:s3], [sflag:s2] =	dma.local @!p0 [hbm:s0], s1  }
0x180: {  	s0 =	simm.s32 @!p0 $0x5  }
0x181: {  	_ =	swait.ge @!p0 [sflag:s0], s1  }
0x182: {  	s1 =	ssub.s32 @!p0 $0x0, s1;
	[sflag:s0] =	ssyncset.done @!p0 $0x0  }
0x183: {  	[sflag:s0] =	ssyncadd.s32 @!p0 s1  }
0x184: {  	[bflag:$0x3] =	sbarrier.arrive $0xFFFF  }
0x185: {  	_ =	shalt  }

// kernel: kernel.16.cloned.1.call-start
scs
__scs_entry_jumppad:
0x0: {  	(pc) =	sbr.rel $0x88, $3  }
0x1: {  	(tag) =	ssettag $0x0;
	lr =	simm.s32 $0x1  }
0x2: {  	[smem:$0x3F8F] =	sst lr;
	_ =	strace $0xD0000000  }
0x3: {  	_ = 	snop  }
0x4: {  	_ = 	snop  }
0x5: {  	_ = 	snop  }
0x6: {  	_ = 	snop  }
0x7: {  	_ = 	snop  }
__scs_overlays_trampoline_lowered:
0x8: {  	[smem:$0x3F9E] =	sst s0  }
0x9: {  	[smem:$0x3F9F] =	sst s1  }
0xa: {  	[smem:$0x3FA0] =	sst s2  }
0xb: {  	[smem:$0x3FA1] =	sst s3  }
0xc: {  	[smem:$0x3FA2] =	sst s4  }
0xd: {  	[smem:$0x3FA3] =	sst s5  }
0xe: {  	[smem:$0x3FA4] =	sst s6  }
0xf: {  	[smem:$0x3FA5] =	sst s7  }
0x10: {  	[smem:$0x3FA6] =	sst s8  }
0x11: {  	[smem:$0x3FA7] =	sst s9;
	s0 =	simm.s32 @!p0 $0x0  }
0x12: {  	s1 =	sld [smem:$0x3F8D];
	s0 =	simm.s32 @p0 $0x1  }
0x13: {  	[smem:$0x3FA8] =	sst s0;
	s0 =	simm.s32 @!p1 $0x0  }
0x14: {  	s2 =	sld [smem:$0x3F8C];
	s0 =	simm.s32 @p1 $0x1  }
0x15: {  	[smem:$0x3FA9] =	sst s0;
	s0 =	simm.s32 @!p2 $0x0  }
0x16: {  	s3 =	sld [smem:$0x3FDB];
	s0 =	simm.s32 @p2 $0x1  }
0x17: {  	s4 =	simm.s32 $0x1BF5;
	[smem:$0x3FAB] =	sst s0  }
0x18: {  	s0 =	sld [smem:$0x3F8E];
	_ =	swait.ge [sflag:s4], $0x0  }
0x19: {  	s7 =	sld [smem:$0x3F8F]  }
0x1a: {  	s8 =	sadd.s32 $0xFFFFE003, lr  }
0x1b: {  	s9 =	sadd.s32 $0xFFFFFEF7, lr;
	s5 =	simm.s32 $0xFFFFFFFF;
	p2 =	slt.u32 s8, $0xFFFFF086  }
0x1c: {  	p1 =	slt.u32 s9, $0xF7A;
	s5 =	simm.s32 @!p2 $0x0  }
0x1d: {  	s5 =	simm.s32 @p1 $0x1;
	p0 =	seq.s32 s7, s2  }
0x1e: {  	s7 =	smul.u32 @!p0 $0xF7A, s2;
	p2 =	seq.s32 @!p0 s5, $0x0  }
0x1f: {  	s9 =	smul.u32 $0xF7A, s1;
	s8 =	simm.s32 @!p0 $0x1BF5;
	p2 =	por !p2, p0  }
0x20: {  	[sflag:s8] =	ssyncset.s32 @!p0 $0xFFFFF086;
	s6 =	sadd.s32 @!p0 s3, s7;
	s7 =	simm.s32 @!p0 $0x108  }
0x21: {  	s3 =	sadd.s32 s3, s9;
	s6 =	sadd.s32 @!p0 $0x88, s6;
	s7 =	simm.s32 @p2 $0x1082  }
0x22: {  	[simem:s7], [sflag:s8] =	dma.local @!p0 [hbm:s6], $0xF7A  }
0x23: {  	s9 =	sor.u32 $0xD0000000, s2;
	s6 =	simm.s32 $0x108;
	_ =	swait.ge @!p0 [sflag:s8], $0x0  }
0x24: {  	s3 =	sadd.s32 $0x88, s3;
	s6 =	simm.s32 @!p1 $0x1082;
	[sflag:s4] =	ssyncset.s32 $0xFFFFF086  }
0x25: {  	[simem:s6], [sflag:s4] =	dma.local [hbm:s3], $0xF7A  }
0x26: {  	[smem:$0x3F8F] =	sst s1;
	(tag) =	ssettag s2;
	_ =	strace s9  }
0x27: {  	s1 =	sld [smem:$0x3F9F]  }
0x28: {  	s2 =	sld [smem:$0x3FA0]  }
0x29: {  	s4 =	sld [smem:$0x3FA2]  }
0x2a: {  	p0 =	seq.s32 s5, $0x0;
	s5 =	sld [smem:$0x3FA3]  }
0x2b: {  	s6 =	sld [smem:$0x3FA4]  }
0x2c: {  	s7 =	sld [smem:$0x3FA5]  }
0x2d: {  	s3 =	simm.s32 $0x108;
	s8 =	sld [smem:$0x3FA6]  }
0x2e: {  	s3 =	simm.s32 @!p0 $0x1082;
	s9 =	sld [smem:$0x3FA7]  }
0x2f: {  	lr =	sadd.s32 s0, s3;
	s0 =	sld [smem:$0x3F9E]  }
0x30: {  	s3 =	sld [smem:$0x3FA1]  }
0x31: {  	[smem:$0x3FAA] =	sst s10  }
0x32: {  	s10 =	sld [smem:$0x3FA8];
	_ =	sdelay $0x3  }
0x33: {  	p0 =	seq.s32 s10, $0x1;
	s10 =	sld [smem:$0x3FAA];
	_ =	sdelay $0x3  }
0x34: {  	[smem:$0x3FAA] =	sst s10  }
0x35: {  	s10 =	sld [smem:$0x3FA9];
	_ =	sdelay $0x3  }
0x36: {  	p1 =	seq.s32 s10, $0x1;
	s10 =	sld [smem:$0x3FAA];
	_ =	sdelay $0x3  }
0x37: {  	[smem:$0x3FAA] =	sst s10  }
0x38: {  	s10 =	sld [smem:$0x3FAB]  }
0x39: {  	_ = 	snop;
	(pc) =	sbr.ind lr, $3  }
0x3a: {  	_ = 	snop  }
0x3b: {  	_ = 	snop  }
0x3c: {  	p2 =	seq.s32 s10, $0x1;
	s10 =	sld [smem:$0x3FAA]  }
0x3d: {  	_ =	shalt  }
0x3e: {  	_ =	shalt  }
0x3f: {  	_ =	shalt  }
0x40: {  	_ =	shalt  }
0x41: {  	_ =	shalt  }
0x42: {  	_ =	shalt  }
0x43: {  	_ =	shalt  }
0x44: {  	_ =	shalt  }
0x45: {  	_ =	shalt  }
0x46: {  	_ =	shalt  }
0x47: {  	_ =	shalt  }
0x48: {  	_ =	shalt  }
0x49: {  	_ =	shalt  }
0x4a: {  	_ =	shalt  }
0x4b: {  	_ =	shalt  }
0x4c: {  	_ =	shalt  }
0x4d: {  	_ =	shalt  }
0x4e: {  	_ =	shalt  }
0x4f: {  	_ =	shalt  }
0x50: {  	_ =	shalt  }
0x51: {  	_ =	shalt  }
0x52: {  	_ =	shalt  }
0x53: {  	_ =	shalt  }
0x54: {  	_ =	shalt  }
0x55: {  	_ =	shalt  }
0x56: {  	_ =	shalt  }
0x57: {  	_ =	shalt  }
0x58: {  	_ =	shalt  }
0x59: {  	_ =	shalt  }
0x5a: {  	_ =	shalt  }
0x5b: {  	_ =	shalt  }
0x5c: {  	_ =	shalt  }
0x5d: {  	_ =	shalt  }
0x5e: {  	_ =	shalt  }
0x5f: {  	_ =	shalt  }
0x60: {  	_ =	shalt  }
0x61: {  	_ =	shalt  }
0x62: {  	_ =	shalt  }
0x63: {  	_ =	shalt  }
0x64: {  	_ =	shalt  }
0x65: {  	_ =	shalt  }
0x66: {  	_ =	shalt  }
0x67: {  	_ =	shalt  }
0x68: {  	_ =	shalt  }
0x69: {  	_ =	shalt  }
0x6a: {  	_ =	shalt  }
0x6b: {  	_ =	shalt  }
0x6c: {  	_ =	shalt  }
0x6d: {  	_ =	shalt  }
0x6e: {  	_ =	shalt  }
0x6f: {  	_ =	shalt  }
0x70: {  	_ =	shalt  }
0x71: {  	_ =	shalt  }
0x72: {  	_ =	shalt  }
0x73: {  	_ =	shalt  }
0x74: {  	_ =	shalt  }
0x75: {  	_ =	shalt  }
0x76: {  	_ =	shalt  }
0x77: {  	_ =	shalt  }
0x78: {  	_ =	shalt  }
0x79: {  	_ =	shalt  }
0x7a: {  	_ =	shalt  }
0x7b: {  	_ =	shalt  }
0x7c: {  	_ =	shalt  }
0x7d: {  	_ =	shalt  }
0x7e: {  	_ =	shalt  }
0x7f: {  	_ =	shalt  }
0x80: {  	_ =	shalt  }
0x81: {  	_ =	shalt  }
0x82: {  	_ =	shalt  }
0x83: {  	_ =	shalt  }
0x84: {  	_ =	shalt  }
0x85: {  	_ =	shalt  }
0x86: {  	_ =	shalt  }
0x87: {  	_ =	shalt  }
.Lfunc_end0:
.L_simem_size_0:
called_computation.2_lowered:
.L_overlay_start_0:
0x88: {  	s2 =	sld [smem:$0x3FD9]  }
0x89: {  	s3 =	sld [smem:$0x3FFE];
	_ =	sdelay $0x1  }
0x8a: {  	s1 =	srdreg.scid  }
0x8b: {  	s0 =	sand.u32 $0x1, s1  }
0x8c: {  	s14 =	sshll.u32 s0, $0xA;
	s2 =	sadd.s32 s3, s2  }
0x8d: {  	s2 =	sadd.s32 s2, s14  }
0x8e: {  	[smem:$0x3FB6] =	sst s2  }
0x8f: {  	_ = 	snop  }
0x90: {  	s2 =	sld [smem:$0x3FD0];
	_ =	sdelay $0x2  }
0x91: {  	s15 =	simm.s32 $0xA;
	s4 =	simm.s32 $0x10  }
0x92: {  	[smem:s4], [sflag:s15] =	dma.local [hbm:s2], $0x1  }
0x93: {  	_ =	swait.eq [sflag:s15], $0x1  }
0x94: {  	[sflag:s15] =	ssyncset.done $0x0  }
0x95: {  	[sflag:s15] =	ssyncadd.s32 $0xFFFFFFFF  }
0x96: {  	s16 =	sld [smem:$0x10];
	(tm) =	ssettm $0x1  }
0x97: {  	s17 =	sld [smem:$0x3FFB];
	_ =	sdelay $0x3  }
0x98: {  	_ =	strace s17  }
0x99: {  	s3 =	sld [smem:$0x3FFC];
	_ =	sdelay $0x3  }
0x9a: {  	_ =	strace s3  }
0x9b: {  	s3 =	sld [smem:$0x3FFD];
	_ =	sdelay $0x3  }
0x9c: {  	_ =	strace s3  }
0x9d: {  	_ =	strace $0x8FFFFFFF  }
0x9e: {  	s18 =	sld [smem:$0x3FDB];
	_ =	sdelay $0x1  }
0x9f: {  	s19 =	simm.s32 $_scs_section_size  }
0xa0: {  	s5 =	simm.s32 $_size__tile_overlayer_lowered;
	s6 =	simm.s32 $_tile_overlayer_lowered  }
0xa1: {  	s22 =	simm.s32 $0x1BFF;
	s21 =	sshll.u32 s6, $0x1;
	s3 =	sadd.s32 s19, s18  }
0xa2: {  	s7 =	simm.s32 $0x0;
	s20 =	sshll.u32 s5, $0x1;
	s5 =	sadd.s32 s21, s3  }
0xa3: {  	[timem:s7], [sflag:s22] =	dma.local [hbm:s5], s20  }
0xa4: {  	_ =	swait.ge [sflag:s22], s20  }
0xa5: {  	s4 =	ssub.s32 $0x0, s20;
	[sflag:s22] =	ssyncset.done $0x0  }
0xa6: {  	[sflag:s22] =	ssyncadd.s32 s4;
	_ =	sdelay $0x1  }
0xa7: {  	s23 =	simm.s32 $0x1B8B  }
0xa8: {  	_ =	swait.ge [sflag:s23], $0x1  }
0xa9: {  	[sflag:s23] =	ssyncset.done $0x0  }
0xaa: {  	s25 =	simm.s32 $0x1B8E;
	s24 =	sld [smem:$0x3FFE];
	[sflag:s23] =	ssyncadd.s32 $0xFFFFFFFF  }
0xab: {  	s26 =	simm.s32 $execute0_lowered;
	[smem:$0x3FD2] =	sst s25  }
0xac: {  	s5 =	sshll.u32 s26, $0x1;
	_ =	strace $0x8000004C;
	[dreg:$0x1] =	wrdreg $0xFFFFFFFF  }
0xad: {  	s28 =	simm.s32 $_size_execute0_lowered;
	s3 =	sadd.s32 s3, s5;
	[dreg:$0x0] =	wrdreg $0x0  }
0xae: {  	s5 =	sshll.u32 s28, $0x1;
	[dreg:$0x2] =	wrdreg s3  }
0xaf: {  	[dreg:$0x3] =	wrdreg s5  }
0xb0: {  	[dreg:$0x4] =	wrdreg $0xC0  }
0xb1: {  	_ =	task [dreg:s7], $0x5FFFF  }
0xb2: {  	[dreg:$0x1] =	wrdreg $0xFFFFFFFF  }
0xb3: {  	[dreg:$0x0] =	wrdreg $0x60  }
0xb4: {  	[dreg:$0x2] =	wrdreg s24  }
0xb5: {  	[dreg:$0x3] =	wrdreg s16  }
0xb6: {  	[dreg:$0x4] =	wrdreg $0x80000  }
0xb7: {  	[dreg:$0x5] =	wrdreg $0x9  }
0xb8: {  	_ =	task.clear_ibuf [dreg:s7], $0x6FFFF;
	_ =	strace $0x9000004C  }
0xb9: {  	s29 =	simm.s32 $0x9;
	_ =	strace $0x8000004E  }
0xba: {  	_ =	swait.ge [sflag:s29], $0x1  }
0xbb: {  	[sflag:s29] =	ssyncadd.s32 $0xFFFFFFFF  }
0xbc: {  	_ =	strace $0x9000004E  }
0xbd: {  	_ =	sfence  }
0xbe: {  	s30 =	sld [smem:$0x0];
	_ =	sdelay $0x2  }
0xbf: {  	s31 =	sshll.u32 s1, $0xD;
	s1 =	sshrl.u32 s1, $0x2  }
0xc0: {  	s3 =	sand.u32 $0x4000, s31;
	s1 =	sadd.s32 s1, s30  }
0xc1: {  	s0 =	sor.u32 s3, s0;
	s1 =	sshll.u32 s1, $0x11  }
0xc2: {  	s0 =	sor.u32 s1, s0  }
0xc3: {  	s0 =	sadd.s32 $0x8F2B, s0  }
0xc4: {  	[sflag:s0] =	ssyncadd.remote.s32 $0x1  }
0xc5: {  	_ =	sfence.sel $0xFFFF  }
0xc6: {  	[dreg:$0x0] =	wrdreg $0xFFFFFFFF;
	(pc) =	sbr.abs _section_cstart, $3  }
0xc7: {  	[dreg:$0x1] =	wrdreg $0xFFFFFFFF  }
0xc8: {  	_ =	task.clear_ibuf [dreg:s7], $0x2FFFF;
	_ =	strace $0x9FFFFFFF  }
0xc9: {  	(tm) =	ssettm $0x7FFFFFFF  }
tec
execute0_lowered:
.L_overlay_start_1:
0x0: {  	(tag) =	ssettag $0x1  }
0x1: {  	s0 =	rddreg [dreg:$0x0]  }
0x2: {  	s1 =	rddreg [dreg:$0x1]  }
0x3: {  	s2 =	rddreg [dreg:$0x2];
	s16 =	simm.s32 $0x0  }
0x4: {  	s6 =	srdreg.scid;
	s3 =	stileid.u32;
	s28 =	simm.s32 $0x800  }
0x5: {  	s29 =	simm.s32 $0x1800;
	s30 =	simm.s32 $0x2800;
	s31 =	simm.s32 $0x1000  }
0x6: {  	[smem:$0x7FF] =	sst s16;
	s4 =	sadd.s32 $0x2A9000, s0;
	s5 =	sadd.s32 $0x4000, s0  }
0x7: {  	s7 =	sadd.s32 $0x14000, s0;
	s6 =	sand.u32 $0x1, s6;
	s9 =	smul.u32 $0x4E000, s3  }
0x8: {  	s8 =	sadd.s32 $0x24000, s0;
	s0 =	sadd.s32 $0x38000, s0;
	s13 =	smul.u32 $0x13800, s3  }
0x9: {  	s18 =	sadd.s32 $0x138000, s2;
	p0 =	sne.s32 s3, $0x0;
	_ =	strace $0x8000004D  }
0xa: {  	s10 =	ssub.s32 $0x2, s6;
	s12 =	smul.u32 $0x138800, s6;
	s6 =	sshll.u32 s6, $0x4  }
0xb: {  	[dreg:$0x7] =	wrdreg s18;
	s11 =	sshrl.u32 s10, $0x1;
	s9 =	sshrl.u32 s9, $0x2  }
0xc: {  	s6 =	sor.u32 s3, s6;
	s17 =	sadd.s32 s9, s2;
	s10 =	ssub.s32 s10, s11  }
0xd: {  	s9 =	sadd.s32 s13, s12;
	s15 =	sshrl.u32 s12, $0x3;
	s12 =	sshll.u32 s6, $0xB  }
0xe: {  	s13 =	smul.u32 $0x5000, s6;
	s14 =	sadd.s32 $0x11800, s17;
	[dreg:$0x5] =	wrdreg s17  }
0xf: {  	s6 =	simm.s32 $0x5800;
	s20 =	smax.u32 s10, $0x1;
	[dreg:$0x6] =	wrdreg s14  }
0x10: {  	s9 =	sshrl.u32 s9, $0x3;
	s21 =	sadd.s32 $0x2800, s17;
	[dreg:$0xa] =	wrdreg s20  }
0x11: {  	s11 =	sadd.s32 s0, s15;
	s22 =	sadd.s32 $0x5000, s17;
	[dreg:$0xb] =	wrdreg s21  }
0x12: {  	s23 =	sadd.s32 $0x7800, s17;
	s24 =	sadd.s32 $0xA000, s17;
	[dreg:$0xc] =	wrdreg s22  }
0x13: {  	s25 =	sadd.s32 $0xC800, s17;
	s26 =	sadd.s32 $0xF000, s17;
	[dreg:$0xd] =	wrdreg s23  }
0x14: {  	s10 =	simm.s32 $0x1;
	s15 =	simm.s32 $0x2400;
	[dreg:$0xe] =	wrdreg s24  }
0x15: {  	s0 =	sadd.s32 s0, s9;
	s19 =	sadd.s32 $0x27000, s11;
	[dreg:$0xf] =	wrdreg s25  }
0x16: {  	[dreg:$0x10] =	wrdreg s26;
	s23 =	simm.s32 $0x3000;
	s24 =	simm.s32 $0x3  }
0x17: {  	s25 =	simm.s32 $0x80;
	s26 =	simm.s32 $0x400;
	[dreg:$0x8] =	wrdreg s0  }
0x18: {  	v0 =	vimm.f32 $0.0e+00;
	s14 =	simm.s32 $0x2;
	[dreg:$0x9] =	wrdreg s19;
	s0 =	simm.s32 $0x50  }
.LBB2_1:
0x19: {  	[dreg:$0x4] =	wrdreg s16;
	s9 =	simm.s32 $0x0;
	s11 =	simm.s32 $0x200  }
.LBB2_2:
0x1a: {  	p1 =	sne.s32 s11, $0x9E00;
	[tilespmem:s9+$0x3070] =	vst v0  }
0x1b: {  	[tilespmem:s9+$0x3000] =	vst v0  }
0x1c: {  	[tilespmem:s9+$0x3010] =	vst v0  }
.Ltmp0:
0x1d: {  	[tilespmem:s9+$0x3020] =	vst v0;
	(pc) =	sbr.rel @p1 .LBB2_2-.Ltmp0, $4  }
0x1e: {  	[tilespmem:s9+$0x3030] =	vst v0  }
0x1f: {  	[tilespmem:s9+$0x3040] =	vst v0  }
0x20: {  	[tilespmem:s9+$0x3050] =	vst v0  }
0x21: {  	[tilespmem:s9+$0x3060] =	vst v0;
	s9 =	sshra.s32 s11, $0x2;
	s11 =	sadd.s32 $0x200, s11  }
0x22: {  	[tilespmem:s9+$0x3070] =	vst v0  }
0x23: {  	[tilespmem:s9+$0x3000] =	vst v0  }
0x24: {  	[tilespmem:s9+$0x3010] =	vst v0  }
0x25: {  	[tilespmem:s9+$0x3020] =	vst v0  }
0x26: {  	[tilespmem:s9+$0x3030] =	vst v0  }
0x27: {  	[tilespmem:s9+$0x3040] =	vst v0  }
0x28: {  	[tilespmem:s9+$0x3050] =	vst v0  }
0x29: {  	[tilespmem:s9+$0x3060] =	vst v0  }
0x2a: {  	[spmem:s17] =	stream.linear.scatter [tilespmem:s23], [sflag:$0x3], $0x2800, $0x38;
	[tilespmem:$0x1B880] =	vst v63  }
0x2b: {  	_ =	swait.ge [sflag:s24], $0x2800  }
0x2c: {  	[sflag:s24] =	ssyncset.done $0x0  }
0x2d: {  	s3 =	rddreg [dreg:$0xb];
	[sflag:s24] =	ssyncadd.s32 $0xFFFFD800  }
0x2e: {  	[spmem:s3] =	stream.linear.scatter [tilespmem:s23], [sflag:$0x3], $0x2800, $0x38;
	[tilespmem:$0x1B880] =	vst v63  }
0x2f: {  	_ =	swait.ge [sflag:s24], $0x2800  }
0x30: {  	[sflag:s24] =	ssyncset.done $0x0  }
0x31: {  	s16 =	rddreg [dreg:$0xc];
	[sflag:s24] =	ssyncadd.s32 $0xFFFFD800  }
0x32: {  	[spmem:s16] =	stream.linear.scatter [tilespmem:s23], [sflag:$0x3], $0x2800, $0x38;
	[tilespmem:$0x1B880] =	vst v63  }
0x33: {  	_ =	swait.ge [sflag:s24], $0x2800  }
0x34: {  	[sflag:s24] =	ssyncset.done $0x0  }
0x35: {  	s17 =	rddreg [dreg:$0xd];
	[sflag:s24] =	ssyncadd.s32 $0xFFFFD800  }
0x36: {  	[spmem:s17] =	stream.linear.scatter [tilespmem:s23], [sflag:$0x3], $0x2800, $0x38;
	[tilespmem:$0x1B880] =	vst v63  }
0x37: {  	_ =	swait.ge [sflag:s24], $0x2800  }
0x38: {  	[sflag:s24] =	ssyncset.done $0x0  }
0x39: {  	s19 =	rddreg [dreg:$0xe];
	[sflag:s24] =	ssyncadd.s32 $0xFFFFD800  }
0x3a: {  	[spmem:s19] =	stream.linear.scatter [tilespmem:s23], [sflag:$0x3], $0x2800, $0x38;
	[tilespmem:$0x1B880] =	vst v63  }
0x3b: {  	_ =	swait.ge [sflag:s24], $0x2800  }
0x3c: {  	[sflag:s24] =	ssyncset.done $0x0  }
0x3d: {  	s20 =	rddreg [dreg:$0xf];
	[sflag:s24] =	ssyncadd.s32 $0xFFFFD800  }
0x3e: {  	[spmem:s20] =	stream.linear.scatter [tilespmem:s23], [sflag:$0x3], $0x2800, $0x38;
	[tilespmem:$0x1B880] =	vst v63  }
0x3f: {  	_ =	swait.ge [sflag:s24], $0x2800  }
0x40: {  	[sflag:s24] =	ssyncset.done $0x0  }
0x41: {  	s21 =	rddreg [dreg:$0x10];
	[sflag:s24] =	ssyncadd.s32 $0xFFFFD800  }
0x42: {  	[spmem:s21] =	stream.linear.scatter [tilespmem:s23], [sflag:$0x3], $0x2800, $0x38;
	[tilespmem:$0x1B880] =	vst v63  }
0x43: {  	_ =	swait.ge [sflag:s24], $0x2800  }
0x44: {  	[sflag:s24] =	ssyncset.done $0x0  }
0x45: {  	s22 =	rddreg [dreg:$0x6];
	[sflag:s24] =	ssyncadd.s32 $0xFFFFD800  }
0x46: {  	[spmem:s22] =	stream.linear.scatter [tilespmem:s23], [sflag:$0x3], $0x2000, $0x38;
	[tilespmem:$0x1B880] =	vst v63  }
0x47: {  	_ =	swait.ge [sflag:s24], $0x2000  }
0x48: {  	[sflag:s24] =	ssyncset.done $0x0  }
0x49: {  	s9 =	simm.s32 @!p0 $0x3000;
	[sflag:s24] =	ssyncadd.s32 $0xFFFFE000  }
0x4a: {  	[spmem:s18] =	stream.linear.scatter @!p0 [tilespmem:s9], [sflag:$0x3], $0x800, $0x38;
	[tilespmem:$0x1B880] =	vst v63  }
0x4b: {  	s9 =	simm.s32 @!p0 $0x3  }
0x4c: {  	_ =	swait.ge @!p0 [sflag:s9], $0x800  }
0x4d: {  	[sflag:s9] =	ssyncset.done @!p0 $0x0  }
0x4e: {  	[sflag:s9] =	ssyncadd.s32 @!p0 $0xFFFFF800  }
0x4f: {  	s16 =	simm.s32 $0x0;
	s17 =	simm.s32 $0x0;
	[bflag:$0x0] =	sbarrier.arrive $0xFFFF  }
.LBB2_4:
0x50: {  	s9 =	sshll.u32 s17, $0x4  }
0x51: {  	s9 =	sadd.s32 s12, s9  }
0x52: {  	s11 =	sadd.s32 s5, s9  }
0x53: {  	[tilespmem:s16], [sflag:$0x3] =	stream.strided.gather [hbm4b:s11+s25], $0x800, s26, s25, $0x38;
	[tilespmem:$0x1B880] =	vst v63  }
0x54: {  	_ =	swait.ge [sflag:s24], $0x800  }
0x55: {  	[sflag:s24] =	ssyncset.done $0x0  }
0x56: {  	s22 =	sshll.u32 s17, $0xC;
	s21 =	sadd.s32 s7, s9;
	[sflag:s24] =	ssyncadd.s32 $0xFFFFF800  }
0x57: {  	[tilespmem:s28], [sflag:$0x3] =	stream.strided.gather [hbm4b:s21+s25], $0x800, s26, s25, $0x38;
	[tilespmem:$0x1B880] =	vst v63  }
0x58: {  	s11 =	sadd.s32 s13, s22;
	_ =	swait.ge [sflag:s24], $0x800  }
0x59: {  	s11 =	sshrl.u32 s11, $0x3;
	[sflag:s24] =	ssyncset.done $0x0  }
0x5a: {  	s11 =	sadd.s32 s8, s11;
	[sflag:s24] =	ssyncadd.s32 $0xFFFFF800  }
0x5b: {  	[tilespmem:s29], [sflag:$0x3] =	stream.linear.gather [hbm4b:s11+s16], $0xC80, $0x38;
	[tilespmem:$0x1B880] =	vst v63  }
0x5c: {  	_ =	swait.ge [sflag:s24], $0xC80  }
0x5d: {  	[sflag:s24] =	ssyncset.done $0x0  }
0x5e: {  	s9 =	sadd.s32 s1, s9;
	[sflag:s24] =	ssyncadd.s32 $0xFFFFF380  }
0x5f: {  	[tilespmem:s30], [sflag:$0x3] =	stream.strided.gather [hbm4b:s9+s25], $0x800, s26, s25, $0x38;
	[tilespmem:$0x1B880] =	vst v63  }
0x60: {  	_ =	swait.ge [sflag:s24], $0x800  }
0x61: {  	[sflag:s24] =	ssyncset.done $0x0  }
0x62: {  	s9 =	simm.s32 $0x0;
	[sflag:s24] =	ssyncadd.s32 $0xFFFFF800  }
0x63: {  	v1 =	vld [tilespmem:s9+$0x800]  }
0x64: {  	s11 =	simm.s32 $0x40;
	v2 =	vld [tilespmem:s9+$0x0]  }
.LBB2_5:
0x65: {  	_ = 	snop  }
0x66: {  	p1 =	sne.s32 s11, $0x1F00  }
.Ltmp1:
0x67: {  	_ = 	snop;
	(pc) =	sbr.rel @p1 .LBB2_5-.Ltmp1, $4  }
0x68: {  	v3 =	vmul.u32 $0x2710, v1  }
0x69: {  	s18 =	sshra.s32 s11, $0x2  }
0x6a: {  	v1 =	vld [tilespmem:s18+$0x800];
	v3 =	vadd.s32 v2, v3  }
0x6b: {  	s11 =	sadd.s32 $0x40, s11;
	v2 =	vld [tilespmem:s18+$0x0];
	[tilespmem:s9+$0x1000] =	vst v3;
	s9 =	smov.u32 s18  }
0x6c: {  	_ =	sdelay $0x2  }
0x6d: {  	v1 =	vmul.u32 $0x2710, v1;
	_ =	sdelay $0x1  }
0x6e: {  	v1 =	vadd.s32 v2, v1  }
0x6f: {  	s18 =	simm.s32 $0x50;
	s19 =	simm.s32 $0x0;
	s20 =	simm.s32 $0x0;
	[tilespmem:s9+$0x1000] =	vst v1  }
0x70: {  	[tilespmem:s23], [sflag:$0x1] =	stream.indirect.gather [hbm4b:s4+s18], $0x80, s31, s18, $0xb8;
	[tilespmem:$0x1B880] =	vst v63  }
.LBB2_7:
0x71: {  	s21 =	sshllo.u32 s20, $0x1  }
0x72: {  	s9 =	smul.u32 $0x50, s21;
	_ =	sdelay $0x1  }
0x73: {  	s9 =	sadd.s32 $0x1000, s9  }
0x74: {  	[tilespmem:s6], [sflag:$0x2] =	stream.indirect.gather [hbm4b:s4+s0], $0x80, s9, s0, $0xb8;
	[tilespmem:$0x1B880] =	vst v63  }
0x75: {  	s22 =	sadd.s32 $0x0, s19;
	_ =	swait.ge [sflag:s10], $0x2800  }
0x76: {  	v1 =	vmov s22;
	[sflag:s10] =	ssyncset.done $0x0  }
0x77: {  	s22 =	simm.s32 $0x3040;
	[sflag:s10] =	ssyncadd.s32 $0xFFFFD800  }
0x78: {  	v5 =	vld [tilespmem:s22+$0x30]  }
0x79: {  	v8 =	vld [tilespmem:s22+$0x10]  }
0x7a: {  	v6 =	vld [tilespmem:s22+$0xFFFFFFC0]  }
0x7b: {  	v2 =	vld.idx.msk [tilespmem:v1+s30+$0x0], $0xffff  }
0x7c: {  	v10 =	vld [tilespmem:s22+$0xFFFFFFE0]  }
0x7d: {  	v1 =	vld [tilespmem:s22+$0xFFFFFFF0]  }
0x7e: {  	v3 =	vld [tilespmem:s22+$0x20]  }
0x7f: {  	v4 =	vld [tilespmem:s22+$0xFFFFFFD0]  }
0x80: {  	v9 =	vmul.f32 v5, v2;
	v5 =	vld [tilespmem:s22+$0x0]  }
0x81: {  	v7 =	vmul.f32 v6, v2  }
0x82: {  	s11 =	simm.s32 $0x1;
	s9 =	simm.s32 $0x3040;
	v6 =	vmul.f32 v10, v2;
	v8 =	vmul.f32 v8, v2  }
.LBB2_8:
0x83: {  	p1 =	sne.s32 s11, $0x4F  }
0x84: {  	v4 =	vmul.f32 v4, v2;
	v3 =	vmul.f32 v3, v2;
	[tilespmem:s22+$0x30] =	vst v9;
	s9 =	sadd.s32 $0x80, s9;
	s3 =	smov.u32 s11;
	s11 =	sadd.s32 $0x1, s11  }
0x85: {  	[tilespmem:s22+$0xFFFFFFC0] =	vst v7;
	v7 =	vmul.f32 v1, v2;
	v2 =	vmul.f32 v5, v2  }
0x86: {  	s3 =	sadd.s32 s3, s19;
	[tilespmem:s22+$0x10] =	vst v8  }
0x87: {  	v5 =	vmov s3;
	[tilespmem:s22+$0xFFFFFFE0] =	vst v6  }
0x88: {  	v1 =	vld [tilespmem:s9+$0xFFFFFFF0];
	[tilespmem:s22+$0xFFFFFFF0] =	vst v7  }
0x89: {  	v6 =	vld [tilespmem:s9+$0x30];
	[tilespmem:s22+$0x0] =	vst v2  }
0x8a: {  	v8 =	vld [tilespmem:s9+$0x10];
	[tilespmem:s22+$0x20] =	vst v3  }
0x8b: {  	v7 =	vld [tilespmem:s9+$0xFFFFFFC0];
	[tilespmem:s22+$0xFFFFFFD0] =	vst v4;
	s22 =	smov.u32 s9  }
0x8c: {  	v2 =	vld.idx.msk [tilespmem:v5+s30+$0x0], $0xffff  }
0x8d: {  	v10 =	vld [tilespmem:s9+$0xFFFFFFE0]  }
0x8e: {  	v3 =	vld [tilespmem:s9+$0x20]  }
.Ltmp2:
0x8f: {  	v4 =	vld [tilespmem:s9+$0xFFFFFFD0];
	(pc) =	sbr.rel @p1 .LBB2_8-.Ltmp2, $3  }
0x90: {  	v5 =	vld [tilespmem:s9+$0x0];
	_ =	sdelay $0x1  }
0x91: {  	v7 =	vmul.f32 v7, v2;
	v9 =	vmul.f32 v6, v2  }
0x92: {  	v8 =	vmul.f32 v8, v2;
	v6 =	vmul.f32 v10, v2  }
0x93: {  	[tilespmem:s22+$0x30] =	vst v9  }
0x94: {  	[tilespmem:s22+$0xFFFFFFC0] =	vst v7  }
0x95: {  	v1 =	vmul.f32 v1, v2;
	[tilespmem:s22+$0x10] =	vst v8  }
0x96: {  	v3 =	vmul.f32 v3, v2;
	[tilespmem:s22+$0xFFFFFFE0] =	vst v6  }
0x97: {  	v5 =	vmul.f32 v5, v2;
	[tilespmem:s22+$0xFFFFFFF0] =	vst v1  }
0x98: {  	s3 =	sshll.u32 s20, $0x8;
	v1 =	vmul.f32 v4, v2;
	[tilespmem:s22+$0x20] =	vst v3  }
0x99: {  	s3 =	sand.u32 $0x3FFFFF00, s3;
	[tilespmem:s22+$0x0] =	vst v5  }
0x9a: {  	s11 =	smul.u32 $0x280, s20;
	s3 =	sadd.s32 $0x1800, s3;
	[tilespmem:s22+$0xFFFFFFD0] =	vst v1  }
0x9b: {  	[spmem:s2] =	stream.indirect.scatter.add.f32 [tilespmem:s23], [sflag:$0x3], $0x80, s3, s0, $0xb8;
	[tilespmem:$0x1B880] =	vst v63  }
0x9c: {  	_ =	swait.ge [sflag:s24], $0x2800  }
0x9d: {  	s3 =	sshra.s32 s11, $0x2;
	[sflag:s24] =	ssyncset.done $0x0  }
0x9e: {  	s3 =	sadd.s32 $0x10A0, s3;
	[sflag:s24] =	ssyncadd.s32 $0xFFFFD800  }
0x9f: {  	[tilespmem:s23], [sflag:$0x1] =	stream.indirect.gather [hbm4b:s4+s0], $0x80, s3, s0, $0xb8;
	[tilespmem:$0x1B880] =	vst v63  }
0xa0: {  	s22 =	sadd.s32 $0x0, s18;
	_ =	swait.ge [sflag:s14], $0x2800  }
0xa1: {  	v1 =	vmov s22;
	[sflag:s14] =	ssyncset.done $0x0  }
0xa2: {  	s22 =	simm.s32 $0x5840;
	[sflag:s14] =	ssyncadd.s32 $0xFFFFD800  }
0xa3: {  	v5 =	vld [tilespmem:s22+$0x30]  }
0xa4: {  	v8 =	vld [tilespmem:s22+$0x10]  }
0xa5: {  	v6 =	vld [tilespmem:s22+$0xFFFFFFC0]  }
0xa6: {  	v2 =	vld.idx.msk [tilespmem:v1+s30+$0x0], $0xffff  }
0xa7: {  	v10 =	vld [tilespmem:s22+$0xFFFFFFE0]  }
0xa8: {  	v1 =	vld [tilespmem:s22+$0xFFFFFFF0]  }
0xa9: {  	v3 =	vld [tilespmem:s22+$0x20]  }
0xaa: {  	v4 =	vld [tilespmem:s22+$0xFFFFFFD0]  }
0xab: {  	v9 =	vmul.f32 v5, v2;
	v5 =	vld [tilespmem:s22+$0x0]  }
0xac: {  	v7 =	vmul.f32 v6, v2  }
0xad: {  	s9 =	simm.s32 $0x5840;
	s11 =	simm.s32 $0x1;
	v6 =	vmul.f32 v10, v2;
	v8 =	vmul.f32 v8, v2  }
.LBB2_10:
0xae: {  	p1 =	sne.s32 s11, $0x4F  }
0xaf: {  	v4 =	vmul.f32 v4, v2;
	v3 =	vmul.f32 v3, v2;
	[tilespmem:s22+$0x30] =	vst v9;
	s9 =	sadd.s32 $0x80, s9;
	s3 =	smov.u32 s11;
	s11 =	sadd.s32 $0x1, s11  }
0xb0: {  	[tilespmem:s22+$0xFFFFFFC0] =	vst v7;
	v7 =	vmul.f32 v1, v2;
	v2 =	vmul.f32 v5, v2  }
0xb1: {  	s3 =	sadd.s32 s3, s18;
	[tilespmem:s22+$0x10] =	vst v8  }
0xb2: {  	v5 =	vmov s3;
	[tilespmem:s22+$0xFFFFFFE0] =	vst v6  }
0xb3: {  	v1 =	vld [tilespmem:s9+$0xFFFFFFF0];
	[tilespmem:s22+$0xFFFFFFF0] =	vst v7  }
0xb4: {  	v6 =	vld [tilespmem:s9+$0x30];
	[tilespmem:s22+$0x0] =	vst v2  }
0xb5: {  	v8 =	vld [tilespmem:s9+$0x10];
	[tilespmem:s22+$0x20] =	vst v3  }
0xb6: {  	v7 =	vld [tilespmem:s9+$0xFFFFFFC0];
	[tilespmem:s22+$0xFFFFFFD0] =	vst v4;
	s22 =	smov.u32 s9  }
0xb7: {  	v2 =	vld.idx.msk [tilespmem:v5+s30+$0x0], $0xffff  }
0xb8: {  	v10 =	vld [tilespmem:s9+$0xFFFFFFE0]  }
0xb9: {  	v3 =	vld [tilespmem:s9+$0x20]  }
.Ltmp3:
0xba: {  	v4 =	vld [tilespmem:s9+$0xFFFFFFD0];
	(pc) =	sbr.rel @p1 .LBB2_10-.Ltmp3, $3  }
0xbb: {  	v5 =	vld [tilespmem:s9+$0x0];
	_ =	sdelay $0x1  }
0xbc: {  	v7 =	vmul.f32 v7, v2;
	v9 =	vmul.f32 v6, v2  }
0xbd: {  	v8 =	vmul.f32 v8, v2;
	v6 =	vmul.f32 v10, v2  }
0xbe: {  	[tilespmem:s22+$0x30] =	vst v9  }
0xbf: {  	[tilespmem:s22+$0xFFFFFFC0] =	vst v7  }
0xc0: {  	v1 =	vmul.f32 v1, v2;
	[tilespmem:s22+$0x10] =	vst v8  }
0xc1: {  	v3 =	vmul.f32 v3, v2;
	[tilespmem:s22+$0xFFFFFFE0] =	vst v6  }
0xc2: {  	v5 =	vmul.f32 v5, v2;
	[tilespmem:s22+$0xFFFFFFF0] =	vst v1  }
0xc3: {  	s3 =	sshll.u32 s21, $0x7;
	s20 =	sadd.s32 $0x1, s20;
	v1 =	vmul.f32 v4, v2;
	[tilespmem:s22+$0x20] =	vst v3  }
0xc4: {  	s3 =	sand.u32 $0x3FFFFF80, s3;
	p1 =	sne.s32 s20, $0xC;
	[tilespmem:s22+$0x0] =	vst v5  }
.Ltmp4:
0xc5: {  	s3 =	sadd.s32 $0x1800, s3;
	[tilespmem:s22+$0xFFFFFFD0] =	vst v1;
	(pc) =	sbr.rel @p1 .LBB2_7-.Ltmp4, $4  }
0xc6: {  	[spmem:s2] =	stream.indirect.scatter.add.f32 [tilespmem:s6], [sflag:$0x3], $0x80, s3, s0, $0xb8;
	[tilespmem:$0x1B880] =	vst v63  }
0xc7: {  	_ =	swait.ge [sflag:s24], $0x2800  }
0xc8: {  	[sflag:s24] =	ssyncset.done $0x0  }
0xc9: {  	s19 =	sadd.s32 $0xA0, s19;
	s18 =	sadd.s32 $0xA0, s18;
	[sflag:s24] =	ssyncadd.s32 $0xFFFFD800  }
0xca: {  	_ =	swait.ge [sflag:s10], $0x2800;
	s3 =	simm.s32 $0x780  }
0xcb: {  	[sflag:s10] =	ssyncset.done $0x0;
	v1 =	vmov s3  }
0xcc: {  	s18 =	simm.s32 $0x3040;
	[sflag:s10] =	ssyncadd.s32 $0xFFFFD800  }
0xcd: {  	v5 =	vld [tilespmem:s18+$0x30]  }
0xce: {  	v8 =	vld [tilespmem:s18+$0x10]  }
0xcf: {  	v6 =	vld [tilespmem:s18+$0xFFFFFFC0]  }
0xd0: {  	v2 =	vld.idx.msk [tilespmem:v1+s30+$0x0], $0xffff  }
0xd1: {  	v10 =	vld [tilespmem:s18+$0xFFFFFFE0]  }
0xd2: {  	v3 =	vld [tilespmem:s18+$0x20]  }
0xd3: {  	v4 =	vld [tilespmem:s18+$0xFFFFFFD0]  }
0xd4: {  	v1 =	vld [tilespmem:s18+$0xFFFFFFF0]  }
0xd5: {  	v9 =	vmul.f32 v5, v2;
	v5 =	vld [tilespmem:s18+$0x0]  }
0xd6: {  	v7 =	vmul.f32 v6, v2  }
0xd7: {  	s11 =	simm.s32 $0x781;
	s9 =	simm.s32 $0x3040;
	v6 =	vmul.f32 v10, v2;
	v8 =	vmul.f32 v8, v2  }
.LBB2_13:
0xd8: {  	p1 =	sne.s32 s11, $0x7CF  }
0xd9: {  	v4 =	vmul.f32 v4, v2;
	v3 =	vmul.f32 v3, v2;
	[tilespmem:s18+$0x30] =	vst v9;
	s9 =	sadd.s32 $0x80, s9;
	s3 =	smov.u32 s11;
	s11 =	sadd.s32 $0x1, s11  }
0xda: {  	[tilespmem:s18+$0xFFFFFFC0] =	vst v7;
	v7 =	vmul.f32 v1, v2;
	v2 =	vmul.f32 v5, v2  }
0xdb: {  	[tilespmem:s18+$0x10] =	vst v8  }
0xdc: {  	v5 =	vmov s3;
	[tilespmem:s18+$0xFFFFFFE0] =	vst v6  }
0xdd: {  	v1 =	vld [tilespmem:s9+$0xFFFFFFF0];
	[tilespmem:s18+$0xFFFFFFF0] =	vst v7  }
0xde: {  	v6 =	vld [tilespmem:s9+$0x30];
	[tilespmem:s18+$0x0] =	vst v2  }
0xdf: {  	v8 =	vld [tilespmem:s9+$0x10];
	[tilespmem:s18+$0x20] =	vst v3  }
0xe0: {  	v7 =	vld [tilespmem:s9+$0xFFFFFFC0];
	[tilespmem:s18+$0xFFFFFFD0] =	vst v4;
	s18 =	smov.u32 s9  }
0xe1: {  	v2 =	vld.idx.msk [tilespmem:v5+s30+$0x0], $0xffff  }
0xe2: {  	v10 =	vld [tilespmem:s9+$0xFFFFFFE0]  }
0xe3: {  	v3 =	vld [tilespmem:s9+$0x20]  }
.Ltmp5:
0xe4: {  	v4 =	vld [tilespmem:s9+$0xFFFFFFD0];
	(pc) =	sbr.rel @p1 .LBB2_13-.Ltmp5, $3  }
0xe5: {  	v5 =	vld [tilespmem:s9+$0x0];
	_ =	sdelay $0x1  }
0xe6: {  	v7 =	vmul.f32 v7, v2;
	v9 =	vmul.f32 v6, v2  }
0xe7: {  	v8 =	vmul.f32 v8, v2;
	v6 =	vmul.f32 v10, v2  }
0xe8: {  	[tilespmem:s18+$0x30] =	vst v9  }
0xe9: {  	[tilespmem:s18+$0xFFFFFFC0] =	vst v7  }
0xea: {  	v1 =	vmul.f32 v1, v2;
	[tilespmem:s18+$0x10] =	vst v8  }
0xeb: {  	v3 =	vmul.f32 v3, v2;
	[tilespmem:s18+$0xFFFFFFE0] =	vst v6  }
0xec: {  	v5 =	vmul.f32 v5, v2;
	[tilespmem:s18+$0xFFFFFFF0] =	vst v1  }
0xed: {  	s17 =	sadd.s32 $0x1, s17;
	v1 =	vmul.f32 v4, v2;
	[tilespmem:s18+$0x20] =	vst v3  }
0xee: {  	p1 =	sne.s32 s17, $0x5;
	[tilespmem:s18+$0x0] =	vst v5  }
.Ltmp6:
0xef: {  	[tilespmem:s18+$0xFFFFFFD0] =	vst v1;
	(pc) =	sbr.rel @p1 .LBB2_4-.Ltmp6, $4  }
0xf0: {  	[spmem:s2] =	stream.indirect.scatter.add.f32 [tilespmem:s23], [sflag:$0x3], $0x80, s15, s0, $0xb8;
	[tilespmem:$0x1B880] =	vst v63  }
0xf1: {  	_ =	swait.ge [sflag:s24], $0x2800  }
0xf2: {  	[sflag:s24] =	ssyncset.done $0x0  }
0xf3: {  	[sflag:s24] =	ssyncadd.s32 $0xFFFFD800  }
0xf4: {  	s3 =	stileid.u32;
	[bflag:$0x0] =	sbarrier.arrive $0xFFFF  }
0xf5: {  	s3 =	sshll.u32 s3, $0x6;
	s17 =	rddreg [dreg:$0x5]  }
0xf6: {  	s11 =	rddreg [dreg:$0x8];
	s3 =	sor.u32 $0x1C03, s3;
	s9 =	sshrl.u32 s17, $0x3  }
0xf7: {  	[hbm:s11], [sflag:s3] =	dma.local [spmem:s9], $0x2700  }
0xf8: {  	_ =	swait.ge [sflag:s24], $0x2700  }
0xf9: {  	[sflag:s24] =	ssyncset.done $0x0;
	s18 =	rddreg [dreg:$0x7]  }
0xfa: {  	s11 =	rddreg [dreg:$0x9];
	[sflag:s24] =	ssyncadd.s32 $0xFFFFD900;
	s9 =	sshrl.u32 @!p0 s18, $0x3  }
0xfb: {  	[hbm:s11], [sflag:s3] =	dma.local @!p0 [spmem:s9], $0x100  }
0xfc: {  	s3 =	simm.s32 @!p0 $0x3  }
0xfd: {  	_ =	swait.ge @!p0 [sflag:s3], $0x100  }
0xfe: {  	s16 =	rddreg [dreg:$0x4]  }
0xff: {  	s22 =	rddreg [dreg:$0xa];
	s16 =	sadd.s32 $0x1, s16  }
0x100: {  	p1 =	sne.s32 s16, s22  }
.Ltmp7:
0x101: {  	_ = 	snop;
	(pc) =	sbr.rel @p1 .LBB2_1-.Ltmp7, $3  }
0x102: {  	_ =	sdelay $0x1  }
0x103: {  	[sflag:s3] =	ssyncset.done @!p0 $0x0  }
0x104: {  	[sflag:s3] =	ssyncadd.s32 @!p0 $0xFFFFFF00  }
0x105: {  	_ =	sfence.sel $0x180000  }
0x106: {  	[bflag:$0x0] =	sbarrier.arrive $0xFFFF  }
0x107: {  	_ =	strace $0x9000004D  }
0x108: {  	[bflag:$0x2] =	sbarrier.arrive $0xFFFF  }
0x109: {  	s0 =	rddreg [dreg:$0x3]  }
0x10a: {  	s0 =	sadd.s32 @!p0 $0x100000, s0  }
0x10b: {  	[sflag:s0] =	ssyncadd.tile.s32 @!p0 $0x1;
	_ =	shalt  }
.Lfunc_end2:
_tile_overlayer_lowered:
.L_overlay_start_2:
0x10c: {  	(tag) =	ssettag $0x2  }
0x10d: {  	s0 =	rddreg [dreg:$0x0];
	s2 =	stileid.u32  }
0x10e: {  	s1 =	rddreg [dreg:$0x1];
	p0 =	sne.s32 s2, $0x0  }
0x10f: {  	s3 =	rddreg [dreg:$0x2];
	[bflag:$0x3] =	sbarrier.arrive $0xFFFF;
	s2 =	simm.s32 @!p0 $0x1C03  }
0x110: {  	[timem:s3], [sflag:s2] =	dma.local @!p0 [hbm:s0], s1  }
0x111: {  	s0 =	simm.s32 @!p0 $0x3  }
0x112: {  	_ =	swait.ge @!p0 [sflag:s0], s1  }
0x113: {  	s1 =	ssub.s32 @!p0 $0x0, s1;
	[sflag:s0] =	ssyncset.done @!p0 $0x0  }
0x114: {  	[sflag:s0] =	ssyncadd.s32 @!p0 s1  }
0x115: {  	[bflag:$0x3] =	sbarrier.arrive $0xFFFF  }
0x116: {  	_ =	shalt  }

</sc_bundles>
